<compile_context>
chip_gen: v7x
topology: tpu7x:2x2x1
jax: 0.10.2.dev20260603
libtpu: 0.0.44.dev20260713+nightly
codegen_flags: <defaults>
</compile_context>

<pallas_src>
import functools

import jax
import jax.numpy as jnp
from jax import lax
from jax.experimental import pallas as pl
from jax.experimental.pallas import tpu as pltpu
from jax.experimental.pallas import tpu_sc as plsc

N = 5000
E = 80000
F_IN = 256
H = 128
O = 96
OP = 128

NC = 2
NS = 16
CLEN = 128
_DEPTH = 2
_CG = -(-E // CLEN)
CH = -(-(-(-_CG // NS)) // _DEPTH) * _DEPTH
CGP = NS * CH
EPAD = CGP * CLEN
NPAD = -(-N // (NS * 8)) * NS * 8
RPT = NPAD // NS

BR = 1000
NBLK = N // BR



def _seg_body(q_hbm, src_hbm, dst_hbm, zero_hbm, out_hbm, idx_s, idx_d,
              *rest):
    rows = list(rest[:_DEPTH])
    acc = rest[_DEPTH]
    q_sp = rest[_DEPTH + 1]
    zsem = rest[_DEPTH + 2]
    gsem = list(rest[_DEPTH + 3:2 * _DEPTH + 3])
    ssem = list(rest[2 * _DEPTH + 3:])
    rows0 = rows[0]
    c = lax.axis_index("c")
    s = lax.axis_index("s")

    pltpu.sync_copy(src_hbm.at[c, s], idx_s)
    pltpu.sync_copy(dst_hbm.at[c, s], idx_d)

    pltpu.sync_copy(zero_hbm, rows0)
    full, rem = divmod(RPT, CLEN)
    for b in range(full):
        pltpu.async_copy(rows0, acc.at[pl.ds(s * RPT + b * CLEN, CLEN)], zsem)
    if rem:
        pltpu.async_copy(rows0.at[pl.ds(0, rem)],
                         acc.at[pl.ds(s * RPT + full * CLEN, rem)], zsem)
    REM = N - (NS - 1) * RPT

    @pl.when(s < NS - 1)
    def _():
        pltpu.sync_copy(q_hbm.at[pl.ds(c * N + s * RPT, RPT)],
                        q_sp.at[pl.ds(s * RPT, RPT)])

    @pl.when(s == NS - 1)
    def _():
        pltpu.sync_copy(q_hbm.at[pl.ds(c * N + (NS - 1) * RPT, REM)],
                        q_sp.at[pl.ds((NS - 1) * RPT, REM)])

    for b in range(full):
        pltpu.make_async_copy(
            rows0, acc.at[pl.ds(s * RPT + b * CLEN, CLEN)], zsem).wait()
    if rem:
        pltpu.make_async_copy(
            rows0.at[pl.ds(0, rem)],
            acc.at[pl.ds(s * RPT + full * CLEN, rem)], zsem).wait()
    plsc.subcore_barrier()

    def _gather(j, b):
        return pltpu.async_copy(q_sp.at[idx_s.at[j]], rows[b], gsem[b])

    def _gather_wait(j, b):
        pltpu.make_async_copy(q_sp.at[idx_s.at[j]], rows[b], gsem[b]).wait()

    def _scatter(j, b):
        return pltpu.async_copy(rows[b], acc.at[idx_d.at[j]], ssem[b],
                                add=True)

    def _scatter_wait(j, b):
        pltpu.make_async_copy(rows[b], acc.at[idx_d.at[j]], ssem[b]).wait()

    for k in range(_DEPTH - 1):
        _gather(k, k)
    _gather_wait(0, 0)
    _scatter(0, 0)
    _gather(_DEPTH - 1, _DEPTH - 1)

    def _step(t, carry):
        j0 = 1 + t * _DEPTH
        for u in range(_DEPTH):
            j = j0 + u
            b = (1 + u) % _DEPTH
            bn = u % _DEPTH
            _gather_wait(j, b)
            _scatter(j, b)
            _scatter_wait(j - 1, bn)
            _gather(j + _DEPTH - 1, bn)
        return carry

    nsteps = (CH - _DEPTH) // _DEPTH
    lax.fori_loop(0, nsteps, _step, 0)
    for j in range(CH - _DEPTH + 1, CH):
        _gather_wait(j, j % _DEPTH)
        _scatter(j, j % _DEPTH)
    for j in range(CH - _DEPTH, CH):
        _scatter_wait(j, j % _DEPTH)

    plsc.subcore_barrier()
    pltpu.sync_copy(acc.at[pl.ds(s * RPT, RPT)],
                    out_hbm.at[c, pl.ds(s * RPT, RPT)])


@functools.cache
def _make_segment_sum_sc(F):
    mesh = plsc.VectorSubcoreMesh(core_axis_name="c", subcore_axis_name="s")
    return functools.partial(
        pl.kernel,
        out_type=jax.ShapeDtypeStruct((NC, NPAD, F), jnp.float32),
        mesh=mesh,
        scratch_types=(
            [pltpu.VMEM((CH, CLEN), jnp.int32)] * 2
            + [pltpu.VMEM((CLEN, F), jnp.float32)] * _DEPTH
            + [pltpu.VMEM_SHARED((NPAD, F), jnp.float32),
               pltpu.VMEM_SHARED((N, F), jnp.float32)]
            + [pltpu.SemaphoreType.DMA] * (2 * _DEPTH + 1)
        ),
    )(_seg_body)


def _segment_sum_sc(q, src4d, dst4d, zeros, F):
    return _make_segment_sum_sc(F)(q, src4d, dst4d, zeros)



def _mm0_body(x_ref, ws_ref, wn_ref, b_ref, p_ref, q_ref):
    x = x_ref[...]
    p_ref[...] = (jnp.dot(x, ws_ref[...], preferred_element_type=jnp.float32)
                  + b_ref[...])
    q_ref[...] = jnp.dot(x, wn_ref[...], preferred_element_type=jnp.float32)


def _mid_body(p_ref, s_ref, ws_ref, wn_ref, b_ref, po_ref, qo_ref):
    h = jnp.maximum(p_ref[...] + s_ref[0], 0.0)
    po_ref[...] = (jnp.dot(h, ws_ref[...], preferred_element_type=jnp.float32)
                   + b_ref[...])
    qo_ref[...] = jnp.dot(h, wn_ref[...], preferred_element_type=jnp.float32)


def _fin_body(p_ref, s_ref, h_ref, g_ref):
    h = jnp.maximum(p_ref[...] + s_ref[0], 0.0)
    h_ref[...] = h
    col = jnp.sum(h, axis=0, keepdims=True)
    i = pl.program_id(0)

    @pl.when(i == 0)
    def _():
        g_ref[...] = jnp.zeros((2, OP), jnp.float32)

    row = jax.lax.broadcasted_iota(jnp.int32, (2, OP), 0)
    g_ref[...] = g_ref[...] + jnp.where(row == i // NBLK, col, 0.0)


def _attn_body(hs_ref, ht_ref, o_ref):
    sc = jax.lax.dot_general(hs_ref[...], ht_ref[...],
                             (((1,), (1,)), ((), ())),
                             preferred_element_type=jnp.float32)
    sc = sc * (1.0 / (O ** 0.5))
    m = jnp.max(sc, axis=-1, keepdims=True)
    e = jnp.exp(sc - m)
    o_ref[...] = e / jnp.sum(e, axis=-1, keepdims=True)


def _head_body(g_ref, wa_ref, wb_ref, b1_ref, w2_ref, b2_ref, sim_ref, lg_ref):
    g = g_ref[...] * (1.0 / N)
    gs = g[0:1, :]
    gt = g[1:2, :]
    z = jnp.maximum(
        jnp.dot(gs, wa_ref[...], preferred_element_type=jnp.float32)
        + jnp.dot(gt, wb_ref[...], preferred_element_type=jnp.float32)
        + b1_ref[...], 0.0)
    lg_ref[...] = (jnp.dot(z, w2_ref[...], preferred_element_type=jnp.float32)
                   + b2_ref[...])
    num = jnp.sum(gs * gt, axis=1, keepdims=True)
    ns = jnp.sqrt(jnp.sum(gs * gs, axis=1, keepdims=True))
    nt = jnp.sqrt(jnp.sum(gt * gt, axis=1, keepdims=True))
    sim_ref[...] = num / (ns * nt + 1e-8)


def _full(shape):
    return pl.BlockSpec(shape, lambda i: tuple(0 for _ in shape))


def _mm0(x2, Ws, Wn, b):
    return pl.pallas_call(
        _mm0_body,
        grid=(2 * NBLK,),
        in_specs=[pl.BlockSpec((BR, F_IN), lambda i: (i, 0)),
                  _full((F_IN, H)), _full((F_IN, H)), _full((1, H))],
        out_specs=[pl.BlockSpec((BR, H), lambda i: (i, 0)),
                   pl.BlockSpec((BR, H), lambda i: (i, 0))],
        out_shape=[jax.ShapeDtypeStruct((2 * N, H), jnp.float32)] * 2,
    )(x2, Ws, Wn, b.reshape(1, H))


def _mm_mid(p, seg, Ws, Wn, b, F_in, F_out):
    return pl.pallas_call(
        _mid_body,
        grid=(2 * NBLK,),
        in_specs=[pl.BlockSpec((BR, F_in), lambda i: (i, 0)),
                  pl.BlockSpec((1, BR, F_in),
                               lambda i: (i // NBLK, i % NBLK, 0)),
                  _full((F_in, F_out)), _full((F_in, F_out)),
                  _full((1, F_out))],
        out_specs=[pl.BlockSpec((BR, F_out), lambda i: (i, 0)),
                   pl.BlockSpec((BR, F_out), lambda i: (i, 0))],
        out_shape=[jax.ShapeDtypeStruct((2 * N, F_out), jnp.float32)] * 2,
    )(p, seg, Ws, Wn, b.reshape(1, F_out))


def _finalize(p, seg):
    return pl.pallas_call(
        _fin_body,
        grid=(2 * NBLK,),
        in_specs=[pl.BlockSpec((BR, OP), lambda i: (i, 0)),
                  pl.BlockSpec((1, BR, OP),
                               lambda i: (i // NBLK, i % NBLK, 0))],
        out_specs=[pl.BlockSpec((BR, OP), lambda i: (i, 0)),
                   pl.BlockSpec((2, OP), lambda i: (0, 0))],
        out_shape=[jax.ShapeDtypeStruct((2 * N, OP), jnp.float32),
                   jax.ShapeDtypeStruct((2, OP), jnp.float32)],
    )(p, seg)


BR_AT = 200


def _attention(h):
    return pl.pallas_call(
        _attn_body,
        grid=(N // BR_AT,),
        in_specs=[pl.BlockSpec((BR_AT, OP), lambda i: (i, 0)),
                  pl.BlockSpec((N, OP), lambda i: (1, 0))],
        out_specs=pl.BlockSpec((BR_AT, N), lambda i: (i, 0)),
        out_shape=jax.ShapeDtypeStruct((N, N), jnp.float32),
    )(h, h)


def _head(gsum, Wc1, bc1, Wc2, bc2):
    pad = ((0, OP - O), (0, 0))
    return pl.pallas_call(
        _head_body,
        out_shape=[jax.ShapeDtypeStruct((1, 1), jnp.float32),
                   jax.ShapeDtypeStruct((1, 4), jnp.float32)],
    )(gsum, jnp.pad(Wc1[:O], pad), jnp.pad(Wc1[O:], pad),
      bc1.reshape(1, H), Wc2, bc2.reshape(1, 4))



def kernel(x_s, edge_index_s, x_t, edge_index_t,
           W0s, W0n, b0, W1s, W1n, b1, W2s, W2n, b2,
           Wc1, bc1, Wc2, bc2):
    x2 = jnp.concatenate([x_s, x_t], axis=0)

    def _prep(edge_index):
        src = edge_index[0].astype(jnp.int32)
        dst = edge_index[1].astype(jnp.int32)
        src_p = jnp.concatenate([src, jnp.zeros((EPAD - E,), jnp.int32)])
        dst_p = jnp.concatenate([dst, jnp.full((EPAD - E,), N, jnp.int32)])
        return src_p.reshape(NS, CH, CLEN), dst_p.reshape(NS, CH, CLEN)

    ss, ds = _prep(edge_index_s)
    st, dt = _prep(edge_index_t)
    src4d = jnp.stack([ss, st])
    dst4d = jnp.stack([ds, dt])

    zeros = jnp.zeros((CLEN, H), jnp.float32)
    wpad = ((0, 0), (0, OP - O))
    p0, q0 = _mm0(x2, W0s, W0n, b0)
    seg0 = _segment_sum_sc(q0, src4d, dst4d, zeros, H)
    p1, q1 = _mm_mid(p0, seg0, W1s, W1n, b1, H, H)
    seg1 = _segment_sum_sc(q1, src4d, dst4d, zeros, H)
    p2, q2 = _mm_mid(p1, seg1, jnp.pad(W2s, wpad), jnp.pad(W2n, wpad),
                     jnp.pad(b2, (0, OP - O)), H, OP)
    seg2 = _segment_sum_sc(q2, src4d, dst4d, zeros, OP)
    h, gsum = _finalize(p2, seg2)

    attn = _attention(h)
    sim, logits = _head(gsum, Wc1, bc1, Wc2, bc2)
    return sim.reshape(()), attn, logits.reshape(4)

# --- scband reference (transcript-rebuilt; emitter-appended) ---
"""Pipeline reference for scband-code-clone-detection-5093831213635 (READ-ONLY COPY).

The authoritative reference and input builder live on the scoring server;
editing this copy changes nothing except your own understanding.
"""

import jax, jax.numpy as jnp
import numpy as np

N, E, F_IN, H, O = 5000, 80000, 256, 128, 96


def _encode(x, edge_index, layers):
    src = edge_index[0]
    dst = edge_index[1]
    h = x
    for (Ws, Wn, b) in layers:
        neigh = jax.ops.segment_sum(h[src], dst, num_segments=h.shape[0])
        h = jax.nn.relu(h @ Ws + neigh @ Wn + b)
    return h


def setup_inputs(seed: int = 0) -> dict:
    key = jax.random.key(seed)
    ks = jax.random.split(key, 18)
    x_s = jax.random.normal(ks[0], (N, F_IN), dtype=jnp.float32)
    x_t = jax.random.normal(ks[1], (N, F_IN), dtype=jnp.float32)
    edge_index_s = jax.random.randint(ks[2], (2, E), 0, N, dtype=jnp.int64)
    edge_index_t = jax.random.randint(ks[3], (2, E), 0, N, dtype=jnp.int64)
    def lin(k, fan_in, fan_out):
        return jax.random.normal(k, (fan_in, fan_out), dtype=jnp.float32) * (1.0 / np.sqrt(fan_in))
    params = {
        'W0s': lin(ks[4], F_IN, H), 'W0n': lin(ks[5], F_IN, H), 'b0': jnp.zeros((H,), jnp.float32),
        'W1s': lin(ks[6], H, H),    'W1n': lin(ks[7], H, H),    'b1': jnp.zeros((H,), jnp.float32),
        'W2s': lin(ks[8], H, O),    'W2n': lin(ks[9], H, O),    'b2': jnp.zeros((O,), jnp.float32),
        'Wc1': lin(ks[10], 2 * O, H), 'bc1': jnp.zeros((H,), jnp.float32),
        'Wc2': lin(ks[11], H, 4),     'bc2': jnp.zeros((4,), jnp.float32),
    }
    return {'x_s': x_s, 'edge_index_s': edge_index_s, 'x_t': x_t, 'edge_index_t': edge_index_t, **params}


def reference(x_s, edge_index_s, x_t, edge_index_t,
              W0s, W0n, b0, W1s, W1n, b1, W2s, W2n, b2,
              Wc1, bc1, Wc2, bc2):
    layers = [(W0s, W0n, b0), (W1s, W1n, b1), (W2s, W2n, b2)]
    h_s = _encode(x_s, edge_index_s, layers)
    h_t = _encode(x_t, edge_index_t, layers)
    # cross-graph node attention (GraphMatcher)
    attn = jax.nn.softmax((h_s @ h_t.T) / jnp.sqrt(jnp.float32(O)), axis=-1)
    g_s = jnp.mean(h_s, axis=0)
    g_t = jnp.mean(h_t, axis=0)
    graph_embedding = jnp.concatenate([g_s, g_t], axis=0)  # aggregation='cat'
    eps = 1e-8
    similarity = jnp.dot(g_s, g_t) / (jnp.linalg.norm(g_s) * jnp.linalg.norm(g_t) + eps)
    clone_logits = jax.nn.relu(graph_embedding @ Wc1 + bc1) @ Wc2 + bc2
    return similarity, attn, clone_logits

if __name__ == "__main__":
    import jax
    _d = setup_inputs()
    print(jax.jit(kernel)(*tuple(_d.values())))

</pallas_src>

<mosaic_0001>
#map = affine_map<(d0, d1) -> (0, 0)>
#map1 = affine_map<(d0, d1) -> (0, 0, 0, 0)>
#map2 = affine_map<(d0, d1) -> (0, 0, 0)>
module attributes {stable_mosaic.version = 14 : i64} {
  func.func @_seg_body(%arg0: i32, %arg1: i32, %arg2: memref<10000x128xf32, #tpu.memory_space<hbm>>, %arg3: memref<2x16x40x128xi32, #tpu.memory_space<hbm>>, %arg4: memref<2x16x40x128xi32, #tpu.memory_space<hbm>>, %arg5: memref<128x128xf32, #tpu.memory_space<hbm>>, %arg6: memref<2x5120x128xf32, #tpu.memory_space<hbm>>, %arg7: memref<40x128xi32, #tpu.memory_space<vmem>>, %arg8: memref<40x128xi32, #tpu.memory_space<vmem>>, %arg9: memref<128x128xf32, #tpu.memory_space<vmem>>, %arg10: memref<128x128xf32, #tpu.memory_space<vmem>>, %arg11: memref<5120x128xf32, #tpu.memory_space<vmem_shared>>, %arg12: memref<5000x128xf32, #tpu.memory_space<vmem_shared>>, %arg13: memref<!tpu.dma_semaphore, #tpu.memory_space<semaphore_mem>>, %arg14: memref<!tpu.dma_semaphore, #tpu.memory_space<semaphore_mem>>, %arg15: memref<!tpu.dma_semaphore, #tpu.memory_space<semaphore_mem>>, %arg16: memref<!tpu.dma_semaphore, #tpu.memory_space<semaphore_mem>>, %arg17: memref<!tpu.dma_semaphore, #tpu.memory_space<semaphore_mem>>) attributes {dimension_semantics = [#tpu.dimension_semantics<core_parallel>, #tpu.dimension_semantics<subcore_parallel>], iteration_bounds = array<i64: 2, 16>, scalar_prefetch = 0 : i64, scratch_operands = 11 : i64, tpu.core_type = #tpu.core_type<sc_vector_subcore>, window_params = [{transform_indices = #map}, {transform_indices = #map1}, {transform_indices = #map1}, {transform_indices = #map}, {transform_indices = #map2}]} {
    "tpu.region"() ({
      %run_scoped3A = tpu.sem_alloc : memref<!tpu.dma_semaphore, #tpu.memory_space<semaphore_mem>>
      %dma_start3A_128 = arith.constant 0 : i32
      %dma_start3A_129 = arith.constant 0 : i32
      %dma_start3A_130 = tpu.memref_slice %arg3[%arg0, %arg1, %dma_start3A_128, %dma_start3A_129] : memref<2x16x40x128xi32, #tpu.memory_space<hbm>> -> memref<1x1x40x128xi32, #tpu.memory_space<hbm>>
      %dma_start3A_131 = tpu.memref_squeeze %dma_start3A_130 : memref<1x1x40x128xi32, #tpu.memory_space<hbm>> -> memref<40x128xi32, #tpu.memory_space<hbm>>
      %dma_start3A_132 = arith.constant 0 : i32
      %dma_start3A_133 = arith.constant 0 : i32
      %dma_start3A_134 = tpu.memref_slice %arg3[%arg0, %arg1, %dma_start3A_132, %dma_start3A_133] : memref<2x16x40x128xi32, #tpu.memory_space<hbm>> -> memref<1x1x40x128xi32, #tpu.memory_space<hbm>>
      %dma_start3A_135 = tpu.memref_squeeze %dma_start3A_134 : memref<1x1x40x128xi32, #tpu.memory_space<hbm>> -> memref<40x128xi32, #tpu.memory_space<hbm>>
      tpu.enqueue_dma source(%dma_start3A_135 : memref<40x128xi32, #tpu.memory_space<hbm>>) target(%arg7 : memref<40x128xi32, #tpu.memory_space<vmem>>) target_semaphore(%run_scoped3A : memref<!tpu.dma_semaphore, #tpu.memory_space<semaphore_mem>>)
      %dma_wait3A_136 = arith.constant 0 : i32
      %dma_wait3A_137 = arith.constant 0 : i32
      %dma_wait3A_138 = tpu.memref_slice %arg3[%arg0, %arg1, %dma_wait3A_136, %dma_wait3A_137] : memref<2x16x40x128xi32, #tpu.memory_space<hbm>> -> memref<1x1x40x128xi32, #tpu.memory_space<hbm>>
      %dma_wait3A_139 = tpu.memref_squeeze %dma_wait3A_138 : memref<1x1x40x128xi32, #tpu.memory_space<hbm>> -> memref<40x128xi32, #tpu.memory_space<hbm>>
      %dma_wait3A_140 = arith.constant 0 : i32
      %dma_wait3A_141 = arith.constant 0 : i32
      %dma_wait3A_142 = tpu.memref_slice %arg3[%arg0, %arg1, %dma_wait3A_140, %dma_wait3A_141] : memref<2x16x40x128xi32, #tpu.memory_space<hbm>> -> memref<1x1x40x128xi32, #tpu.memory_space<hbm>>
      %dma_wait3A_143 = tpu.memref_squeeze %dma_wait3A_142 : memref<1x1x40x128xi32, #tpu.memory_space<hbm>> -> memref<40x128xi32, #tpu.memory_space<hbm>>
      tpu.wait_dma2 semaphore(%run_scoped3A : memref<!tpu.dma_semaphore, #tpu.memory_space<semaphore_mem>>) src(%dma_wait3A_143 : memref<40x128xi32, #tpu.memory_space<hbm>>) dst(%arg7 : memref<40x128xi32, #tpu.memory_space<vmem>>)
      tpu.yield
    }) : () -> ()
    "tpu.region"() ({
      %run_scoped3A = tpu.sem_alloc : memref<!tpu.dma_semaphore, #tpu.memory_space<semaphore_mem>>
      %dma_start3A_128 = arith.constant 0 : i32
      %dma_start3A_129 = arith.constant 0 : i32
      %dma_start3A_130 = tpu.memref_slice %arg4[%arg0, %arg1, %dma_start3A_128, %dma_start3A_129] : memref<2x16x40x128xi32, #tpu.memory_space<hbm>> -> memref<1x1x40x128xi32, #tpu.memory_space<hbm>>
      %dma_start3A_131 = tpu.memref_squeeze %dma_start3A_130 : memref<1x1x40x128xi32, #tpu.memory_space<hbm>> -> memref<40x128xi32, #tpu.memory_space<hbm>>
      %dma_start3A_132 = arith.constant 0 : i32
      %dma_start3A_133 = arith.constant 0 : i32
      %dma_start3A_134 = tpu.memref_slice %arg4[%arg0, %arg1, %dma_start3A_132, %dma_start3A_133] : memref<2x16x40x128xi32, #tpu.memory_space<hbm>> -> memref<1x1x40x128xi32, #tpu.memory_space<hbm>>
      %dma_start3A_135 = tpu.memref_squeeze %dma_start3A_134 : memref<1x1x40x128xi32, #tpu.memory_space<hbm>> -> memref<40x128xi32, #tpu.memory_space<hbm>>
      tpu.enqueue_dma source(%dma_start3A_135 : memref<40x128xi32, #tpu.memory_space<hbm>>) target(%arg8 : memref<40x128xi32, #tpu.memory_space<vmem>>) target_semaphore(%run_scoped3A : memref<!tpu.dma_semaphore, #tpu.memory_space<semaphore_mem>>)
      %dma_wait3A_136 = arith.constant 0 : i32
      %dma_wait3A_137 = arith.constant 0 : i32
      %dma_wait3A_138 = tpu.memref_slice %arg4[%arg0, %arg1, %dma_wait3A_136, %dma_wait3A_137] : memref<2x16x40x128xi32, #tpu.memory_space<hbm>> -> memref<1x1x40x128xi32, #tpu.memory_space<hbm>>
      %dma_wait3A_139 = tpu.memref_squeeze %dma_wait3A_138 : memref<1x1x40x128xi32, #tpu.memory_space<hbm>> -> memref<40x128xi32, #tpu.memory_space<hbm>>
      %dma_wait3A_140 = arith.constant 0 : i32
      %dma_wait3A_141 = arith.constant 0 : i32
      %dma_wait3A_142 = tpu.memref_slice %arg4[%arg0, %arg1, %dma_wait3A_140, %dma_wait3A_141] : memref<2x16x40x128xi32, #tpu.memory_space<hbm>> -> memref<1x1x40x128xi32, #tpu.memory_space<hbm>>
      %dma_wait3A_143 = tpu.memref_squeeze %dma_wait3A_142 : memref<1x1x40x128xi32, #tpu.memory_space<hbm>> -> memref<40x128xi32, #tpu.memory_space<hbm>>
      tpu.wait_dma2 semaphore(%run_scoped3A : memref<!tpu.dma_semaphore, #tpu.memory_space<semaphore_mem>>) src(%dma_wait3A_143 : memref<40x128xi32, #tpu.memory_space<hbm>>) dst(%arg8 : memref<40x128xi32, #tpu.memory_space<vmem>>)
      tpu.yield
    }) : () -> ()
    "tpu.region"() ({
      %run_scoped3A = tpu.sem_alloc : memref<!tpu.dma_semaphore, #tpu.memory_space<semaphore_mem>>
      tpu.enqueue_dma source(%arg5 : memref<128x128xf32, #tpu.memory_space<hbm>>) target(%arg9 : memref<128x128xf32, #tpu.memory_space<vmem>>) target_semaphore(%run_scoped3A : memref<!tpu.dma_semaphore, #tpu.memory_space<semaphore_mem>>)
      tpu.wait_dma2 semaphore(%run_scoped3A : memref<!tpu.dma_semaphore, #tpu.memory_space<semaphore_mem>>) src(%arg5 : memref<128x128xf32, #tpu.memory_space<hbm>>) dst(%arg9 : memref<128x128xf32, #tpu.memory_space<vmem>>)
      tpu.yield
    }) : () -> ()
    %mul3A = arith.constant 320 : i32
    %mul3A_0 = arith.muli %arg1, %mul3A : i32
    %add3A = arith.constant 0 : i32
    %add3A_1 = arith.addi %mul3A_0, %add3A : i32
    %dma_start3A = arith.constant 0 : i32
    %dma_start3A_2 = tpu.memref_slice %arg11[%add3A_1, %dma_start3A] : memref<5120x128xf32, #tpu.memory_space<vmem_shared>> -> memref<128x128xf32, #tpu.memory_space<vmem_shared>>
    %dma_start3A_3 = arith.constant 0 : i32
    %dma_start3A_4 = tpu.memref_slice %arg11[%add3A_1, %dma_start3A_3] : memref<5120x128xf32, #tpu.memory_space<vmem_shared>> -> memref<128x128xf32, #tpu.memory_space<vmem_shared>>
    tpu.enqueue_dma source(%arg9 : memref<128x128xf32, #tpu.memory_space<vmem>>) target(%dma_start3A_4 : memref<128x128xf32, #tpu.memory_space<vmem_shared>>) target_semaphore(%arg13 : memref<!tpu.dma_semaphore, #tpu.memory_space<semaphore_mem>>)
    %mul3A_5 = arith.constant 320 : i32
    %mul3A_6 = arith.muli %arg1, %mul3A_5 : i32
    %add3A_7 = arith.constant 128 : i32
    %add3A_8 = arith.addi %mul3A_6, %add3A_7 : i32
    %dma_start3A_9 = arith.constant 0 : i32
    %dma_start3A_10 = tpu.memref_slice %arg11[%add3A_8, %dma_start3A_9] : memref<5120x128xf32, #tpu.memory_space<vmem_shared>> -> memref<128x128xf32, #tpu.memory_space<vmem_shared>>
    %dma_start3A_11 = arith.constant 0 : i32
    %dma_start3A_12 = tpu.memref_slice %arg11[%add3A_8, %dma_start3A_11] : memref<5120x128xf32, #tpu.memory_space<vmem_shared>> -> memref<128x128xf32, #tpu.memory_space<vmem_shared>>
    tpu.enqueue_dma source(%arg9 : memref<128x128xf32, #tpu.memory_space<vmem>>) target(%dma_start3A_12 : memref<128x128xf32, #tpu.memory_space<vmem_shared>>) target_semaphore(%arg13 : memref<!tpu.dma_semaphore, #tpu.memory_space<semaphore_mem>>)
    %mul3A_13 = arith.constant 320 : i32
    %mul3A_14 = arith.muli %arg1, %mul3A_13 : i32
    %add3A_15 = arith.constant 256 : i32
    %add3A_16 = arith.addi %mul3A_14, %add3A_15 : i32
    %dma_start3A_17 = arith.constant 0 : i32
    %dma_start3A_18 = arith.constant 0 : i32
    %dma_start3A_19 = tpu.memref_slice %arg9[%dma_start3A_17, %dma_start3A_18] : memref<128x128xf32, #tpu.memory_space<vmem>> -> memref<64x128xf32, #tpu.memory_space<vmem>>
    %dma_start3A_20 = arith.constant 0 : i32
    %dma_start3A_21 = tpu.memref_slice %arg11[%add3A_16, %dma_start3A_20] : memref<5120x128xf32, #tpu.memory_space<vmem_shared>> -> memref<64x128xf32, #tpu.memory_space<vmem_shared>>
    %dma_start3A_22 = arith.constant 0 : i32
    %dma_start3A_23 = tpu.memref_slice %arg11[%add3A_16, %dma_start3A_22] : memref<5120x128xf32, #tpu.memory_space<vmem_shared>> -> memref<64x128xf32, #tpu.memory_space<vmem_shared>>
    %dma_start3A_24 = arith.constant 0 : i32
    %dma_start3A_25 = arith.constant 0 : i32
    %dma_start3A_26 = tpu.memref_slice %arg9[%dma_start3A_24, %dma_start3A_25] : memref<128x128xf32, #tpu.memory_space<vmem>> -> memref<64x128xf32, #tpu.memory_space<vmem>>
    tpu.enqueue_dma source(%dma_start3A_26 : memref<64x128xf32, #tpu.memory_space<vmem>>) target(%dma_start3A_23 : memref<64x128xf32, #tpu.memory_space<vmem_shared>>) target_semaphore(%arg13 : memref<!tpu.dma_semaphore, #tpu.memory_space<semaphore_mem>>)
    %lt3A = arith.constant 15 : i32
    %lt3A_27 = arith.cmpi slt, %arg1, %lt3A : i32
    %convert_element_type3A = arith.extui %lt3A_27 : i1 to i32
    %cond3A = arith.constant 0 : i32
    %cond3A_28 = arith.cmpi ne, %convert_element_type3A, %cond3A : i32
    scf.if %cond3A_28 {
      %mul3A_128 = arith.constant 5000 : i32
      %mul3A_129 = arith.muli %arg0, %mul3A_128 : i32
      %mul3A_130 = arith.constant 320 : i32
      %mul3A_131 = arith.muli %arg1, %mul3A_130 : i32
      %add3A_132 = arith.addi %mul3A_129, %mul3A_131 : i32
      %mul3A_133 = arith.constant 320 : i32
      %mul3A_134 = arith.muli %arg1, %mul3A_133 : i32
      "tpu.region"() ({
        %run_scoped3A = tpu.sem_alloc : memref<!tpu.dma_semaphore, #tpu.memory_space<semaphore_mem>>
        %dma_start3A_135 = arith.constant 0 : i32
        %dma_start3A_136 = tpu.memref_slice %arg12[%mul3A_134, %dma_start3A_135] : memref<5000x128xf32, #tpu.memory_space<vmem_shared>> -> memref<320x128xf32, #tpu.memory_space<vmem_shared>>
        %dma_start3A_137 = arith.constant 0 : i32
        %dma_start3A_138 = tpu.memref_slice %arg2[%add3A_132, %dma_start3A_137] : memref<10000x128xf32, #tpu.memory_space<hbm>> -> memref<320x128xf32, #tpu.memory_space<hbm>>
        tpu.enqueue_dma source(%dma_start3A_138 : memref<320x128xf32, #tpu.memory_space<hbm>>) target(%dma_start3A_136 : memref<320x128xf32, #tpu.memory_space<vmem_shared>>) target_semaphore(%run_scoped3A : memref<!tpu.dma_semaphore, #tpu.memory_space<semaphore_mem>>)
        %dma_wait3A_139 = arith.constant 0 : i32
        %dma_wait3A_140 = tpu.memref_slice %arg12[%mul3A_134, %dma_wait3A_139] : memref<5000x128xf32, #tpu.memory_space<vmem_shared>> -> memref<320x128xf32, #tpu.memory_space<vmem_shared>>
        %dma_wait3A_141 = arith.constant 0 : i32
        %dma_wait3A_142 = tpu.memref_slice %arg2[%add3A_132, %dma_wait3A_141] : memref<10000x128xf32, #tpu.memory_space<hbm>> -> memref<320x128xf32, #tpu.memory_space<hbm>>
        tpu.wait_dma2 semaphore(%run_scoped3A : memref<!tpu.dma_semaphore, #tpu.memory_space<semaphore_mem>>) src(%dma_wait3A_142 : memref<320x128xf32, #tpu.memory_space<hbm>>) dst(%dma_wait3A_140 : memref<320x128xf32, #tpu.memory_space<vmem_shared>>)
        tpu.yield
      }) : () -> ()
    } else {
    }
    %eq3A = arith.constant 15 : i32
    %eq3A_29 = arith.cmpi eq, %arg1, %eq3A : i32
    %convert_element_type3A_30 = arith.extui %eq3A_29 : i1 to i32
    %cond3A_31 = arith.constant 0 : i32
    %cond3A_32 = arith.cmpi ne, %convert_element_type3A_30, %cond3A_31 : i32
    scf.if %cond3A_32 {
      %mul3A_128 = arith.constant 5000 : i32
      %mul3A_129 = arith.muli %arg0, %mul3A_128 : i32
      %add3A_130 = arith.constant 4800 : i32
      %add3A_131 = arith.addi %mul3A_129, %add3A_130 : i32
      "tpu.region"() ({
        %run_scoped3A = tpu.sem_alloc : memref<!tpu.dma_semaphore, #tpu.memory_space<semaphore_mem>>
        %dma_start3A_132 = arith.constant 4800 : i32
        %dma_start3A_133 = arith.constant 0 : i32
        %dma_start3A_134 = tpu.memref_slice %arg12[%dma_start3A_132, %dma_start3A_133] : memref<5000x128xf32, #tpu.memory_space<vmem_shared>> -> memref<200x128xf32, #tpu.memory_space<vmem_shared>>
        %dma_start3A_135 = arith.constant 0 : i32
        %dma_start3A_136 = tpu.memref_slice %arg2[%add3A_131, %dma_start3A_135] : memref<10000x128xf32, #tpu.memory_space<hbm>> -> memref<200x128xf32, #tpu.memory_space<hbm>>
        tpu.enqueue_dma source(%dma_start3A_136 : memref<200x128xf32, #tpu.memory_space<hbm>>) target(%dma_start3A_134 : memref<200x128xf32, #tpu.memory_space<vmem_shared>>) target_semaphore(%run_scoped3A : memref<!tpu.dma_semaphore, #tpu.memory_space<semaphore_mem>>)
        %dma_wait3A_137 = arith.constant 4800 : i32
        %dma_wait3A_138 = arith.constant 0 : i32
        %dma_wait3A_139 = tpu.memref_slice %arg12[%dma_wait3A_137, %dma_wait3A_138] : memref<5000x128xf32, #tpu.memory_space<vmem_shared>> -> memref<200x128xf32, #tpu.memory_space<vmem_shared>>
        %dma_wait3A_140 = arith.constant 0 : i32
        %dma_wait3A_141 = tpu.memref_slice %arg2[%add3A_131, %dma_wait3A_140] : memref<10000x128xf32, #tpu.memory_space<hbm>> -> memref<200x128xf32, #tpu.memory_space<hbm>>
        tpu.wait_dma2 semaphore(%run_scoped3A : memref<!tpu.dma_semaphore, #tpu.memory_space<semaphore_mem>>) src(%dma_wait3A_141 : memref<200x128xf32, #tpu.memory_space<hbm>>) dst(%dma_wait3A_139 : memref<200x128xf32, #tpu.memory_space<vmem_shared>>)
        tpu.yield
      }) : () -> ()
    } else {
    }
    %mul3A_33 = arith.constant 320 : i32
    %mul3A_34 = arith.muli %arg1, %mul3A_33 : i32
    %add3A_35 = arith.constant 0 : i32
    %add3A_36 = arith.addi %mul3A_34, %add3A_35 : i32
    %dma_wait3A = arith.constant 0 : i32
    %dma_wait3A_37 = tpu.memref_slice %arg11[%add3A_36, %dma_wait3A] : memref<5120x128xf32, #tpu.memory_space<vmem_shared>> -> memref<128x128xf32, #tpu.memory_space<vmem_shared>>
    %dma_wait3A_38 = arith.constant 0 : i32
    %dma_wait3A_39 = tpu.memref_slice %arg11[%add3A_36, %dma_wait3A_38] : memref<5120x128xf32, #tpu.memory_space<vmem_shared>> -> memref<128x128xf32, #tpu.memory_space<vmem_shared>>
    tpu.wait_dma2 semaphore(%arg13 : memref<!tpu.dma_semaphore, #tpu.memory_space<semaphore_mem>>) src(%arg9 : memref<128x128xf32, #tpu.memory_space<vmem>>) dst(%dma_wait3A_39 : memref<128x128xf32, #tpu.memory_space<vmem_shared>>)
    %mul3A_40 = arith.constant 320 : i32
    %mul3A_41 = arith.muli %arg1, %mul3A_40 : i32
    %add3A_42 = arith.constant 128 : i32
    %add3A_43 = arith.addi %mul3A_41, %add3A_42 : i32
    %dma_wait3A_44 = arith.constant 0 : i32
    %dma_wait3A_45 = tpu.memref_slice %arg11[%add3A_43, %dma_wait3A_44] : memref<5120x128xf32, #tpu.memory_space<vmem_shared>> -> memref<128x128xf32, #tpu.memory_space<vmem_shared>>
    %dma_wait3A_46 = arith.constant 0 : i32
    %dma_wait3A_47 = tpu.memref_slice %arg11[%add3A_43, %dma_wait3A_46] : memref<5120x128xf32, #tpu.memory_space<vmem_shared>> -> memref<128x128xf32, #tpu.memory_space<vmem_shared>>
    tpu.wait_dma2 semaphore(%arg13 : memref<!tpu.dma_semaphore, #tpu.memory_space<semaphore_mem>>) src(%arg9 : memref<128x128xf32, #tpu.memory_space<vmem>>) dst(%dma_wait3A_47 : memref<128x128xf32, #tpu.memory_space<vmem_shared>>)
    %mul3A_48 = arith.constant 320 : i32
    %mul3A_49 = arith.muli %arg1, %mul3A_48 : i32
    %add3A_50 = arith.constant 256 : i32
    %add3A_51 = arith.addi %mul3A_49, %add3A_50 : i32
    %dma_wait3A_52 = arith.constant 0 : i32
    %dma_wait3A_53 = arith.constant 0 : i32
    %dma_wait3A_54 = tpu.memref_slice %arg9[%dma_wait3A_52, %dma_wait3A_53] : memref<128x128xf32, #tpu.memory_space<vmem>> -> memref<64x128xf32, #tpu.memory_space<vmem>>
    %dma_wait3A_55 = arith.constant 0 : i32
    %dma_wait3A_56 = tpu.memref_slice %arg11[%add3A_51, %dma_wait3A_55] : memref<5120x128xf32, #tpu.memory_space<vmem_shared>> -> memref<64x128xf32, #tpu.memory_space<vmem_shared>>
    %dma_wait3A_57 = arith.constant 0 : i32
    %dma_wait3A_58 = tpu.memref_slice %arg11[%add3A_51, %dma_wait3A_57] : memref<5120x128xf32, #tpu.memory_space<vmem_shared>> -> memref<64x128xf32, #tpu.memory_space<vmem_shared>>
    %dma_wait3A_59 = arith.constant 0 : i32
    %dma_wait3A_60 = arith.constant 0 : i32
    %dma_wait3A_61 = tpu.memref_slice %arg9[%dma_wait3A_59, %dma_wait3A_60] : memref<128x128xf32, #tpu.memory_space<vmem>> -> memref<64x128xf32, #tpu.memory_space<vmem>>
    tpu.wait_dma2 semaphore(%arg13 : memref<!tpu.dma_semaphore, #tpu.memory_space<semaphore_mem>>) src(%dma_wait3A_61 : memref<64x128xf32, #tpu.memory_space<vmem>>) dst(%dma_wait3A_58 : memref<64x128xf32, #tpu.memory_space<vmem_shared>>)
    %barrier3A = arith.constant 0 : index
    tpu.barrier barrier_id(%barrier3A)
    %dma_start3A_62 = arith.constant 0 : i32
    %dma_start3A_63 = arith.constant 0 : i32
    %dma_start3A_64 = tpu.memref_slice %arg7[%dma_start3A_62, %dma_start3A_63] : memref<40x128xi32, #tpu.memory_space<vmem>> -> memref<1x128xi32, #tpu.memory_space<vmem>>
    %dma_start3A_65 = tpu.memref_squeeze %dma_start3A_64 : memref<1x128xi32, #tpu.memory_space<vmem>> -> memref<128xi32, #tpu.memory_space<vmem>>
    %dma_start3A_66 = arith.constant 0 : i32
    %dma_start3A_67 = arith.constant 0 : i32
    %dma_start3A_68 = tpu.memref_slice %arg12[%dma_start3A_66, %dma_start3A_67] : memref<5000x128xf32, #tpu.memory_space<vmem_shared>> -> memref<5000x128xf32, #tpu.memory_space<vmem_shared>>
    tpu.enqueue_indirect_dma source(%dma_start3A_68 : memref<5000x128xf32, #tpu.memory_space<vmem_shared>>) target(%arg9 : memref<128x128xf32, #tpu.memory_space<vmem>>) offsets(%dma_start3A_65 : memref<128xi32, #tpu.memory_space<vmem>>) semaphore(%arg14 : memref<!tpu.dma_semaphore, #tpu.memory_space<semaphore_mem>>)
    %dma_wait3A_69 = arith.constant 0 : i32
    %dma_wait3A_70 = arith.constant 0 : i32
    %dma_wait3A_71 = tpu.memref_slice %arg7[%dma_wait3A_69, %dma_wait3A_70] : memref<40x128xi32, #tpu.memory_space<vmem>> -> memref<1x128xi32, #tpu.memory_space<vmem>>
    %dma_wait3A_72 = tpu.memref_squeeze %dma_wait3A_71 : memref<1x128xi32, #tpu.memory_space<vmem>> -> memref<128xi32, #tpu.memory_space<vmem>>
    %dma_wait3A_73 = arith.constant 0 : i32
    %dma_wait3A_74 = arith.constant 0 : i32
    %dma_wait3A_75 = tpu.memref_slice %arg12[%dma_wait3A_73, %dma_wait3A_74] : memref<5000x128xf32, #tpu.memory_space<vmem_shared>> -> memref<5000x128xf32, #tpu.memory_space<vmem_shared>>
    tpu.wait_indirect_dma semaphore(%arg14 : memref<!tpu.dma_semaphore, #tpu.memory_space<semaphore_mem>>) src(%dma_wait3A_75 : memref<5000x128xf32, #tpu.memory_space<vmem_shared>>) dst(%arg9 : memref<128x128xf32, #tpu.memory_space<vmem>>)
    %dma_start3A_76 = arith.constant 0 : i32
    %dma_start3A_77 = arith.constant 0 : i32
    %dma_start3A_78 = tpu.memref_slice %arg8[%dma_start3A_76, %dma_start3A_77] : memref<40x128xi32, #tpu.memory_space<vmem>> -> memref<1x128xi32, #tpu.memory_space<vmem>>
    %dma_start3A_79 = tpu.memref_squeeze %dma_start3A_78 : memref<1x128xi32, #tpu.memory_space<vmem>> -> memref<128xi32, #tpu.memory_space<vmem>>
    %dma_start3A_80 = arith.constant 0 : i32
    %dma_start3A_81 = arith.constant 0 : i32
    %dma_start3A_82 = tpu.memref_slice %arg11[%dma_start3A_80, %dma_start3A_81] : memref<5120x128xf32, #tpu.memory_space<vmem_shared>> -> memref<5120x128xf32, #tpu.memory_space<vmem_shared>>
    tpu.enqueue_indirect_dma source(%arg9 : memref<128x128xf32, #tpu.memory_space<vmem>>) target(%dma_start3A_82 : memref<5120x128xf32, #tpu.memory_space<vmem_shared>>) offsets(%dma_start3A_79 : memref<128xi32, #tpu.memory_space<vmem>>) semaphore(%arg16 : memref<!tpu.dma_semaphore, #tpu.memory_space<semaphore_mem>>) {add = true}
    %dma_start3A_83 = arith.constant 1 : i32
    %dma_start3A_84 = arith.constant 0 : i32
    %dma_start3A_85 = tpu.memref_slice %arg7[%dma_start3A_83, %dma_start3A_84] : memref<40x128xi32, #tpu.memory_space<vmem>> -> memref<1x128xi32, #tpu.memory_space<vmem>>
    %dma_start3A_86 = tpu.memref_squeeze %dma_start3A_85 : memref<1x128xi32, #tpu.memory_space<vmem>> -> memref<128xi32, #tpu.memory_space<vmem>>
    %dma_start3A_87 = arith.constant 0 : i32
    %dma_start3A_88 = arith.constant 0 : i32
    %dma_start3A_89 = tpu.memref_slice %arg12[%dma_start3A_87, %dma_start3A_88] : memref<5000x128xf32, #tpu.memory_space<vmem_shared>> -> memref<5000x128xf32, #tpu.memory_space<vmem_shared>>
    tpu.enqueue_indirect_dma source(%dma_start3A_89 : memref<5000x128xf32, #tpu.memory_space<vmem_shared>>) target(%arg10 : memref<128x128xf32, #tpu.memory_space<vmem>>) offsets(%dma_start3A_86 : memref<128xi32, #tpu.memory_space<vmem>>) semaphore(%arg15 : memref<!tpu.dma_semaphore, #tpu.memory_space<semaphore_mem>>)
    %scan3A = arith.constant 0 : i32
    %scan3A_90 = arith.constant 0 : i32
    %scan3A_91 = arith.constant 19 : i32
    %scan3A_92 = arith.addi %scan3A_90, %scan3A_91 : i32
    %scan3A_93 = arith.constant 1 : i32
    scf.for %scan3A_128 = %scan3A_90 to %scan3A_92 step %scan3A_93  : i32 {
      %mul3A_129 = arith.constant 2 : i32
      %mul3A_130 = arith.muli %scan3A_128, %mul3A_129 : i32
      %add3A_131 = arith.constant 1 : i32
      %add3A_132 = arith.addi %add3A_131, %mul3A_130 : i32
      %add3A_133 = arith.constant 0 : i32
      %add3A_134 = arith.addi %add3A_132, %add3A_133 : i32
      %dma_wait3A_135 = arith.constant 0 : i32
      %dma_wait3A_136 = tpu.memref_slice %arg7[%add3A_134, %dma_wait3A_135] : memref<40x128xi32, #tpu.memory_space<vmem>> -> memref<1x128xi32, #tpu.memory_space<vmem>>
      %dma_wait3A_137 = tpu.memref_squeeze %dma_wait3A_136 : memref<1x128xi32, #tpu.memory_space<vmem>> -> memref<128xi32, #tpu.memory_space<vmem>>
      %dma_wait3A_138 = arith.constant 0 : i32
      %dma_wait3A_139 = arith.constant 0 : i32
      %dma_wait3A_140 = tpu.memref_slice %arg12[%dma_wait3A_138, %dma_wait3A_139] : memref<5000x128xf32, #tpu.memory_space<vmem_shared>> -> memref<5000x128xf32, #tpu.memory_space<vmem_shared>>
      tpu.wait_indirect_dma semaphore(%arg15 : memref<!tpu.dma_semaphore, #tpu.memory_space<semaphore_mem>>) src(%dma_wait3A_140 : memref<5000x128xf32, #tpu.memory_space<vmem_shared>>) dst(%arg10 : memref<128x128xf32, #tpu.memory_space<vmem>>)
      %dma_start3A_141 = arith.constant 0 : i32
      %dma_start3A_142 = tpu.memref_slice %arg8[%add3A_134, %dma_start3A_141] : memref<40x128xi32, #tpu.memory_space<vmem>> -> memref<1x128xi32, #tpu.memory_space<vmem>>
      %dma_start3A_143 = tpu.memref_squeeze %dma_start3A_142 : memref<1x128xi32, #tpu.memory_space<vmem>> -> memref<128xi32, #tpu.memory_space<vmem>>
      %dma_start3A_144 = arith.constant 0 : i32
      %dma_start3A_145 = arith.constant 0 : i32
      %dma_start3A_146 = tpu.memref_slice %arg11[%dma_start3A_144, %dma_start3A_145] : memref<5120x128xf32, #tpu.memory_space<vmem_shared>> -> memref<5120x128xf32, #tpu.memory_space<vmem_shared>>
      tpu.enqueue_indirect_dma source(%arg10 : memref<128x128xf32, #tpu.memory_space<vmem>>) target(%dma_start3A_146 : memref<5120x128xf32, #tpu.memory_space<vmem_shared>>) offsets(%dma_start3A_143 : memref<128xi32, #tpu.memory_space<vmem>>) semaphore(%arg17 : memref<!tpu.dma_semaphore, #tpu.memory_space<semaphore_mem>>) {add = true}
      %sub3A = arith.constant 1 : i32
      %sub3A_147 = arith.subi %add3A_134, %sub3A : i32
      %dma_wait3A_148 = arith.constant 0 : i32
      %dma_wait3A_149 = tpu.memref_slice %arg8[%sub3A_147, %dma_wait3A_148] : memref<40x128xi32, #tpu.memory_space<vmem>> -> memref<1x128xi32, #tpu.memory_space<vmem>>
      %dma_wait3A_150 = tpu.memref_squeeze %dma_wait3A_149 : memref<1x128xi32, #tpu.memory_space<vmem>> -> memref<128xi32, #tpu.memory_space<vmem>>
      %dma_wait3A_151 = arith.constant 0 : i32
      %dma_wait3A_152 = arith.constant 0 : i32
      %dma_wait3A_153 = tpu.memref_slice %arg11[%dma_wait3A_151, %dma_wait3A_152] : memref<5120x128xf32, #tpu.memory_space<vmem_shared>> -> memref<5120x128xf32, #tpu.memory_space<vmem_shared>>
      tpu.wait_indirect_dma semaphore(%arg16 : memref<!tpu.dma_semaphore, #tpu.memory_space<semaphore_mem>>) src(%arg9 : memref<128x128xf32, #tpu.memory_space<vmem>>) dst(%dma_wait3A_153 : memref<5120x128xf32, #tpu.memory_space<vmem_shared>>)
      %add3A_154 = arith.constant 2 : i32
      %add3A_155 = arith.addi %add3A_134, %add3A_154 : i32
      %sub3A_156 = arith.constant 1 : i32
      %sub3A_157 = arith.subi %add3A_155, %sub3A_156 : i32
      %dma_start3A_158 = arith.constant 0 : i32
      %dma_start3A_159 = tpu.memref_slice %arg7[%sub3A_157, %dma_start3A_158] : memref<40x128xi32, #tpu.memory_space<vmem>> -> memref<1x128xi32, #tpu.memory_space<vmem>>
      %dma_start3A_160 = tpu.memref_squeeze %dma_start3A_159 : memref<1x128xi32, #tpu.memory_space<vmem>> -> memref<128xi32, #tpu.memory_space<vmem>>
      %dma_start3A_161 = arith.constant 0 : i32
      %dma_start3A_162 = arith.constant 0 : i32
      %dma_start3A_163 = tpu.memref_slice %arg12[%dma_start3A_161, %dma_start3A_162] : memref<5000x128xf32, #tpu.memory_space<vmem_shared>> -> memref<5000x128xf32, #tpu.memory_space<vmem_shared>>
      tpu.enqueue_indirect_dma source(%dma_start3A_163 : memref<5000x128xf32, #tpu.memory_space<vmem_shared>>) target(%arg9 : memref<128x128xf32, #tpu.memory_space<vmem>>) offsets(%dma_start3A_160 : memref<128xi32, #tpu.memory_space<vmem>>) semaphore(%arg14 : memref<!tpu.dma_semaphore, #tpu.memory_space<semaphore_mem>>)
      %add3A_164 = arith.constant 1 : i32
      %add3A_165 = arith.addi %add3A_132, %add3A_164 : i32
      %dma_wait3A_166 = arith.constant 0 : i32
      %dma_wait3A_167 = tpu.memref_slice %arg7[%add3A_165, %dma_wait3A_166] : memref<40x128xi32, #tpu.memory_space<vmem>> -> memref<1x128xi32, #tpu.memory_space<vmem>>
      %dma_wait3A_168 = tpu.memref_squeeze %dma_wait3A_167 : memref<1x128xi32, #tpu.memory_space<vmem>> -> memref<128xi32, #tpu.memory_space<vmem>>
      %dma_wait3A_169 = arith.constant 0 : i32
      %dma_wait3A_170 = arith.constant 0 : i32
      %dma_wait3A_171 = tpu.memref_slice %arg12[%dma_wait3A_169, %dma_wait3A_170] : memref<5000x128xf32, #tpu.memory_space<vmem_shared>> -> memref<5000x128xf32, #tpu.memory_space<vmem_shared>>
      tpu.wait_indirect_dma semaphore(%arg14 : memref<!tpu.dma_semaphore, #tpu.memory_space<semaphore_mem>>) src(%dma_wait3A_171 : memref<5000x128xf32, #tpu.memory_space<vmem_shared>>) dst(%arg9 : memref<128x128xf32, #tpu.memory_space<vmem>>)
      %dma_start3A_172 = arith.constant 0 : i32
      %dma_start3A_173 = tpu.memref_slice %arg8[%add3A_165, %dma_start3A_172] : memref<40x128xi32, #tpu.memory_space<vmem>> -> memref<1x128xi32, #tpu.memory_space<vmem>>
      %dma_start3A_174 = tpu.memref_squeeze %dma_start3A_173 : memref<1x128xi32, #tpu.memory_space<vmem>> -> memref<128xi32, #tpu.memory_space<vmem>>
      %dma_start3A_175 = arith.constant 0 : i32
      %dma_start3A_176 = arith.constant 0 : i32
      %dma_start3A_177 = tpu.memref_slice %arg11[%dma_start3A_175, %dma_start3A_176] : memref<5120x128xf32, #tpu.memory_space<vmem_shared>> -> memref<5120x128xf32, #tpu.memory_space<vmem_shared>>
      tpu.enqueue_indirect_dma source(%arg9 : memref<128x128xf32, #tpu.memory_space<vmem>>) target(%dma_start3A_177 : memref<5120x128xf32, #tpu.memory_space<vmem_shared>>) offsets(%dma_start3A_174 : memref<128xi32, #tpu.memory_space<vmem>>) semaphore(%arg16 : memref<!tpu.dma_semaphore, #tpu.memory_space<semaphore_mem>>) {add = true}
      %sub3A_178 = arith.constant 1 : i32
      %sub3A_179 = arith.subi %add3A_165, %sub3A_178 : i32
      %dma_wait3A_180 = arith.constant 0 : i32
      %dma_wait3A_181 = tpu.memref_slice %arg8[%sub3A_179, %dma_wait3A_180] : memref<40x128xi32, #tpu.memory_space<vmem>> -> memref<1x128xi32, #tpu.memory_space<vmem>>
      %dma_wait3A_182 = tpu.memref_squeeze %dma_wait3A_181 : memref<1x128xi32, #tpu.memory_space<vmem>> -> memref<128xi32, #tpu.memory_space<vmem>>
      %dma_wait3A_183 = arith.constant 0 : i32
      %dma_wait3A_184 = arith.constant 0 : i32
      %dma_wait3A_185 = tpu.memref_slice %arg11[%dma_wait3A_183, %dma_wait3A_184] : memref<5120x128xf32, #tpu.memory_space<vmem_shared>> -> memref<5120x128xf32, #tpu.memory_space<vmem_shared>>
      tpu.wait_indirect_dma semaphore(%arg17 : memref<!tpu.dma_semaphore, #tpu.memory_space<semaphore_mem>>) src(%arg10 : memref<128x128xf32, #tpu.memory_space<vmem>>) dst(%dma_wait3A_185 : memref<5120x128xf32, #tpu.memory_space<vmem_shared>>)
      %add3A_186 = arith.constant 2 : i32
      %add3A_187 = arith.addi %add3A_165, %add3A_186 : i32
      %sub3A_188 = arith.constant 1 : i32
      %sub3A_189 = arith.subi %add3A_187, %sub3A_188 : i32
      %dma_start3A_190 = arith.constant 0 : i32
      %dma_start3A_191 = tpu.memref_slice %arg7[%sub3A_189, %dma_start3A_190] : memref<40x128xi32, #tpu.memory_space<vmem>> -> memref<1x128xi32, #tpu.memory_space<vmem>>
      %dma_start3A_192 = tpu.memref_squeeze %dma_start3A_191 : memref<1x128xi32, #tpu.memory_space<vmem>> -> memref<128xi32, #tpu.memory_space<vmem>>
      %dma_start3A_193 = arith.constant 0 : i32
      %dma_start3A_194 = arith.constant 0 : i32
      %dma_start3A_195 = tpu.memref_slice %arg12[%dma_start3A_193, %dma_start3A_194] : memref<5000x128xf32, #tpu.memory_space<vmem_shared>> -> memref<5000x128xf32, #tpu.memory_space<vmem_shared>>
      tpu.enqueue_indirect_dma source(%dma_start3A_195 : memref<5000x128xf32, #tpu.memory_space<vmem_shared>>) target(%arg10 : memref<128x128xf32, #tpu.memory_space<vmem>>) offsets(%dma_start3A_192 : memref<128xi32, #tpu.memory_space<vmem>>) semaphore(%arg15 : memref<!tpu.dma_semaphore, #tpu.memory_space<semaphore_mem>>)
    }
    %scan3A_94 = arith.constant 19 : i32
    %dma_wait3A_95 = arith.constant 39 : i32
    %dma_wait3A_96 = arith.constant 0 : i32
    %dma_wait3A_97 = tpu.memref_slice %arg7[%dma_wait3A_95, %dma_wait3A_96] : memref<40x128xi32, #tpu.memory_space<vmem>> -> memref<1x128xi32, #tpu.memory_space<vmem>>
    %dma_wait3A_98 = tpu.memref_squeeze %dma_wait3A_97 : memref<1x128xi32, #tpu.memory_space<vmem>> -> memref<128xi32, #tpu.memory_space<vmem>>
    %dma_wait3A_99 = arith.constant 0 : i32
    %dma_wait3A_100 = arith.constant 0 : i32
    %dma_wait3A_101 = tpu.memref_slice %arg12[%dma_wait3A_99, %dma_wait3A_100] : memref<5000x128xf32, #tpu.memory_space<vmem_shared>> -> memref<5000x128xf32, #tpu.memory_space<vmem_shared>>
    tpu.wait_indirect_dma semaphore(%arg15 : memref<!tpu.dma_semaphore, #tpu.memory_space<semaphore_mem>>) src(%dma_wait3A_101 : memref<5000x128xf32, #tpu.memory_space<vmem_shared>>) dst(%arg10 : memref<128x128xf32, #tpu.memory_space<vmem>>)
    %dma_start3A_102 = arith.constant 39 : i32
    %dma_start3A_103 = arith.constant 0 : i32
    %dma_start3A_104 = tpu.memref_slice %arg8[%dma_start3A_102, %dma_start3A_103] : memref<40x128xi32, #tpu.memory_space<vmem>> -> memref<1x128xi32, #tpu.memory_space<vmem>>
    %dma_start3A_105 = tpu.memref_squeeze %dma_start3A_104 : memref<1x128xi32, #tpu.memory_space<vmem>> -> memref<128xi32, #tpu.memory_space<vmem>>
    %dma_start3A_106 = arith.constant 0 : i32
    %dma_start3A_107 = arith.constant 0 : i32
    %dma_start3A_108 = tpu.memref_slice %arg11[%dma_start3A_106, %dma_start3A_107] : memref<5120x128xf32, #tpu.memory_space<vmem_shared>> -> memref<5120x128xf32, #tpu.memory_space<vmem_shared>>
    tpu.enqueue_indirect_dma source(%arg10 : memref<128x128xf32, #tpu.memory_space<vmem>>) target(%dma_start3A_108 : memref<5120x128xf32, #tpu.memory_space<vmem_shared>>) offsets(%dma_start3A_105 : memref<128xi32, #tpu.memory_space<vmem>>) semaphore(%arg17 : memref<!tpu.dma_semaphore, #tpu.memory_space<semaphore_mem>>) {add = true}
    %dma_wait3A_109 = arith.constant 38 : i32
    %dma_wait3A_110 = arith.constant 0 : i32
    %dma_wait3A_111 = tpu.memref_slice %arg8[%dma_wait3A_109, %dma_wait3A_110] : memref<40x128xi32, #tpu.memory_space<vmem>> -> memref<1x128xi32, #tpu.memory_space<vmem>>
    %dma_wait3A_112 = tpu.memref_squeeze %dma_wait3A_111 : memref<1x128xi32, #tpu.memory_space<vmem>> -> memref<128xi32, #tpu.memory_space<vmem>>
    %dma_wait3A_113 = arith.constant 0 : i32
    %dma_wait3A_114 = arith.constant 0 : i32
    %dma_wait3A_115 = tpu.memref_slice %arg11[%dma_wait3A_113, %dma_wait3A_114] : memref<5120x128xf32, #tpu.memory_space<vmem_shared>> -> memref<5120x128xf32, #tpu.memory_space<vmem_shared>>
    tpu.wait_indirect_dma semaphore(%arg16 : memref<!tpu.dma_semaphore, #tpu.memory_space<semaphore_mem>>) src(%arg9 : memref<128x128xf32, #tpu.memory_space<vmem>>) dst(%dma_wait3A_115 : memref<5120x128xf32, #tpu.memory_space<vmem_shared>>)
    %dma_wait3A_116 = arith.constant 39 : i32
    %dma_wait3A_117 = arith.constant 0 : i32
    %dma_wait3A_118 = tpu.memref_slice %arg8[%dma_wait3A_116, %dma_wait3A_117] : memref<40x128xi32, #tpu.memory_space<vmem>> -> memref<1x128xi32, #tpu.memory_space<vmem>>
    %dma_wait3A_119 = tpu.memref_squeeze %dma_wait3A_118 : memref<1x128xi32, #tpu.memory_space<vmem>> -> memref<128xi32, #tpu.memory_space<vmem>>
    %dma_wait3A_120 = arith.constant 0 : i32
    %dma_wait3A_121 = arith.constant 0 : i32
    %dma_wait3A_122 = tpu.memref_slice %arg11[%dma_wait3A_120, %dma_wait3A_121] : memref<5120x128xf32, #tpu.memory_space<vmem_shared>> -> memref<5120x128xf32, #tpu.memory_space<vmem_shared>>
    tpu.wait_indirect_dma semaphore(%arg17 : memref<!tpu.dma_semaphore, #tpu.memory_space<semaphore_mem>>) src(%arg10 : memref<128x128xf32, #tpu.memory_space<vmem>>) dst(%dma_wait3A_122 : memref<5120x128xf32, #tpu.memory_space<vmem_shared>>)
    %barrier3A_123 = arith.constant 0 : index
    tpu.barrier barrier_id(%barrier3A_123)
    %mul3A_124 = arith.constant 320 : i32
    %mul3A_125 = arith.muli %arg1, %mul3A_124 : i32
    %mul3A_126 = arith.constant 320 : i32
    %mul3A_127 = arith.muli %arg1, %mul3A_126 : i32
    "tpu.region"() ({
      %run_scoped3A = tpu.sem_alloc : memref<!tpu.dma_semaphore, #tpu.memory_space<semaphore_mem>>
      %dma_start3A_128 = arith.constant 0 : i32
      %dma_start3A_129 = tpu.memref_slice %arg6[%arg0, %mul3A_127, %dma_start3A_128] : memref<2x5120x128xf32, #tpu.memory_space<hbm>> -> memref<1x320x128xf32, #tpu.memory_space<hbm>>
      %dma_start3A_130 = tpu.memref_squeeze %dma_start3A_129 : memref<1x320x128xf32, #tpu.memory_space<hbm>> -> memref<320x128xf32, #tpu.memory_space<hbm>>
      %dma_start3A_131 = arith.constant 0 : i32
      %dma_start3A_132 = tpu.memref_slice %arg11[%mul3A_125, %dma_start3A_131] : memref<5120x128xf32, #tpu.memory_space<vmem_shared>> -> memref<320x128xf32, #tpu.memory_space<vmem_shared>>
      tpu.enqueue_dma source(%dma_start3A_132 : memref<320x128xf32, #tpu.memory_space<vmem_shared>>) target(%dma_start3A_130 : memref<320x128xf32, #tpu.memory_space<hbm>>) target_semaphore(%run_scoped3A : memref<!tpu.dma_semaphore, #tpu.memory_space<semaphore_mem>>)
      %dma_wait3A_133 = arith.constant 0 : i32
      %dma_wait3A_134 = tpu.memref_slice %arg6[%arg0, %mul3A_127, %dma_wait3A_133] : memref<2x5120x128xf32, #tpu.memory_space<hbm>> -> memref<1x320x128xf32, #tpu.memory_space<hbm>>
      %dma_wait3A_135 = tpu.memref_squeeze %dma_wait3A_134 : memref<1x320x128xf32, #tpu.memory_space<hbm>> -> memref<320x128xf32, #tpu.memory_space<hbm>>
      %dma_wait3A_136 = arith.constant 0 : i32
      %dma_wait3A_137 = tpu.memref_slice %arg11[%mul3A_125, %dma_wait3A_136] : memref<5120x128xf32, #tpu.memory_space<vmem_shared>> -> memref<320x128xf32, #tpu.memory_space<vmem_shared>>
      tpu.wait_dma2 semaphore(%run_scoped3A : memref<!tpu.dma_semaphore, #tpu.memory_space<semaphore_mem>>) src(%dma_wait3A_137 : memref<320x128xf32, #tpu.memory_space<vmem_shared>>) dst(%dma_wait3A_135 : memref<320x128xf32, #tpu.memory_space<hbm>>)
      tpu.yield
    }) : () -> ()
    return
  }
}

#map = affine_map<(d0, d1) -> (0, 0)>
#map1 = affine_map<(d0, d1) -> (0, 0, 0, 0)>
#map2 = affine_map<(d0, d1) -> (0, 0, 0)>
module attributes {stable_mosaic.version = 14 : i64} {
  func.func @_seg_body(%arg0: i32, %arg1: i32, %arg2: memref<10000x128xf32, #tpu.memory_space<hbm>>, %arg3: memref<2x16x40x128xi32, #tpu.memory_space<hbm>>, %arg4: memref<2x16x40x128xi32, #tpu.memory_space<hbm>>, %arg5: memref<128x128xf32, #tpu.memory_space<hbm>>, %arg6: memref<2x5120x128xf32, #tpu.memory_space<hbm>>, %arg7: memref<40x128xi32, #tpu.memory_space<vmem>>, %arg8: memref<40x128xi32, #tpu.memory_space<vmem>>, %arg9: memref<128x128xf32, #tpu.memory_space<vmem>>, %arg10: memref<128x128xf32, #tpu.memory_space<vmem>>, %arg11: memref<5120x128xf32, #tpu.memory_space<vmem_shared>>, %arg12: memref<5000x128xf32, #tpu.memory_space<vmem_shared>>, %arg13: memref<!tpu.dma_semaphore, #tpu.memory_space<semaphore_mem>>, %arg14: memref<!tpu.dma_semaphore, #tpu.memory_space<semaphore_mem>>, %arg15: memref<!tpu.dma_semaphore, #tpu.memory_space<semaphore_mem>>, %arg16: memref<!tpu.dma_semaphore, #tpu.memory_space<semaphore_mem>>, %arg17: memref<!tpu.dma_semaphore, #tpu.memory_space<semaphore_mem>>) attributes {dimension_semantics = [#tpu.dimension_semantics<core_parallel>, #tpu.dimension_semantics<subcore_parallel>], iteration_bounds = array<i64: 2, 16>, scalar_prefetch = 0 : i64, scratch_operands = 11 : i64, tpu.core_type = #tpu.core_type<sc_vector_subcore>, window_params = [{transform_indices = #map}, {transform_indices = #map1}, {transform_indices = #map1}, {transform_indices = #map}, {transform_indices = #map2}]} {
    "tpu.region"() ({
      %run_scoped3A = tpu.sem_alloc : memref<!tpu.dma_semaphore, #tpu.memory_space<semaphore_mem>>
      %dma_start3A_128 = arith.constant 0 : i32
      %dma_start3A_129 = arith.constant 0 : i32
      %dma_start3A_130 = tpu.memref_slice %arg3[%arg0, %arg1, %dma_start3A_128, %dma_start3A_129] : memref<2x16x40x128xi32, #tpu.memory_space<hbm>> -> memref<1x1x40x128xi32, #tpu.memory_space<hbm>>
      %dma_start3A_131 = tpu.memref_squeeze %dma_start3A_130 : memref<1x1x40x128xi32, #tpu.memory_space<hbm>> -> memref<40x128xi32, #tpu.memory_space<hbm>>
      %dma_start3A_132 = arith.constant 0 : i32
      %dma_start3A_133 = arith.constant 0 : i32
      %dma_start3A_134 = tpu.memref_slice %arg3[%arg0, %arg1, %dma_start3A_132, %dma_start3A_133] : memref<2x16x40x128xi32, #tpu.memory_space<hbm>> -> memref<1x1x40x128xi32, #tpu.memory_space<hbm>>
      %dma_start3A_135 = tpu.memref_squeeze %dma_start3A_134 : memref<1x1x40x128xi32, #tpu.memory_space<hbm>> -> memref<40x128xi32, #tpu.memory_space<hbm>>
      tpu.enqueue_dma source(%dma_start3A_135 : memref<40x128xi32, #tpu.memory_space<hbm>>) target(%arg7 : memref<40x128xi32, #tpu.memory_space<vmem>>) target_semaphore(%run_scoped3A : memref<!tpu.dma_semaphore, #tpu.memory_space<semaphore_mem>>)
      %dma_wait3A_136 = arith.constant 0 : i32
      %dma_wait3A_137 = arith.constant 0 : i32
      %dma_wait3A_138 = tpu.memref_slice %arg3[%arg0, %arg1, %dma_wait3A_136, %dma_wait3A_137] : memref<2x16x40x128xi32, #tpu.memory_space<hbm>> -> memref<1x1x40x128xi32, #tpu.memory_space<hbm>>
      %dma_wait3A_139 = tpu.memref_squeeze %dma_wait3A_138 : memref<1x1x40x128xi32, #tpu.memory_space<hbm>> -> memref<40x128xi32, #tpu.memory_space<hbm>>
      %dma_wait3A_140 = arith.constant 0 : i32
      %dma_wait3A_141 = arith.constant 0 : i32
      %dma_wait3A_142 = tpu.memref_slice %arg3[%arg0, %arg1, %dma_wait3A_140, %dma_wait3A_141] : memref<2x16x40x128xi32, #tpu.memory_space<hbm>> -> memref<1x1x40x128xi32, #tpu.memory_space<hbm>>
      %dma_wait3A_143 = tpu.memref_squeeze %dma_wait3A_142 : memref<1x1x40x128xi32, #tpu.memory_space<hbm>> -> memref<40x128xi32, #tpu.memory_space<hbm>>
      tpu.wait_dma2 semaphore(%run_scoped3A : memref<!tpu.dma_semaphore, #tpu.memory_space<semaphore_mem>>) src(%dma_wait3A_143 : memref<40x128xi32, #tpu.memory_space<hbm>>) dst(%arg7 : memref<40x128xi32, #tpu.memory_space<vmem>>)
      tpu.yield
    }) : () -> ()
    "tpu.region"() ({
      %run_scoped3A = tpu.sem_alloc : memref<!tpu.dma_semaphore, #tpu.memory_space<semaphore_mem>>
      %dma_start3A_128 = arith.constant 0 : i32
      %dma_start3A_129 = arith.constant 0 : i32
      %dma_start3A_130 = tpu.memref_slice %arg4[%arg0, %arg1, %dma_start3A_128, %dma_start3A_129] : memref<2x16x40x128xi32, #tpu.memory_space<hbm>> -> memref<1x1x40x128xi32, #tpu.memory_space<hbm>>
      %dma_start3A_131 = tpu.memref_squeeze %dma_start3A_130 : memref<1x1x40x128xi32, #tpu.memory_space<hbm>> -> memref<40x128xi32, #tpu.memory_space<hbm>>
      %dma_start3A_132 = arith.constant 0 : i32
      %dma_start3A_133 = arith.constant 0 : i32
      %dma_start3A_134 = tpu.memref_slice %arg4[%arg0, %arg1, %dma_start3A_132, %dma_start3A_133] : memref<2x16x40x128xi32, #tpu.memory_space<hbm>> -> memref<1x1x40x128xi32, #tpu.memory_space<hbm>>
      %dma_start3A_135 = tpu.memref_squeeze %dma_start3A_134 : memref<1x1x40x128xi32, #tpu.memory_space<hbm>> -> memref<40x128xi32, #tpu.memory_space<hbm>>
      tpu.enqueue_dma source(%dma_start3A_135 : memref<40x128xi32, #tpu.memory_space<hbm>>) target(%arg8 : memref<40x128xi32, #tpu.memory_space<vmem>>) target_semaphore(%run_scoped3A : memref<!tpu.dma_semaphore, #tpu.memory_space<semaphore_mem>>)
      %dma_wait3A_136 = arith.constant 0 : i32
      %dma_wait3A_137 = arith.constant 0 : i32
      %dma_wait3A_138 = tpu.memref_slice %arg4[%arg0, %arg1, %dma_wait3A_136, %dma_wait3A_137] : memref<2x16x40x128xi32, #tpu.memory_space<hbm>> -> memref<1x1x40x128xi32, #tpu.memory_space<hbm>>
      %dma_wait3A_139 = tpu.memref_squeeze %dma_wait3A_138 : memref<1x1x40x128xi32, #tpu.memory_space<hbm>> -> memref<40x128xi32, #tpu.memory_space<hbm>>
      %dma_wait3A_140 = arith.constant 0 : i32
      %dma_wait3A_141 = arith.constant 0 : i32
      %dma_wait3A_142 = tpu.memref_slice %arg4[%arg0, %arg1, %dma_wait3A_140, %dma_wait3A_141] : memref<2x16x40x128xi32, #tpu.memory_space<hbm>> -> memref<1x1x40x128xi32, #tpu.memory_space<hbm>>
      %dma_wait3A_143 = tpu.memref_squeeze %dma_wait3A_142 : memref<1x1x40x128xi32, #tpu.memory_space<hbm>> -> memref<40x128xi32, #tpu.memory_space<hbm>>
      tpu.wait_dma2 semaphore(%run_scoped3A : memref<!tpu.dma_semaphore, #tpu.memory_space<semaphore_mem>>) src(%dma_wait3A_143 : memref<40x128xi32, #tpu.memory_space<hbm>>) dst(%arg8 : memref<40x128xi32, #tpu.memory_space<vmem>>)
      tpu.yield
    }) : () -> ()
    "tpu.region"() ({
      %run_scoped3A = tpu.sem_alloc : memref<!tpu.dma_semaphore, #tpu.memory_space<semaphore_mem>>
      tpu.enqueue_dma source(%arg5 : memref<128x128xf32, #tpu.memory_space<hbm>>) target(%arg9 : memref<128x128xf32, #tpu.memory_space<vmem>>) target_semaphore(%run_scoped3A : memref<!tpu.dma_semaphore, #tpu.memory_space<semaphore_mem>>)
      tpu.wait_dma2 semaphore(%run_scoped3A : memref<!tpu.dma_semaphore, #tpu.memory_space<semaphore_mem>>) src(%arg5 : memref<128x128xf32, #tpu.memory_space<hbm>>) dst(%arg9 : memref<128x128xf32, #tpu.memory_space<vmem>>)
      tpu.yield
    }) : () -> ()
    %mul3A = arith.constant 320 : i32
    %mul3A_0 = arith.muli %arg1, %mul3A : i32
    %add3A = arith.constant 0 : i32
    %add3A_1 = arith.addi %mul3A_0, %add3A : i32
    %dma_start3A = arith.constant 0 : i32
    %dma_start3A_2 = tpu.memref_slice %arg11[%add3A_1, %dma_start3A] : memref<5120x128xf32, #tpu.memory_space<vmem_shared>> -> memref<128x128xf32, #tpu.memory_space<vmem_shared>>
    %dma_start3A_3 = arith.constant 0 : i32
    %dma_start3A_4 = tpu.memref_slice %arg11[%add3A_1, %dma_start3A_3] : memref<5120x128xf32, #tpu.memory_space<vmem_shared>> -> memref<128x128xf32, #tpu.memory_space<vmem_shared>>
    tpu.enqueue_dma source(%arg9 : memref<128x128xf32, #tpu.memory_space<vmem>>) target(%dma_start3A_4 : memref<128x128xf32, #tpu.memory_space<vmem_shared>>) target_semaphore(%arg13 : memref<!tpu.dma_semaphore, #tpu.memory_space<semaphore_mem>>)
    %mul3A_5 = arith.constant 320 : i32
    %mul3A_6 = arith.muli %arg1, %mul3A_5 : i32
    %add3A_7 = arith.constant 128 : i32
    %add3A_8 = arith.addi %mul3A_6, %add3A_7 : i32
    %dma_start3A_9 = arith.constant 0 : i32
    %dma_start3A_10 = tpu.memref_slice %arg11[%add3A_8, %dma_start3A_9] : memref<5120x128xf32, #tpu.memory_space<vmem_shared>> -> memref<128x128xf32, #tpu.memory_space<vmem_shared>>
    %dma_start3A_11 = arith.constant 0 : i32
    %dma_start3A_12 = tpu.memref_slice %arg11[%add3A_8, %dma_start3A_11] : memref<5120x128xf32, #tpu.memory_space<vmem_shared>> -> memref<128x128xf32, #tpu.memory_space<vmem_shared>>
    tpu.enqueue_dma source(%arg9 : memref<128x128xf32, #tpu.memory_space<vmem>>) target(%dma_start3A_12 : memref<128x128xf32, #tpu.memory_space<vmem_shared>>) target_semaphore(%arg13 : memref<!tpu.dma_semaphore, #tpu.memory_space<semaphore_mem>>)
    %mul3A_13 = arith.constant 320 : i32
    %mul3A_14 = arith.muli %arg1, %mul3A_13 : i32
    %add3A_15 = arith.constant 256 : i32
    %add3A_16 = arith.addi %mul3A_14, %add3A_15 : i32
    %dma_start3A_17 = arith.constant 0 : i32
    %dma_start3A_18 = arith.constant 0 : i32
    %dma_start3A_19 = tpu.memref_slice %arg9[%dma_start3A_17, %dma_start3A_18] : memref<128x128xf32, #tpu.memory_space<vmem>> -> memref<64x128xf32, #tpu.memory_space<vmem>>
    %dma_start3A_20 = arith.constant 0 : i32
    %dma_start3A_21 = tpu.memref_slice %arg11[%add3A_16, %dma_start3A_20] : memref<5120x128xf32, #tpu.memory_space<vmem_shared>> -> memref<64x128xf32, #tpu.memory_space<vmem_shared>>
    %dma_start3A_22 = arith.constant 0 : i32
    %dma_start3A_23 = tpu.memref_slice %arg11[%add3A_16, %dma_start3A_22] : memref<5120x128xf32, #tpu.memory_space<vmem_shared>> -> memref<64x128xf32, #tpu.memory_space<vmem_shared>>
    %dma_start3A_24 = arith.constant 0 : i32
    %dma_start3A_25 = arith.constant 0 : i32
    %dma_start3A_26 = tpu.memref_slice %arg9[%dma_start3A_24, %dma_start3A_25] : memref<128x128xf32, #tpu.memory_space<vmem>> -> memref<64x128xf32, #tpu.memory_space<vmem>>
    tpu.enqueue_dma source(%dma_start3A_26 : memref<64x128xf32, #tpu.memory_space<vmem>>) target(%dma_start3A_23 : memref<64x128xf32, #tpu.memory_space<vmem_shared>>) target_semaphore(%arg13 : memref<!tpu.dma_semaphore, #tpu.memory_space<semaphore_mem>>)
    %lt3A = arith.constant 15 : i32
    %lt3A_27 = arith.cmpi slt, %arg1, %lt3A : i32
    %convert_element_type3A = arith.extui %lt3A_27 : i1 to i32
    %cond3A = arith.constant 0 : i32
    %cond3A_28 = arith.cmpi ne, %convert_element_type3A, %cond3A : i32
    scf.if %cond3A_28 {
      %mul3A_128 = arith.constant 5000 : i32
      %mul3A_129 = arith.muli %arg0, %mul3A_128 : i32
      %mul3A_130 = arith.constant 320 : i32
      %mul3A_131 = arith.muli %arg1, %mul3A_130 : i32
      %add3A_132 = arith.addi %mul3A_129, %mul3A_131 : i32
      %mul3A_133 = arith.constant 320 : i32
      %mul3A_134 = arith.muli %arg1, %mul3A_133 : i32
      "tpu.region"() ({
        %run_scoped3A = tpu.sem_alloc : memref<!tpu.dma_semaphore, #tpu.memory_space<semaphore_mem>>
        %dma_start3A_135 = arith.constant 0 : i32
        %dma_start3A_136 = tpu.memref_slice %arg12[%mul3A_134, %dma_start3A_135] : memref<5000x128xf32, #tpu.memory_space<vmem_shared>> -> memref<320x128xf32, #tpu.memory_space<vmem_shared>>
        %dma_start3A_137 = arith.constant 0 : i32
        %dma_start3A_138 = tpu.memref_slice %arg2[%add3A_132, %dma_start3A_137] : memref<10000x128xf32, #tpu.memory_space<hbm>> -> memref<320x128xf32, #tpu.memory_space<hbm>>
        tpu.enqueue_dma source(%dma_start3A_138 : memref<320x128xf32, #tpu.memory_space<hbm>>) target(%dma_start3A_136 : memref<320x128xf32, #tpu.memory_space<vmem_shared>>) target_semaphore(%run_scoped3A : memref<!tpu.dma_semaphore, #tpu.memory_space<semaphore_mem>>)
        %dma_wait3A_139 = arith.constant 0 : i32
        %dma_wait3A_140 = tpu.memref_slice %arg12[%mul3A_134, %dma_wait3A_139] : memref<5000x128xf32, #tpu.memory_space<vmem_shared>> -> memref<320x128xf32, #tpu.memory_space<vmem_shared>>
        %dma_wait3A_141 = arith.constant 0 : i32
        %dma_wait3A_142 = tpu.memref_slice %arg2[%add3A_132, %dma_wait3A_141] : memref<10000x128xf32, #tpu.memory_space<hbm>> -> memref<320x128xf32, #tpu.memory_space<hbm>>
        tpu.wait_dma2 semaphore(%run_scoped3A : memref<!tpu.dma_semaphore, #tpu.memory_space<semaphore_mem>>) src(%dma_wait3A_142 : memref<320x128xf32, #tpu.memory_space<hbm>>) dst(%dma_wait3A_140 : memref<320x128xf32, #tpu.memory_space<vmem_shared>>)
        tpu.yield
      }) : () -> ()
    } else {
    }
    %eq3A = arith.constant 15 : i32
    %eq3A_29 = arith.cmpi eq, %arg1, %eq3A : i32
    %convert_element_type3A_30 = arith.extui %eq3A_29 : i1 to i32
    %cond3A_31 = arith.constant 0 : i32
    %cond3A_32 = arith.cmpi ne, %convert_element_type3A_30, %cond3A_31 : i32
    scf.if %cond3A_32 {
      %mul3A_128 = arith.constant 5000 : i32
      %mul3A_129 = arith.muli %arg0, %mul3A_128 : i32
      %add3A_130 = arith.constant 4800 : i32
      %add3A_131 = arith.addi %mul3A_129, %add3A_130 : i32
      "tpu.region"() ({
        %run_scoped3A = tpu.sem_alloc : memref<!tpu.dma_semaphore, #tpu.memory_space<semaphore_mem>>
        %dma_start3A_132 = arith.constant 4800 : i32
        %dma_start3A_133 = arith.constant 0 : i32
        %dma_start3A_134 = tpu.memref_slice %arg12[%dma_start3A_132, %dma_start3A_133] : memref<5000x128xf32, #tpu.memory_space<vmem_shared>> -> memref<200x128xf32, #tpu.memory_space<vmem_shared>>
        %dma_start3A_135 = arith.constant 0 : i32
        %dma_start3A_136 = tpu.memref_slice %arg2[%add3A_131, %dma_start3A_135] : memref<10000x128xf32, #tpu.memory_space<hbm>> -> memref<200x128xf32, #tpu.memory_space<hbm>>
        tpu.enqueue_dma source(%dma_start3A_136 : memref<200x128xf32, #tpu.memory_space<hbm>>) target(%dma_start3A_134 : memref<200x128xf32, #tpu.memory_space<vmem_shared>>) target_semaphore(%run_scoped3A : memref<!tpu.dma_semaphore, #tpu.memory_space<semaphore_mem>>)
        %dma_wait3A_137 = arith.constant 4800 : i32
        %dma_wait3A_138 = arith.constant 0 : i32
        %dma_wait3A_139 = tpu.memref_slice %arg12[%dma_wait3A_137, %dma_wait3A_138] : memref<5000x128xf32, #tpu.memory_space<vmem_shared>> -> memref<200x128xf32, #tpu.memory_space<vmem_shared>>
        %dma_wait3A_140 = arith.constant 0 : i32
        %dma_wait3A_141 = tpu.memref_slice %arg2[%add3A_131, %dma_wait3A_140] : memref<10000x128xf32, #tpu.memory_space<hbm>> -> memref<200x128xf32, #tpu.memory_space<hbm>>
        tpu.wait_dma2 semaphore(%run_scoped3A : memref<!tpu.dma_semaphore, #tpu.memory_space<semaphore_mem>>) src(%dma_wait3A_141 : memref<200x128xf32, #tpu.memory_space<hbm>>) dst(%dma_wait3A_139 : memref<200x128xf32, #tpu.memory_space<vmem_shared>>)
        tpu.yield
      }) : () -> ()
    } else {
    }
    %mul3A_33 = arith.constant 320 : i32
    %mul3A_34 = arith.muli %arg1, %mul3A_33 : i32
    %add3A_35 = arith.constant 0 : i32
    %add3A_36 = arith.addi %mul3A_34, %add3A_35 : i32
    %dma_wait3A = arith.constant 0 : i32
    %dma_wait3A_37 = tpu.memref_slice %arg11[%add3A_36, %dma_wait3A] : memref<5120x128xf32, #tpu.memory_space<vmem_shared>> -> memref<128x128xf32, #tpu.memory_space<vmem_shared>>
    %dma_wait3A_38 = arith.constant 0 : i32
    %dma_wait3A_39 = tpu.memref_slice %arg11[%add3A_36, %dma_wait3A_38] : memref<5120x128xf32, #tpu.memory_space<vmem_shared>> -> memref<128x128xf32, #tpu.memory_space<vmem_shared>>
    tpu.wait_dma2 semaphore(%arg13 : memref<!tpu.dma_semaphore, #tpu.memory_space<semaphore_mem>>) src(%arg9 : memref<128x128xf32, #tpu.memory_space<vmem>>) dst(%dma_wait3A_39 : memref<128x128xf32, #tpu.memory_space<vmem_shared>>)
    %mul3A_40 = arith.constant 320 : i32
    %mul3A_41 = arith.muli %arg1, %mul3A_40 : i32
    %add3A_42 = arith.constant 128 : i32
    %add3A_43 = arith.addi %mul3A_41, %add3A_42 : i32
    %dma_wait3A_44 = arith.constant 0 : i32
    %dma_wait3A_45 = tpu.memref_slice %arg11[%add3A_43, %dma_wait3A_44] : memref<5120x128xf32, #tpu.memory_space<vmem_shared>> -> memref<128x128xf32, #tpu.memory_space<vmem_shared>>
    %dma_wait3A_46 = arith.constant 0 : i32
    %dma_wait3A_47 = tpu.memref_slice %arg11[%add3A_43, %dma_wait3A_46] : memref<5120x128xf32, #tpu.memory_space<vmem_shared>> -> memref<128x128xf32, #tpu.memory_space<vmem_shared>>
    tpu.wait_dma2 semaphore(%arg13 : memref<!tpu.dma_semaphore, #tpu.memory_space<semaphore_mem>>) src(%arg9 : memref<128x128xf32, #tpu.memory_space<vmem>>) dst(%dma_wait3A_47 : memref<128x128xf32, #tpu.memory_space<vmem_shared>>)
    %mul3A_48 = arith.constant 320 : i32
    %mul3A_49 = arith.muli %arg1, %mul3A_48 : i32
    %add3A_50 = arith.constant 256 : i32
    %add3A_51 = arith.addi %mul3A_49, %add3A_50 : i32
    %dma_wait3A_52 = arith.constant 0 : i32
    %dma_wait3A_53 = arith.constant 0 : i32
    %dma_wait3A_54 = tpu.memref_slice %arg9[%dma_wait3A_52, %dma_wait3A_53] : memref<128x128xf32, #tpu.memory_space<vmem>> -> memref<64x128xf32, #tpu.memory_space<vmem>>
    %dma_wait3A_55 = arith.constant 0 : i32
    %dma_wait3A_56 = tpu.memref_slice %arg11[%add3A_51, %dma_wait3A_55] : memref<5120x128xf32, #tpu.memory_space<vmem_shared>> -> memref<64x128xf32, #tpu.memory_space<vmem_shared>>
    %dma_wait3A_57 = arith.constant 0 : i32
    %dma_wait3A_58 = tpu.memref_slice %arg11[%add3A_51, %dma_wait3A_57] : memref<5120x128xf32, #tpu.memory_space<vmem_shared>> -> memref<64x128xf32, #tpu.memory_space<vmem_shared>>
    %dma_wait3A_59 = arith.constant 0 : i32
    %dma_wait3A_60 = arith.constant 0 : i32
    %dma_wait3A_61 = tpu.memref_slice %arg9[%dma_wait3A_59, %dma_wait3A_60] : memref<128x128xf32, #tpu.memory_space<vmem>> -> memref<64x128xf32, #tpu.memory_space<vmem>>
    tpu.wait_dma2 semaphore(%arg13 : memref<!tpu.dma_semaphore, #tpu.memory_space<semaphore_mem>>) src(%dma_wait3A_61 : memref<64x128xf32, #tpu.memory_space<vmem>>) dst(%dma_wait3A_58 : memref<64x128xf32, #tpu.memory_space<vmem_shared>>)
    %barrier3A = arith.constant 0 : index
    tpu.barrier barrier_id(%barrier3A)
    %dma_start3A_62 = arith.constant 0 : i32
    %dma_start3A_63 = arith.constant 0 : i32
    %dma_start3A_64 = tpu.memref_slice %arg7[%dma_start3A_62, %dma_start3A_63] : memref<40x128xi32, #tpu.memory_space<vmem>> -> memref<1x128xi32, #tpu.memory_space<vmem>>
    %dma_start3A_65 = tpu.memref_squeeze %dma_start3A_64 : memref<1x128xi32, #tpu.memory_space<vmem>> -> memref<128xi32, #tpu.memory_space<vmem>>
    %dma_start3A_66 = arith.constant 0 : i32
    %dma_start3A_67 = arith.constant 0 : i32
    %dma_start3A_68 = tpu.memref_slice %arg12[%dma_start3A_66, %dma_start3A_67] : memref<5000x128xf32, #tpu.memory_space<vmem_shared>> -> memref<5000x128xf32, #tpu.memory_space<vmem_shared>>
    tpu.enqueue_indirect_dma source(%dma_start3A_68 : memref<5000x128xf32, #tpu.memory_space<vmem_shared>>) target(%arg9 : memref<128x128xf32, #tpu.memory_space<vmem>>) offsets(%dma_start3A_65 : memref<128xi32, #tpu.memory_space<vmem>>) semaphore(%arg14 : memref<!tpu.dma_semaphore, #tpu.memory_space<semaphore_mem>>)
    %dma_wait3A_69 = arith.constant 0 : i32
    %dma_wait3A_70 = arith.constant 0 : i32
    %dma_wait3A_71 = tpu.memref_slice %arg7[%dma_wait3A_69, %dma_wait3A_70] : memref<40x128xi32, #tpu.memory_space<vmem>> -> memref<1x128xi32, #tpu.memory_space<vmem>>
    %dma_wait3A_72 = tpu.memref_squeeze %dma_wait3A_71 : memref<1x128xi32, #tpu.memory_space<vmem>> -> memref<128xi32, #tpu.memory_space<vmem>>
    %dma_wait3A_73 = arith.constant 0 : i32
    %dma_wait3A_74 = arith.constant 0 : i32
    %dma_wait3A_75 = tpu.memref_slice %arg12[%dma_wait3A_73, %dma_wait3A_74] : memref<5000x128xf32, #tpu.memory_space<vmem_shared>> -> memref<5000x128xf32, #tpu.memory_space<vmem_shared>>
    tpu.wait_indirect_dma semaphore(%arg14 : memref<!tpu.dma_semaphore, #tpu.memory_space<semaphore_mem>>) src(%dma_wait3A_75 : memref<5000x128xf32, #tpu.memory_space<vmem_shared>>) dst(%arg9 : memref<128x128xf32, #tpu.memory_space<vmem>>)
    %dma_start3A_76 = arith.constant 0 : i32
    %dma_start3A_77 = arith.constant 0 : i32
    %dma_start3A_78 = tpu.memref_slice %arg8[%dma_start3A_76, %dma_start3A_77] : memref<40x128xi32, #tpu.memory_space<vmem>> -> memref<1x128xi32, #tpu.memory_space<vmem>>
    %dma_start3A_79 = tpu.memref_squeeze %dma_start3A_78 : memref<1x128xi32, #tpu.memory_space<vmem>> -> memref<128xi32, #tpu.memory_space<vmem>>
    %dma_start3A_80 = arith.constant 0 : i32
    %dma_start3A_81 = arith.constant 0 : i32
    %dma_start3A_82 = tpu.memref_slice %arg11[%dma_start3A_80, %dma_start3A_81] : memref<5120x128xf32, #tpu.memory_space<vmem_shared>> -> memref<5120x128xf32, #tpu.memory_space<vmem_shared>>
    tpu.enqueue_indirect_dma source(%arg9 : memref<128x128xf32, #tpu.memory_space<vmem>>) target(%dma_start3A_82 : memref<5120x128xf32, #tpu.memory_space<vmem_shared>>) offsets(%dma_start3A_79 : memref<128xi32, #tpu.memory_space<vmem>>) semaphore(%arg16 : memref<!tpu.dma_semaphore, #tpu.memory_space<semaphore_mem>>) {add = true}
    %dma_start3A_83 = arith.constant 1 : i32
    %dma_start3A_84 = arith.constant 0 : i32
    %dma_start3A_85 = tpu.memref_slice %arg7[%dma_start3A_83, %dma_start3A_84] : memref<40x128xi32, #tpu.memory_space<vmem>> -> memref<1x128xi32, #tpu.memory_space<vmem>>
    %dma_start3A_86 = tpu.memref_squeeze %dma_start3A_85 : memref<1x128xi32, #tpu.memory_space<vmem>> -> memref<128xi32, #tpu.memory_space<vmem>>
    %dma_start3A_87 = arith.constant 0 : i32
    %dma_start3A_88 = arith.constant 0 : i32
    %dma_start3A_89 = tpu.memref_slice %arg12[%dma_start3A_87, %dma_start3A_88] : memref<5000x128xf32, #tpu.memory_space<vmem_shared>> -> memref<5000x128xf32, #tpu.memory_space<vmem_shared>>
    tpu.enqueue_indirect_dma source(%dma_start3A_89 : memref<5000x128xf32, #tpu.memory_space<vmem_shared>>) target(%arg10 : memref<128x128xf32, #tpu.memory_space<vmem>>) offsets(%dma_start3A_86 : memref<128xi32, #tpu.memory_space<vmem>>) semaphore(%arg15 : memref<!tpu.dma_semaphore, #tpu.memory_space<semaphore_mem>>)
    %scan3A = arith.constant 0 : i32
    %scan3A_90 = arith.constant 0 : i32
    %scan3A_91 = arith.constant 19 : i32
    %scan3A_92 = arith.addi %scan3A_90, %scan3A_91 : i32
    %scan3A_93 = arith.constant 1 : i32
    scf.for %scan3A_128 = %scan3A_90 to %scan3A_92 step %scan3A_93  : i32 {
      %mul3A_129 = arith.constant 2 : i32
      %mul3A_130 = arith.muli %scan3A_128, %mul3A_129 : i32
      %add3A_131 = arith.constant 1 : i32
      %add3A_132 = arith.addi %add3A_131, %mul3A_130 : i32
      %add3A_133 = arith.constant 0 : i32
      %add3A_134 = arith.addi %add3A_132, %add3A_133 : i32
      %dma_wait3A_135 = arith.constant 0 : i32
      %dma_wait3A_136 = tpu.memref_slice %arg7[%add3A_134, %dma_wait3A_135] : memref<40x128xi32, #tpu.memory_space<vmem>> -> memref<1x128xi32, #tpu.memory_space<vmem>>
      %dma_wait3A_137 = tpu.memref_squeeze %dma_wait3A_136 : memref<1x128xi32, #tpu.memory_space<vmem>> -> memref<128xi32, #tpu.memory_space<vmem>>
      %dma_wait3A_138 = arith.constant 0 : i32
      %dma_wait3A_139 = arith.constant 0 : i32
      %dma_wait3A_140 = tpu.memref_slice %arg12[%dma_wait3A_138, %dma_wait3A_139] : memref<5000x128xf32, #tpu.memory_space<vmem_shared>> -> memref<5000x128xf32, #tpu.memory_space<vmem_shared>>
      tpu.wait_indirect_dma semaphore(%arg15 : memref<!tpu.dma_semaphore, #tpu.memory_space<semaphore_mem>>) src(%dma_wait3A_140 : memref<5000x128xf32, #tpu.memory_space<vmem_shared>>) dst(%arg10 : memref<128x128xf32, #tpu.memory_space<vmem>>)
      %dma_start3A_141 = arith.constant 0 : i32
      %dma_start3A_142 = tpu.memref_slice %arg8[%add3A_134, %dma_start3A_141] : memref<40x128xi32, #tpu.memory_space<vmem>> -> memref<1x128xi32, #tpu.memory_space<vmem>>
      %dma_start3A_143 = tpu.memref_squeeze %dma_start3A_142 : memref<1x128xi32, #tpu.memory_space<vmem>> -> memref<128xi32, #tpu.memory_space<vmem>>
      %dma_start3A_144 = arith.constant 0 : i32
      %dma_start3A_145 = arith.constant 0 : i32
      %dma_start3A_146 = tpu.memref_slice %arg11[%dma_start3A_144, %dma_start3A_145] : memref<5120x128xf32, #tpu.memory_space<vmem_shared>> -> memref<5120x128xf32, #tpu.memory_space<vmem_shared>>
      tpu.enqueue_indirect_dma source(%arg10 : memref<128x128xf32, #tpu.memory_space<vmem>>) target(%dma_start3A_146 : memref<5120x128xf32, #tpu.memory_space<vmem_shared>>) offsets(%dma_start3A_143 : memref<128xi32, #tpu.memory_space<vmem>>) semaphore(%arg17 : memref<!tpu.dma_semaphore, #tpu.memory_space<semaphore_mem>>) {add = true}
      %sub3A = arith.constant 1 : i32
      %sub3A_147 = arith.subi %add3A_134, %sub3A : i32
      %dma_wait3A_148 = arith.constant 0 : i32
      %dma_wait3A_149 = tpu.memref_slice %arg8[%sub3A_147, %dma_wait3A_148] : memref<40x128xi32, #tpu.memory_space<vmem>> -> memref<1x128xi32, #tpu.memory_space<vmem>>
      %dma_wait3A_150 = tpu.memref_squeeze %dma_wait3A_149 : memref<1x128xi32, #tpu.memory_space<vmem>> -> memref<128xi32, #tpu.memory_space<vmem>>
      %dma_wait3A_151 = arith.constant 0 : i32
      %dma_wait3A_152 = arith.constant 0 : i32
      %dma_wait3A_153 = tpu.memref_slice %arg11[%dma_wait3A_151, %dma_wait3A_152] : memref<5120x128xf32, #tpu.memory_space<vmem_shared>> -> memref<5120x128xf32, #tpu.memory_space<vmem_shared>>
      tpu.wait_indirect_dma semaphore(%arg16 : memref<!tpu.dma_semaphore, #tpu.memory_space<semaphore_mem>>) src(%arg9 : memref<128x128xf32, #tpu.memory_space<vmem>>) dst(%dma_wait3A_153 : memref<5120x128xf32, #tpu.memory_space<vmem_shared>>)
      %add3A_154 = arith.constant 2 : i32
      %add3A_155 = arith.addi %add3A_134, %add3A_154 : i32
      %sub3A_156 = arith.constant 1 : i32
      %sub3A_157 = arith.subi %add3A_155, %sub3A_156 : i32
      %dma_start3A_158 = arith.constant 0 : i32
      %dma_start3A_159 = tpu.memref_slice %arg7[%sub3A_157, %dma_start3A_158] : memref<40x128xi32, #tpu.memory_space<vmem>> -> memref<1x128xi32, #tpu.memory_space<vmem>>
      %dma_start3A_160 = tpu.memref_squeeze %dma_start3A_159 : memref<1x128xi32, #tpu.memory_space<vmem>> -> memref<128xi32, #tpu.memory_space<vmem>>
      %dma_start3A_161 = arith.constant 0 : i32
      %dma_start3A_162 = arith.constant 0 : i32
      %dma_start3A_163 = tpu.memref_slice %arg12[%dma_start3A_161, %dma_start3A_162] : memref<5000x128xf32, #tpu.memory_space<vmem_shared>> -> memref<5000x128xf32, #tpu.memory_space<vmem_shared>>
      tpu.enqueue_indirect_dma source(%dma_start3A_163 : memref<5000x128xf32, #tpu.memory_space<vmem_shared>>) target(%arg9 : memref<128x128xf32, #tpu.memory_space<vmem>>) offsets(%dma_start3A_160 : memref<128xi32, #tpu.memory_space<vmem>>) semaphore(%arg14 : memref<!tpu.dma_semaphore, #tpu.memory_space<semaphore_mem>>)
      %add3A_164 = arith.constant 1 : i32
      %add3A_165 = arith.addi %add3A_132, %add3A_164 : i32
      %dma_wait3A_166 = arith.constant 0 : i32
      %dma_wait3A_167 = tpu.memref_slice %arg7[%add3A_165, %dma_wait3A_166] : memref<40x128xi32, #tpu.memory_space<vmem>> -> memref<1x128xi32, #tpu.memory_space<vmem>>
      %dma_wait3A_168 = tpu.memref_squeeze %dma_wait3A_167 : memref<1x128xi32, #tpu.memory_space<vmem>> -> memref<128xi32, #tpu.memory_space<vmem>>
      %dma_wait3A_169 = arith.constant 0 : i32
      %dma_wait3A_170 = arith.constant 0 : i32
      %dma_wait3A_171 = tpu.memref_slice %arg12[%dma_wait3A_169, %dma_wait3A_170] : memref<5000x128xf32, #tpu.memory_space<vmem_shared>> -> memref<5000x128xf32, #tpu.memory_space<vmem_shared>>
      tpu.wait_indirect_dma semaphore(%arg14 : memref<!tpu.dma_semaphore, #tpu.memory_space<semaphore_mem>>) src(%dma_wait3A_171 : memref<5000x128xf32, #tpu.memory_space<vmem_shared>>) dst(%arg9 : memref<128x128xf32, #tpu.memory_space<vmem>>)
      %dma_start3A_172 = arith.constant 0 : i32
      %dma_start3A_173 = tpu.memref_slice %arg8[%add3A_165, %dma_start3A_172] : memref<40x128xi32, #tpu.memory_space<vmem>> -> memref<1x128xi32, #tpu.memory_space<vmem>>
      %dma_start3A_174 = tpu.memref_squeeze %dma_start3A_173 : memref<1x128xi32, #tpu.memory_space<vmem>> -> memref<128xi32, #tpu.memory_space<vmem>>
      %dma_start3A_175 = arith.constant 0 : i32
      %dma_start3A_176 = arith.constant 0 : i32
      %dma_start3A_177 = tpu.memref_slice %arg11[%dma_start3A_175, %dma_start3A_176] : memref<5120x128xf32, #tpu.memory_space<vmem_shared>> -> memref<5120x128xf32, #tpu.memory_space<vmem_shared>>
      tpu.enqueue_indirect_dma source(%arg9 : memref<128x128xf32, #tpu.memory_space<vmem>>) target(%dma_start3A_177 : memref<5120x128xf32, #tpu.memory_space<vmem_shared>>) offsets(%dma_start3A_174 : memref<128xi32, #tpu.memory_space<vmem>>) semaphore(%arg16 : memref<!tpu.dma_semaphore, #tpu.memory_space<semaphore_mem>>) {add = true}
      %sub3A_178 = arith.constant 1 : i32
      %sub3A_179 = arith.subi %add3A_165, %sub3A_178 : i32
      %dma_wait3A_180 = arith.constant 0 : i32
      %dma_wait3A_181 = tpu.memref_slice %arg8[%sub3A_179, %dma_wait3A_180] : memref<40x128xi32, #tpu.memory_space<vmem>> -> memref<1x128xi32, #tpu.memory_space<vmem>>
      %dma_wait3A_182 = tpu.memref_squeeze %dma_wait3A_181 : memref<1x128xi32, #tpu.memory_space<vmem>> -> memref<128xi32, #tpu.memory_space<vmem>>
      %dma_wait3A_183 = arith.constant 0 : i32
      %dma_wait3A_184 = arith.constant 0 : i32
      %dma_wait3A_185 = tpu.memref_slice %arg11[%dma_wait3A_183, %dma_wait3A_184] : memref<5120x128xf32, #tpu.memory_space<vmem_shared>> -> memref<5120x128xf32, #tpu.memory_space<vmem_shared>>
      tpu.wait_indirect_dma semaphore(%arg17 : memref<!tpu.dma_semaphore, #tpu.memory_space<semaphore_mem>>) src(%arg10 : memref<128x128xf32, #tpu.memory_space<vmem>>) dst(%dma_wait3A_185 : memref<5120x128xf32, #tpu.memory_space<vmem_shared>>)
      %add3A_186 = arith.constant 2 : i32
      %add3A_187 = arith.addi %add3A_165, %add3A_186 : i32
      %sub3A_188 = arith.constant 1 : i32
      %sub3A_189 = arith.subi %add3A_187, %sub3A_188 : i32
      %dma_start3A_190 = arith.constant 0 : i32
      %dma_start3A_191 = tpu.memref_slice %arg7[%sub3A_189, %dma_start3A_190] : memref<40x128xi32, #tpu.memory_space<vmem>> -> memref<1x128xi32, #tpu.memory_space<vmem>>
      %dma_start3A_192 = tpu.memref_squeeze %dma_start3A_191 : memref<1x128xi32, #tpu.memory_space<vmem>> -> memref<128xi32, #tpu.memory_space<vmem>>
      %dma_start3A_193 = arith.constant 0 : i32
      %dma_start3A_194 = arith.constant 0 : i32
      %dma_start3A_195 = tpu.memref_slice %arg12[%dma_start3A_193, %dma_start3A_194] : memref<5000x128xf32, #tpu.memory_space<vmem_shared>> -> memref<5000x128xf32, #tpu.memory_space<vmem_shared>>
      tpu.enqueue_indirect_dma source(%dma_start3A_195 : memref<5000x128xf32, #tpu.memory_space<vmem_shared>>) target(%arg10 : memref<128x128xf32, #tpu.memory_space<vmem>>) offsets(%dma_start3A_192 : memref<128xi32, #tpu.memory_space<vmem>>) semaphore(%arg15 : memref<!tpu.dma_semaphore, #tpu.memory_space<semaphore_mem>>)
    }
    %scan3A_94 = arith.constant 19 : i32
    %dma_wait3A_95 = arith.constant 39 : i32
    %dma_wait3A_96 = arith.constant 0 : i32
    %dma_wait3A_97 = tpu.memref_slice %arg7[%dma_wait3A_95, %dma_wait3A_96] : memref<40x128xi32, #tpu.memory_space<vmem>> -> memref<1x128xi32, #tpu.memory_space<vmem>>
    %dma_wait3A_98 = tpu.memref_squeeze %dma_wait3A_97 : memref<1x128xi32, #tpu.memory_space<vmem>> -> memref<128xi32, #tpu.memory_space<vmem>>
    %dma_wait3A_99 = arith.constant 0 : i32
    %dma_wait3A_100 = arith.constant 0 : i32
    %dma_wait3A_101 = tpu.memref_slice %arg12[%dma_wait3A_99, %dma_wait3A_100] : memref<5000x128xf32, #tpu.memory_space<vmem_shared>> -> memref<5000x128xf32, #tpu.memory_space<vmem_shared>>
    tpu.wait_indirect_dma semaphore(%arg15 : memref<!tpu.dma_semaphore, #tpu.memory_space<semaphore_mem>>) src(%dma_wait3A_101 : memref<5000x128xf32, #tpu.memory_space<vmem_shared>>) dst(%arg10 : memref<128x128xf32, #tpu.memory_space<vmem>>)
    %dma_start3A_102 = arith.constant 39 : i32
    %dma_start3A_103 = arith.constant 0 : i32
    %dma_start3A_104 = tpu.memref_slice %arg8[%dma_start3A_102, %dma_start3A_103] : memref<40x128xi32, #tpu.memory_space<vmem>> -> memref<1x128xi32, #tpu.memory_space<vmem>>
    %dma_start3A_105 = tpu.memref_squeeze %dma_start3A_104 : memref<1x128xi32, #tpu.memory_space<vmem>> -> memref<128xi32, #tpu.memory_space<vmem>>
    %dma_start3A_106 = arith.constant 0 : i32
    %dma_start3A_107 = arith.constant 0 : i32
    %dma_start3A_108 = tpu.memref_slice %arg11[%dma_start3A_106, %dma_start3A_107] : memref<5120x128xf32, #tpu.memory_space<vmem_shared>> -> memref<5120x128xf32, #tpu.memory_space<vmem_shared>>
    tpu.enqueue_indirect_dma source(%arg10 : memref<128x128xf32, #tpu.memory_space<vmem>>) target(%dma_start3A_108 : memref<5120x128xf32, #tpu.memory_space<vmem_shared>>) offsets(%dma_start3A_105 : memref<128xi32, #tpu.memory_space<vmem>>) semaphore(%arg17 : memref<!tpu.dma_semaphore, #tpu.memory_space<semaphore_mem>>) {add = true}
    %dma_wait3A_109 = arith.constant 38 : i32
    %dma_wait3A_110 = arith.constant 0 : i32
    %dma_wait3A_111 = tpu.memref_slice %arg8[%dma_wait3A_109, %dma_wait3A_110] : memref<40x128xi32, #tpu.memory_space<vmem>> -> memref<1x128xi32, #tpu.memory_space<vmem>>
    %dma_wait3A_112 = tpu.memref_squeeze %dma_wait3A_111 : memref<1x128xi32, #tpu.memory_space<vmem>> -> memref<128xi32, #tpu.memory_space<vmem>>
    %dma_wait3A_113 = arith.constant 0 : i32
    %dma_wait3A_114 = arith.constant 0 : i32
    %dma_wait3A_115 = tpu.memref_slice %arg11[%dma_wait3A_113, %dma_wait3A_114] : memref<5120x128xf32, #tpu.memory_space<vmem_shared>> -> memref<5120x128xf32, #tpu.memory_space<vmem_shared>>
    tpu.wait_indirect_dma semaphore(%arg16 : memref<!tpu.dma_semaphore, #tpu.memory_space<semaphore_mem>>) src(%arg9 : memref<128x128xf32, #tpu.memory_space<vmem>>) dst(%dma_wait3A_115 : memref<5120x128xf32, #tpu.memory_space<vmem_shared>>)
    %dma_wait3A_116 = arith.constant 39 : i32
    %dma_wait3A_117 = arith.constant 0 : i32
    %dma_wait3A_118 = tpu.memref_slice %arg8[%dma_wait3A_116, %dma_wait3A_117] : memref<40x128xi32, #tpu.memory_space<vmem>> -> memref<1x128xi32, #tpu.memory_space<vmem>>
    %dma_wait3A_119 = tpu.memref_squeeze %dma_wait3A_118 : memref<1x128xi32, #tpu.memory_space<vmem>> -> memref<128xi32, #tpu.memory_space<vmem>>
    %dma_wait3A_120 = arith.constant 0 : i32
    %dma_wait3A_121 = arith.constant 0 : i32
    %dma_wait3A_122 = tpu.memref_slice %arg11[%dma_wait3A_120, %dma_wait3A_121] : memref<5120x128xf32, #tpu.memory_space<vmem_shared>> -> memref<5120x128xf32, #tpu.memory_space<vmem_shared>>
    tpu.wait_indirect_dma semaphore(%arg17 : memref<!tpu.dma_semaphore, #tpu.memory_space<semaphore_mem>>) src(%arg10 : memref<128x128xf32, #tpu.memory_space<vmem>>) dst(%dma_wait3A_122 : memref<5120x128xf32, #tpu.memory_space<vmem_shared>>)
    %barrier3A_123 = arith.constant 0 : index
    tpu.barrier barrier_id(%barrier3A_123)
    %mul3A_124 = arith.constant 320 : i32
    %mul3A_125 = arith.muli %arg1, %mul3A_124 : i32
    %mul3A_126 = arith.constant 320 : i32
    %mul3A_127 = arith.muli %arg1, %mul3A_126 : i32
    "tpu.region"() ({
      %run_scoped3A = tpu.sem_alloc : memref<!tpu.dma_semaphore, #tpu.memory_space<semaphore_mem>>
      %dma_start3A_128 = arith.constant 0 : i32
      %dma_start3A_129 = tpu.memref_slice %arg6[%arg0, %mul3A_127, %dma_start3A_128] : memref<2x5120x128xf32, #tpu.memory_space<hbm>> -> memref<1x320x128xf32, #tpu.memory_space<hbm>>
      %dma_start3A_130 = tpu.memref_squeeze %dma_start3A_129 : memref<1x320x128xf32, #tpu.memory_space<hbm>> -> memref<320x128xf32, #tpu.memory_space<hbm>>
      %dma_start3A_131 = arith.constant 0 : i32
      %dma_start3A_132 = tpu.memref_slice %arg11[%mul3A_125, %dma_start3A_131] : memref<5120x128xf32, #tpu.memory_space<vmem_shared>> -> memref<320x128xf32, #tpu.memory_space<vmem_shared>>
      tpu.enqueue_dma source(%dma_start3A_132 : memref<320x128xf32, #tpu.memory_space<vmem_shared>>) target(%dma_start3A_130 : memref<320x128xf32, #tpu.memory_space<hbm>>) target_semaphore(%run_scoped3A : memref<!tpu.dma_semaphore, #tpu.memory_space<semaphore_mem>>)
      %dma_wait3A_133 = arith.constant 0 : i32
      %dma_wait3A_134 = tpu.memref_slice %arg6[%arg0, %mul3A_127, %dma_wait3A_133] : memref<2x5120x128xf32, #tpu.memory_space<hbm>> -> memref<1x320x128xf32, #tpu.memory_space<hbm>>
      %dma_wait3A_135 = tpu.memref_squeeze %dma_wait3A_134 : memref<1x320x128xf32, #tpu.memory_space<hbm>> -> memref<320x128xf32, #tpu.memory_space<hbm>>
      %dma_wait3A_136 = arith.constant 0 : i32
      %dma_wait3A_137 = tpu.memref_slice %arg11[%mul3A_125, %dma_wait3A_136] : memref<5120x128xf32, #tpu.memory_space<vmem_shared>> -> memref<320x128xf32, #tpu.memory_space<vmem_shared>>
      tpu.wait_dma2 semaphore(%run_scoped3A : memref<!tpu.dma_semaphore, #tpu.memory_space<semaphore_mem>>) src(%dma_wait3A_137 : memref<320x128xf32, #tpu.memory_space<vmem_shared>>) dst(%dma_wait3A_135 : memref<320x128xf32, #tpu.memory_space<hbm>>)
      tpu.yield
    }) : () -> ()
    return
  }
}

#map = affine_map<(d0, d1) -> (0, 0)>
#map1 = affine_map<(d0, d1) -> (0, 0, 0, 0)>
#map2 = affine_map<(d0, d1) -> (0, 0, 0)>
module attributes {stable_mosaic.version = 14 : i64} {
  func.func @_seg_body(%arg0: i32, %arg1: i32, %arg2: memref<10000x128xf32, #tpu.memory_space<hbm>>, %arg3: memref<2x16x40x128xi32, #tpu.memory_space<hbm>>, %arg4: memref<2x16x40x128xi32, #tpu.memory_space<hbm>>, %arg5: memref<128x128xf32, #tpu.memory_space<hbm>>, %arg6: memref<2x5120x128xf32, #tpu.memory_space<hbm>>, %arg7: memref<40x128xi32, #tpu.memory_space<vmem>>, %arg8: memref<40x128xi32, #tpu.memory_space<vmem>>, %arg9: memref<128x128xf32, #tpu.memory_space<vmem>>, %arg10: memref<128x128xf32, #tpu.memory_space<vmem>>, %arg11: memref<5120x128xf32, #tpu.memory_space<vmem_shared>>, %arg12: memref<5000x128xf32, #tpu.memory_space<vmem_shared>>, %arg13: memref<!tpu.dma_semaphore, #tpu.memory_space<semaphore_mem>>, %arg14: memref<!tpu.dma_semaphore, #tpu.memory_space<semaphore_mem>>, %arg15: memref<!tpu.dma_semaphore, #tpu.memory_space<semaphore_mem>>, %arg16: memref<!tpu.dma_semaphore, #tpu.memory_space<semaphore_mem>>, %arg17: memref<!tpu.dma_semaphore, #tpu.memory_space<semaphore_mem>>) attributes {dimension_semantics = [#tpu.dimension_semantics<core_parallel>, #tpu.dimension_semantics<subcore_parallel>], iteration_bounds = array<i64: 2, 16>, scalar_prefetch = 0 : i64, scratch_operands = 11 : i64, tpu.core_type = #tpu.core_type<sc_vector_subcore>, window_params = [{transform_indices = #map}, {transform_indices = #map1}, {transform_indices = #map1}, {transform_indices = #map}, {transform_indices = #map2}]} {
    "tpu.region"() ({
      %run_scoped3A = tpu.sem_alloc : memref<!tpu.dma_semaphore, #tpu.memory_space<semaphore_mem>>
      %dma_start3A_128 = arith.constant 0 : i32
      %dma_start3A_129 = arith.constant 0 : i32
      %dma_start3A_130 = tpu.memref_slice %arg3[%arg0, %arg1, %dma_start3A_128, %dma_start3A_129] : memref<2x16x40x128xi32, #tpu.memory_space<hbm>> -> memref<1x1x40x128xi32, #tpu.memory_space<hbm>>
      %dma_start3A_131 = tpu.memref_squeeze %dma_start3A_130 : memref<1x1x40x128xi32, #tpu.memory_space<hbm>> -> memref<40x128xi32, #tpu.memory_space<hbm>>
      %dma_start3A_132 = arith.constant 0 : i32
      %dma_start3A_133 = arith.constant 0 : i32
      %dma_start3A_134 = tpu.memref_slice %arg3[%arg0, %arg1, %dma_start3A_132, %dma_start3A_133] : memref<2x16x40x128xi32, #tpu.memory_space<hbm>> -> memref<1x1x40x128xi32, #tpu.memory_space<hbm>>
      %dma_start3A_135 = tpu.memref_squeeze %dma_start3A_134 : memref<1x1x40x128xi32, #tpu.memory_space<hbm>> -> memref<40x128xi32, #tpu.memory_space<hbm>>
      tpu.enqueue_dma source(%dma_start3A_135 : memref<40x128xi32, #tpu.memory_space<hbm>>) target(%arg7 : memref<40x128xi32, #tpu.memory_space<vmem>>) target_semaphore(%run_scoped3A : memref<!tpu.dma_semaphore, #tpu.memory_space<semaphore_mem>>)
      %dma_wait3A_136 = arith.constant 0 : i32
      %dma_wait3A_137 = arith.constant 0 : i32
      %dma_wait3A_138 = tpu.memref_slice %arg3[%arg0, %arg1, %dma_wait3A_136, %dma_wait3A_137] : memref<2x16x40x128xi32, #tpu.memory_space<hbm>> -> memref<1x1x40x128xi32, #tpu.memory_space<hbm>>
      %dma_wait3A_139 = tpu.memref_squeeze %dma_wait3A_138 : memref<1x1x40x128xi32, #tpu.memory_space<hbm>> -> memref<40x128xi32, #tpu.memory_space<hbm>>
      %dma_wait3A_140 = arith.constant 0 : i32
      %dma_wait3A_141 = arith.constant 0 : i32
      %dma_wait3A_142 = tpu.memref_slice %arg3[%arg0, %arg1, %dma_wait3A_140, %dma_wait3A_141] : memref<2x16x40x128xi32, #tpu.memory_space<hbm>> -> memref<1x1x40x128xi32, #tpu.memory_space<hbm>>
      %dma_wait3A_143 = tpu.memref_squeeze %dma_wait3A_142 : memref<1x1x40x128xi32, #tpu.memory_space<hbm>> -> memref<40x128xi32, #tpu.memory_space<hbm>>
      tpu.wait_dma2 semaphore(%run_scoped3A : memref<!tpu.dma_semaphore, #tpu.memory_space<semaphore_mem>>) src(%dma_wait3A_143 : memref<40x128xi32, #tpu.memory_space<hbm>>) dst(%arg7 : memref<40x128xi32, #tpu.memory_space<vmem>>)
      tpu.yield
    }) : () -> ()
    "tpu.region"() ({
      %run_scoped3A = tpu.sem_alloc : memref<!tpu.dma_semaphore, #tpu.memory_space<semaphore_mem>>
      %dma_start3A_128 = arith.constant 0 : i32
      %dma_start3A_129 = arith.constant 0 : i32
      %dma_start3A_130 = tpu.memref_slice %arg4[%arg0, %arg1, %dma_start3A_128, %dma_start3A_129] : memref<2x16x40x128xi32, #tpu.memory_space<hbm>> -> memref<1x1x40x128xi32, #tpu.memory_space<hbm>>
      %dma_start3A_131 = tpu.memref_squeeze %dma_start3A_130 : memref<1x1x40x128xi32, #tpu.memory_space<hbm>> -> memref<40x128xi32, #tpu.memory_space<hbm>>
      %dma_start3A_132 = arith.constant 0 : i32
      %dma_start3A_133 = arith.constant 0 : i32
      %dma_start3A_134 = tpu.memref_slice %arg4[%arg0, %arg1, %dma_start3A_132, %dma_start3A_133] : memref<2x16x40x128xi32, #tpu.memory_space<hbm>> -> memref<1x1x40x128xi32, #tpu.memory_space<hbm>>
      %dma_start3A_135 = tpu.memref_squeeze %dma_start3A_134 : memref<1x1x40x128xi32, #tpu.memory_space<hbm>> -> memref<40x128xi32, #tpu.memory_space<hbm>>
      tpu.enqueue_dma source(%dma_start3A_135 : memref<40x128xi32, #tpu.memory_space<hbm>>) target(%arg8 : memref<40x128xi32, #tpu.memory_space<vmem>>) target_semaphore(%run_scoped3A : memref<!tpu.dma_semaphore, #tpu.memory_space<semaphore_mem>>)
      %dma_wait3A_136 = arith.constant 0 : i32
      %dma_wait3A_137 = arith.constant 0 : i32
      %dma_wait3A_138 = tpu.memref_slice %arg4[%arg0, %arg1, %dma_wait3A_136, %dma_wait3A_137] : memref<2x16x40x128xi32, #tpu.memory_space<hbm>> -> memref<1x1x40x128xi32, #tpu.memory_space<hbm>>
      %dma_wait3A_139 = tpu.memref_squeeze %dma_wait3A_138 : memref<1x1x40x128xi32, #tpu.memory_space<hbm>> -> memref<40x128xi32, #tpu.memory_space<hbm>>
      %dma_wait3A_140 = arith.constant 0 : i32
      %dma_wait3A_141 = arith.constant 0 : i32
      %dma_wait3A_142 = tpu.memref_slice %arg4[%arg0, %arg1, %dma_wait3A_140, %dma_wait3A_141] : memref<2x16x40x128xi32, #tpu.memory_space<hbm>> -> memref<1x1x40x128xi32, #tpu.memory_space<hbm>>
      %dma_wait3A_143 = tpu.memref_squeeze %dma_wait3A_142 : memref<1x1x40x128xi32, #tpu.memory_space<hbm>> -> memref<40x128xi32, #tpu.memory_space<hbm>>
      tpu.wait_dma2 semaphore(%run_scoped3A : memref<!tpu.dma_semaphore, #tpu.memory_space<semaphore_mem>>) src(%dma_wait3A_143 : memref<40x128xi32, #tpu.memory_space<hbm>>) dst(%arg8 : memref<40x128xi32, #tpu.memory_space<vmem>>)
      tpu.yield
    }) : () -> ()
    "tpu.region"() ({
      %run_scoped3A = tpu.sem_alloc : memref<!tpu.dma_semaphore, #tpu.memory_space<semaphore_mem>>
      tpu.enqueue_dma source(%arg5 : memref<128x128xf32, #tpu.memory_space<hbm>>) target(%arg9 : memref<128x128xf32, #tpu.memory_space<vmem>>) target_semaphore(%run_scoped3A : memref<!tpu.dma_semaphore, #tpu.memory_space<semaphore_mem>>)
      tpu.wait_dma2 semaphore(%run_scoped3A : memref<!tpu.dma_semaphore, #tpu.memory_space<semaphore_mem>>) src(%arg5 : memref<128x128xf32, #tpu.memory_space<hbm>>) dst(%arg9 : memref<128x128xf32, #tpu.memory_space<vmem>>)
      tpu.yield
    }) : () -> ()
    %mul3A = arith.constant 320 : i32
    %mul3A_0 = arith.muli %arg1, %mul3A : i32
    %add3A = arith.constant 0 : i32
    %add3A_1 = arith.addi %mul3A_0, %add3A : i32
    %dma_start3A = arith.constant 0 : i32
    %dma_start3A_2 = tpu.memref_slice %arg11[%add3A_1, %dma_start3A] : memref<5120x128xf32, #tpu.memory_space<vmem_shared>> -> memref<128x128xf32, #tpu.memory_space<vmem_shared>>
    %dma_start3A_3 = arith.constant 0 : i32
    %dma_start3A_4 = tpu.memref_slice %arg11[%add3A_1, %dma_start3A_3] : memref<5120x128xf32, #tpu.memory_space<vmem_shared>> -> memref<128x128xf32, #tpu.memory_space<vmem_shared>>
    tpu.enqueue_dma source(%arg9 : memref<128x128xf32, #tpu.memory_space<vmem>>) target(%dma_start3A_4 : memref<128x128xf32, #tpu.memory_space<vmem_shared>>) target_semaphore(%arg13 : memref<!tpu.dma_semaphore, #tpu.memory_space<semaphore_mem>>)
    %mul3A_5 = arith.constant 320 : i32
    %mul3A_6 = arith.muli %arg1, %mul3A_5 : i32
    %add3A_7 = arith.constant 128 : i32
    %add3A_8 = arith.addi %mul3A_6, %add3A_7 : i32
    %dma_start3A_9 = arith.constant 0 : i32
    %dma_start3A_10 = tpu.memref_slice %arg11[%add3A_8, %dma_start3A_9] : memref<5120x128xf32, #tpu.memory_space<vmem_shared>> -> memref<128x128xf32, #tpu.memory_space<vmem_shared>>
    %dma_start3A_11 = arith.constant 0 : i32
    %dma_start3A_12 = tpu.memref_slice %arg11[%add3A_8, %dma_start3A_11] : memref<5120x128xf32, #tpu.memory_space<vmem_shared>> -> memref<128x128xf32, #tpu.memory_space<vmem_shared>>
    tpu.enqueue_dma source(%arg9 : memref<128x128xf32, #tpu.memory_space<vmem>>) target(%dma_start3A_12 : memref<128x128xf32, #tpu.memory_space<vmem_shared>>) target_semaphore(%arg13 : memref<!tpu.dma_semaphore, #tpu.memory_space<semaphore_mem>>)
    %mul3A_13 = arith.constant 320 : i32
    %mul3A_14 = arith.muli %arg1, %mul3A_13 : i32
    %add3A_15 = arith.constant 256 : i32
    %add3A_16 = arith.addi %mul3A_14, %add3A_15 : i32
    %dma_start3A_17 = arith.constant 0 : i32
    %dma_start3A_18 = arith.constant 0 : i32
    %dma_start3A_19 = tpu.memref_slice %arg9[%dma_start3A_17, %dma_start3A_18] : memref<128x128xf32, #tpu.memory_space<vmem>> -> memref<64x128xf32, #tpu.memory_space<vmem>>
    %dma_start3A_20 = arith.constant 0 : i32
    %dma_start3A_21 = tpu.memref_slice %arg11[%add3A_16, %dma_start3A_20] : memref<5120x128xf32, #tpu.memory_space<vmem_shared>> -> memref<64x128xf32, #tpu.memory_space<vmem_shared>>
    %dma_start3A_22 = arith.constant 0 : i32
    %dma_start3A_23 = tpu.memref_slice %arg11[%add3A_16, %dma_start3A_22] : memref<5120x128xf32, #tpu.memory_space<vmem_shared>> -> memref<64x128xf32, #tpu.memory_space<vmem_shared>>
    %dma_start3A_24 = arith.constant 0 : i32
    %dma_start3A_25 = arith.constant 0 : i32
    %dma_start3A_26 = tpu.memref_slice %arg9[%dma_start3A_24, %dma_start3A_25] : memref<128x128xf32, #tpu.memory_space<vmem>> -> memref<64x128xf32, #tpu.memory_space<vmem>>
    tpu.enqueue_dma source(%dma_start3A_26 : memref<64x128xf32, #tpu.memory_space<vmem>>) target(%dma_start3A_23 : memref<64x128xf32, #tpu.memory_space<vmem_shared>>) target_semaphore(%arg13 : memref<!tpu.dma_semaphore, #tpu.memory_space<semaphore_mem>>)
    %lt3A = arith.constant 15 : i32
    %lt3A_27 = arith.cmpi slt, %arg1, %lt3A : i32
    %convert_element_type3A = arith.extui %lt3A_27 : i1 to i32
    %cond3A = arith.constant 0 : i32
    %cond3A_28 = arith.cmpi ne, %convert_element_type3A, %cond3A : i32
    scf.if %cond3A_28 {
      %mul3A_128 = arith.constant 5000 : i32
      %mul3A_129 = arith.muli %arg0, %mul3A_128 : i32
      %mul3A_130 = arith.constant 320 : i32
      %mul3A_131 = arith.muli %arg1, %mul3A_130 : i32
      %add3A_132 = arith.addi %mul3A_129, %mul3A_131 : i32
      %mul3A_133 = arith.constant 320 : i32
      %mul3A_134 = arith.muli %arg1, %mul3A_133 : i32
      "tpu.region"() ({
        %run_scoped3A = tpu.sem_alloc : memref<!tpu.dma_semaphore, #tpu.memory_space<semaphore_mem>>
        %dma_start3A_135 = arith.constant 0 : i32
        %dma_start3A_136 = tpu.memref_slice %arg12[%mul3A_134, %dma_start3A_135] : memref<5000x128xf32, #tpu.memory_space<vmem_shared>> -> memref<320x128xf32, #tpu.memory_space<vmem_shared>>
        %dma_start3A_137 = arith.constant 0 : i32
        %dma_start3A_138 = tpu.memref_slice %arg2[%add3A_132, %dma_start3A_137] : memref<10000x128xf32, #tpu.memory_space<hbm>> -> memref<320x128xf32, #tpu.memory_space<hbm>>
        tpu.enqueue_dma source(%dma_start3A_138 : memref<320x128xf32, #tpu.memory_space<hbm>>) target(%dma_start3A_136 : memref<320x128xf32, #tpu.memory_space<vmem_shared>>) target_semaphore(%run_scoped3A : memref<!tpu.dma_semaphore, #tpu.memory_space<semaphore_mem>>)
        %dma_wait3A_139 = arith.constant 0 : i32
        %dma_wait3A_140 = tpu.memref_slice %arg12[%mul3A_134, %dma_wait3A_139] : memref<5000x128xf32, #tpu.memory_space<vmem_shared>> -> memref<320x128xf32, #tpu.memory_space<vmem_shared>>
        %dma_wait3A_141 = arith.constant 0 : i32
        %dma_wait3A_142 = tpu.memref_slice %arg2[%add3A_132, %dma_wait3A_141] : memref<10000x128xf32, #tpu.memory_space<hbm>> -> memref<320x128xf32, #tpu.memory_space<hbm>>
        tpu.wait_dma2 semaphore(%run_scoped3A : memref<!tpu.dma_semaphore, #tpu.memory_space<semaphore_mem>>) src(%dma_wait3A_142 : memref<320x128xf32, #tpu.memory_space<hbm>>) dst(%dma_wait3A_140 : memref<320x128xf32, #tpu.memory_space<vmem_shared>>)
        tpu.yield
      }) : () -> ()
    } else {
    }
    %eq3A = arith.constant 15 : i32
    %eq3A_29 = arith.cmpi eq, %arg1, %eq3A : i32
    %convert_element_type3A_30 = arith.extui %eq3A_29 : i1 to i32
    %cond3A_31 = arith.constant 0 : i32
    %cond3A_32 = arith.cmpi ne, %convert_element_type3A_30, %cond3A_31 : i32
    scf.if %cond3A_32 {
      %mul3A_128 = arith.constant 5000 : i32
      %mul3A_129 = arith.muli %arg0, %mul3A_128 : i32
      %add3A_130 = arith.constant 4800 : i32
      %add3A_131 = arith.addi %mul3A_129, %add3A_130 : i32
      "tpu.region"() ({
        %run_scoped3A = tpu.sem_alloc : memref<!tpu.dma_semaphore, #tpu.memory_space<semaphore_mem>>
        %dma_start3A_132 = arith.constant 4800 : i32
        %dma_start3A_133 = arith.constant 0 : i32
        %dma_start3A_134 = tpu.memref_slice %arg12[%dma_start3A_132, %dma_start3A_133] : memref<5000x128xf32, #tpu.memory_space<vmem_shared>> -> memref<200x128xf32, #tpu.memory_space<vmem_shared>>
        %dma_start3A_135 = arith.constant 0 : i32
        %dma_start3A_136 = tpu.memref_slice %arg2[%add3A_131, %dma_start3A_135] : memref<10000x128xf32, #tpu.memory_space<hbm>> -> memref<200x128xf32, #tpu.memory_space<hbm>>
        tpu.enqueue_dma source(%dma_start3A_136 : memref<200x128xf32, #tpu.memory_space<hbm>>) target(%dma_start3A_134 : memref<200x128xf32, #tpu.memory_space<vmem_shared>>) target_semaphore(%run_scoped3A : memref<!tpu.dma_semaphore, #tpu.memory_space<semaphore_mem>>)
        %dma_wait3A_137 = arith.constant 4800 : i32
        %dma_wait3A_138 = arith.constant 0 : i32
        %dma_wait3A_139 = tpu.memref_slice %arg12[%dma_wait3A_137, %dma_wait3A_138] : memref<5000x128xf32, #tpu.memory_space<vmem_shared>> -> memref<200x128xf32, #tpu.memory_space<vmem_shared>>
        %dma_wait3A_140 = arith.constant 0 : i32
        %dma_wait3A_141 = tpu.memref_slice %arg2[%add3A_131, %dma_wait3A_140] : memref<10000x128xf32, #tpu.memory_space<hbm>> -> memref<200x128xf32, #tpu.memory_space<hbm>>
        tpu.wait_dma2 semaphore(%run_scoped3A : memref<!tpu.dma_semaphore, #tpu.memory_space<semaphore_mem>>) src(%dma_wait3A_141 : memref<200x128xf32, #tpu.memory_space<hbm>>) dst(%dma_wait3A_139 : memref<200x128xf32, #tpu.memory_space<vmem_shared>>)
        tpu.yield
      }) : () -> ()
    } else {
    }
    %mul3A_33 = arith.constant 320 : i32
    %mul3A_34 = arith.muli %arg1, %mul3A_33 : i32
    %add3A_35 = arith.constant 0 : i32
    %add3A_36 = arith.addi %mul3A_34, %add3A_35 : i32
    %dma_wait3A = arith.constant 0 : i32
    %dma_wait3A_37 = tpu.memref_slice %arg11[%add3A_36, %dma_wait3A] : memref<5120x128xf32, #tpu.memory_space<vmem_shared>> -> memref<128x128xf32, #tpu.memory_space<vmem_shared>>
    %dma_wait3A_38 = arith.constant 0 : i32
    %dma_wait3A_39 = tpu.memref_slice %arg11[%add3A_36, %dma_wait3A_38] : memref<5120x128xf32, #tpu.memory_space<vmem_shared>> -> memref<128x128xf32, #tpu.memory_space<vmem_shared>>
    tpu.wait_dma2 semaphore(%arg13 : memref<!tpu.dma_semaphore, #tpu.memory_space<semaphore_mem>>) src(%arg9 : memref<128x128xf32, #tpu.memory_space<vmem>>) dst(%dma_wait3A_39 : memref<128x128xf32, #tpu.memory_space<vmem_shared>>)
    %mul3A_40 = arith.constant 320 : i32
    %mul3A_41 = arith.muli %arg1, %mul3A_40 : i32
    %add3A_42 = arith.constant 128 : i32
    %add3A_43 = arith.addi %mul3A_41, %add3A_42 : i32
    %dma_wait3A_44 = arith.constant 0 : i32
    %dma_wait3A_45 = tpu.memref_slice %arg11[%add3A_43, %dma_wait3A_44] : memref<5120x128xf32, #tpu.memory_space<vmem_shared>> -> memref<128x128xf32, #tpu.memory_space<vmem_shared>>
    %dma_wait3A_46 = arith.constant 0 : i32
    %dma_wait3A_47 = tpu.memref_slice %arg11[%add3A_43, %dma_wait3A_46] : memref<5120x128xf32, #tpu.memory_space<vmem_shared>> -> memref<128x128xf32, #tpu.memory_space<vmem_shared>>
    tpu.wait_dma2 semaphore(%arg13 : memref<!tpu.dma_semaphore, #tpu.memory_space<semaphore_mem>>) src(%arg9 : memref<128x128xf32, #tpu.memory_space<vmem>>) dst(%dma_wait3A_47 : memref<128x128xf32, #tpu.memory_space<vmem_shared>>)
    %mul3A_48 = arith.constant 320 : i32
    %mul3A_49 = arith.muli %arg1, %mul3A_48 : i32
    %add3A_50 = arith.constant 256 : i32
    %add3A_51 = arith.addi %mul3A_49, %add3A_50 : i32
    %dma_wait3A_52 = arith.constant 0 : i32
    %dma_wait3A_53 = arith.constant 0 : i32
    %dma_wait3A_54 = tpu.memref_slice %arg9[%dma_wait3A_52, %dma_wait3A_53] : memref<128x128xf32, #tpu.memory_space<vmem>> -> memref<64x128xf32, #tpu.memory_space<vmem>>
    %dma_wait3A_55 = arith.constant 0 : i32
    %dma_wait3A_56 = tpu.memref_slice %arg11[%add3A_51, %dma_wait3A_55] : memref<5120x128xf32, #tpu.memory_space<vmem_shared>> -> memref<64x128xf32, #tpu.memory_space<vmem_shared>>
    %dma_wait3A_57 = arith.constant 0 : i32
    %dma_wait3A_58 = tpu.memref_slice %arg11[%add3A_51, %dma_wait3A_57] : memref<5120x128xf32, #tpu.memory_space<vmem_shared>> -> memref<64x128xf32, #tpu.memory_space<vmem_shared>>
    %dma_wait3A_59 = arith.constant 0 : i32
    %dma_wait3A_60 = arith.constant 0 : i32
    %dma_wait3A_61 = tpu.memref_slice %arg9[%dma_wait3A_59, %dma_wait3A_60] : memref<128x128xf32, #tpu.memory_space<vmem>> -> memref<64x128xf32, #tpu.memory_space<vmem>>
    tpu.wait_dma2 semaphore(%arg13 : memref<!tpu.dma_semaphore, #tpu.memory_space<semaphore_mem>>) src(%dma_wait3A_61 : memref<64x128xf32, #tpu.memory_space<vmem>>) dst(%dma_wait3A_58 : memref<64x128xf32, #tpu.memory_space<vmem_shared>>)
    %barrier3A = arith.constant 0 : index
    tpu.barrier barrier_id(%barrier3A)
    %dma_start3A_62 = arith.constant 0 : i32
    %dma_start3A_63 = arith.constant 0 : i32
    %dma_start3A_64 = tpu.memref_slice %arg7[%dma_start3A_62, %dma_start3A_63] : memref<40x128xi32, #tpu.memory_space<vmem>> -> memref<1x128xi32, #tpu.memory_space<vmem>>
    %dma_start3A_65 = tpu.memref_squeeze %dma_start3A_64 : memref<1x128xi32, #tpu.memory_space<vmem>> -> memref<128xi32, #tpu.memory_space<vmem>>
    %dma_start3A_66 = arith.constant 0 : i32
    %dma_start3A_67 = arith.constant 0 : i32
    %dma_start3A_68 = tpu.memref_slice %arg12[%dma_start3A_66, %dma_start3A_67] : memref<5000x128xf32, #tpu.memory_space<vmem_shared>> -> memref<5000x128xf32, #tpu.memory_space<vmem_shared>>
    tpu.enqueue_indirect_dma source(%dma_start3A_68 : memref<5000x128xf32, #tpu.memory_space<vmem_shared>>) target(%arg9 : memref<128x128xf32, #tpu.memory_space<vmem>>) offsets(%dma_start3A_65 : memref<128xi32, #tpu.memory_space<vmem>>) semaphore(%arg14 : memref<!tpu.dma_semaphore, #tpu.memory_space<semaphore_mem>>)
    %dma_wait3A_69 = arith.constant 0 : i32
    %dma_wait3A_70 = arith.constant 0 : i32
    %dma_wait3A_71 = tpu.memref_slice %arg7[%dma_wait3A_69, %dma_wait3A_70] : memref<40x128xi32, #tpu.memory_space<vmem>> -> memref<1x128xi32, #tpu.memory_space<vmem>>
    %dma_wait3A_72 = tpu.memref_squeeze %dma_wait3A_71 : memref<1x128xi32, #tpu.memory_space<vmem>> -> memref<128xi32, #tpu.memory_space<vmem>>
    %dma_wait3A_73 = arith.constant 0 : i32
    %dma_wait3A_74 = arith.constant 0 : i32
    %dma_wait3A_75 = tpu.memref_slice %arg12[%dma_wait3A_73, %dma_wait3A_74] : memref<5000x128xf32, #tpu.memory_space<vmem_shared>> -> memref<5000x128xf32, #tpu.memory_space<vmem_shared>>
    tpu.wait_indirect_dma semaphore(%arg14 : memref<!tpu.dma_semaphore, #tpu.memory_space<semaphore_mem>>) src(%dma_wait3A_75 : memref<5000x128xf32, #tpu.memory_space<vmem_shared>>) dst(%arg9 : memref<128x128xf32, #tpu.memory_space<vmem>>)
    %dma_start3A_76 = arith.constant 0 : i32
    %dma_start3A_77 = arith.constant 0 : i32
    %dma_start3A_78 = tpu.memref_slice %arg8[%dma_start3A_76, %dma_start3A_77] : memref<40x128xi32, #tpu.memory_space<vmem>> -> memref<1x128xi32, #tpu.memory_space<vmem>>
    %dma_start3A_79 = tpu.memref_squeeze %dma_start3A_78 : memref<1x128xi32, #tpu.memory_space<vmem>> -> memref<128xi32, #tpu.memory_space<vmem>>
    %dma_start3A_80 = arith.constant 0 : i32
    %dma_start3A_81 = arith.constant 0 : i32
    %dma_start3A_82 = tpu.memref_slice %arg11[%dma_start3A_80, %dma_start3A_81] : memref<5120x128xf32, #tpu.memory_space<vmem_shared>> -> memref<5120x128xf32, #tpu.memory_space<vmem_shared>>
    tpu.enqueue_indirect_dma source(%arg9 : memref<128x128xf32, #tpu.memory_space<vmem>>) target(%dma_start3A_82 : memref<5120x128xf32, #tpu.memory_space<vmem_shared>>) offsets(%dma_start3A_79 : memref<128xi32, #tpu.memory_space<vmem>>) semaphore(%arg16 : memref<!tpu.dma_semaphore, #tpu.memory_space<semaphore_mem>>) {add = true}
    %dma_start3A_83 = arith.constant 1 : i32
    %dma_start3A_84 = arith.constant 0 : i32
    %dma_start3A_85 = tpu.memref_slice %arg7[%dma_start3A_83, %dma_start3A_84] : memref<40x128xi32, #tpu.memory_space<vmem>> -> memref<1x128xi32, #tpu.memory_space<vmem>>
    %dma_start3A_86 = tpu.memref_squeeze %dma_start3A_85 : memref<1x128xi32, #tpu.memory_space<vmem>> -> memref<128xi32, #tpu.memory_space<vmem>>
    %dma_start3A_87 = arith.constant 0 : i32
    %dma_start3A_88 = arith.constant 0 : i32
    %dma_start3A_89 = tpu.memref_slice %arg12[%dma_start3A_87, %dma_start3A_88] : memref<5000x128xf32, #tpu.memory_space<vmem_shared>> -> memref<5000x128xf32, #tpu.memory_space<vmem_shared>>
    tpu.enqueue_indirect_dma source(%dma_start3A_89 : memref<5000x128xf32, #tpu.memory_space<vmem_shared>>) target(%arg10 : memref<128x128xf32, #tpu.memory_space<vmem>>) offsets(%dma_start3A_86 : memref<128xi32, #tpu.memory_space<vmem>>) semaphore(%arg15 : memref<!tpu.dma_semaphore, #tpu.memory_space<semaphore_mem>>)
    %scan3A = arith.constant 0 : i32
    %scan3A_90 = arith.constant 0 : i32
    %scan3A_91 = arith.constant 19 : i32
    %scan3A_92 = arith.addi %scan3A_90, %scan3A_91 : i32
    %scan3A_93 = arith.constant 1 : i32
    scf.for %scan3A_128 = %scan3A_90 to %scan3A_92 step %scan3A_93  : i32 {
      %mul3A_129 = arith.constant 2 : i32
      %mul3A_130 = arith.muli %scan3A_128, %mul3A_129 : i32
      %add3A_131 = arith.constant 1 : i32
      %add3A_132 = arith.addi %add3A_131, %mul3A_130 : i32
      %add3A_133 = arith.constant 0 : i32
      %add3A_134 = arith.addi %add3A_132, %add3A_133 : i32
      %dma_wait3A_135 = arith.constant 0 : i32
      %dma_wait3A_136 = tpu.memref_slice %arg7[%add3A_134, %dma_wait3A_135] : memref<40x128xi32, #tpu.memory_space<vmem>> -> memref<1x128xi32, #tpu.memory_space<vmem>>
      %dma_wait3A_137 = tpu.memref_squeeze %dma_wait3A_136 : memref<1x128xi32, #tpu.memory_space<vmem>> -> memref<128xi32, #tpu.memory_space<vmem>>
      %dma_wait3A_138 = arith.constant 0 : i32
      %dma_wait3A_139 = arith.constant 0 : i32
      %dma_wait3A_140 = tpu.memref_slice %arg12[%dma_wait3A_138, %dma_wait3A_139] : memref<5000x128xf32, #tpu.memory_space<vmem_shared>> -> memref<5000x128xf32, #tpu.memory_space<vmem_shared>>
      tpu.wait_indirect_dma semaphore(%arg15 : memref<!tpu.dma_semaphore, #tpu.memory_space<semaphore_mem>>) src(%dma_wait3A_140 : memref<5000x128xf32, #tpu.memory_space<vmem_shared>>) dst(%arg10 : memref<128x128xf32, #tpu.memory_space<vmem>>)
      %dma_start3A_141 = arith.constant 0 : i32
      %dma_start3A_142 = tpu.memref_slice %arg8[%add3A_134, %dma_start3A_141] : memref<40x128xi32, #tpu.memory_space<vmem>> -> memref<1x128xi32, #tpu.memory_space<vmem>>
      %dma_start3A_143 = tpu.memref_squeeze %dma_start3A_142 : memref<1x128xi32, #tpu.memory_space<vmem>> -> memref<128xi32, #tpu.memory_space<vmem>>
      %dma_start3A_144 = arith.constant 0 : i32
      %dma_start3A_145 = arith.constant 0 : i32
      %dma_start3A_146 = tpu.memref_slice %arg11[%dma_start3A_144, %dma_start3A_145] : memref<5120x128xf32, #tpu.memory_space<vmem_shared>> -> memref<5120x128xf32, #tpu.memory_space<vmem_shared>>
      tpu.enqueue_indirect_dma source(%arg10 : memref<128x128xf32, #tpu.memory_space<vmem>>) target(%dma_start3A_146 : memref<5120x128xf32, #tpu.memory_space<vmem_shared>>) offsets(%dma_start3A_143 : memref<128xi32, #tpu.memory_space<vmem>>) semaphore(%arg17 : memref<!tpu.dma_semaphore, #tpu.memory_space<semaphore_mem>>) {add = true}
      %sub3A = arith.constant 1 : i32
      %sub3A_147 = arith.subi %add3A_134, %sub3A : i32
      %dma_wait3A_148 = arith.constant 0 : i32
      %dma_wait3A_149 = tpu.memref_slice %arg8[%sub3A_147, %dma_wait3A_148] : memref<40x128xi32, #tpu.memory_space<vmem>> -> memref<1x128xi32, #tpu.memory_space<vmem>>
      %dma_wait3A_150 = tpu.memref_squeeze %dma_wait3A_149 : memref<1x128xi32, #tpu.memory_space<vmem>> -> memref<128xi32, #tpu.memory_space<vmem>>
      %dma_wait3A_151 = arith.constant 0 : i32
      %dma_wait3A_152 = arith.constant 0 : i32
      %dma_wait3A_153 = tpu.memref_slice %arg11[%dma_wait3A_151, %dma_wait3A_152] : memref<5120x128xf32, #tpu.memory_space<vmem_shared>> -> memref<5120x128xf32, #tpu.memory_space<vmem_shared>>
      tpu.wait_indirect_dma semaphore(%arg16 : memref<!tpu.dma_semaphore, #tpu.memory_space<semaphore_mem>>) src(%arg9 : memref<128x128xf32, #tpu.memory_space<vmem>>) dst(%dma_wait3A_153 : memref<5120x128xf32, #tpu.memory_space<vmem_shared>>)
      %add3A_154 = arith.constant 2 : i32
      %add3A_155 = arith.addi %add3A_134, %add3A_154 : i32
      %sub3A_156 = arith.constant 1 : i32
      %sub3A_157 = arith.subi %add3A_155, %sub3A_156 : i32
      %dma_start3A_158 = arith.constant 0 : i32
      %dma_start3A_159 = tpu.memref_slice %arg7[%sub3A_157, %dma_start3A_158] : memref<40x128xi32, #tpu.memory_space<vmem>> -> memref<1x128xi32, #tpu.memory_space<vmem>>
      %dma_start3A_160 = tpu.memref_squeeze %dma_start3A_159 : memref<1x128xi32, #tpu.memory_space<vmem>> -> memref<128xi32, #tpu.memory_space<vmem>>
      %dma_start3A_161 = arith.constant 0 : i32
      %dma_start3A_162 = arith.constant 0 : i32
      %dma_start3A_163 = tpu.memref_slice %arg12[%dma_start3A_161, %dma_start3A_162] : memref<5000x128xf32, #tpu.memory_space<vmem_shared>> -> memref<5000x128xf32, #tpu.memory_space<vmem_shared>>
      tpu.enqueue_indirect_dma source(%dma_start3A_163 : memref<5000x128xf32, #tpu.memory_space<vmem_shared>>) target(%arg9 : memref<128x128xf32, #tpu.memory_space<vmem>>) offsets(%dma_start3A_160 : memref<128xi32, #tpu.memory_space<vmem>>) semaphore(%arg14 : memref<!tpu.dma_semaphore, #tpu.memory_space<semaphore_mem>>)
      %add3A_164 = arith.constant 1 : i32
      %add3A_165 = arith.addi %add3A_132, %add3A_164 : i32
      %dma_wait3A_166 = arith.constant 0 : i32
      %dma_wait3A_167 = tpu.memref_slice %arg7[%add3A_165, %dma_wait3A_166] : memref<40x128xi32, #tpu.memory_space<vmem>> -> memref<1x128xi32, #tpu.memory_space<vmem>>
      %dma_wait3A_168 = tpu.memref_squeeze %dma_wait3A_167 : memref<1x128xi32, #tpu.memory_space<vmem>> -> memref<128xi32, #tpu.memory_space<vmem>>
      %dma_wait3A_169 = arith.constant 0 : i32
      %dma_wait3A_170 = arith.constant 0 : i32
      %dma_wait3A_171 = tpu.memref_slice %arg12[%dma_wait3A_169, %dma_wait3A_170] : memref<5000x128xf32, #tpu.memory_space<vmem_shared>> -> memref<5000x128xf32, #tpu.memory_space<vmem_shared>>
      tpu.wait_indirect_dma semaphore(%arg14 : memref<!tpu.dma_semaphore, #tpu.memory_space<semaphore_mem>>) src(%dma_wait3A_171 : memref<5000x128xf32, #tpu.memory_space<vmem_shared>>) dst(%arg9 : memref<128x128xf32, #tpu.memory_space<vmem>>)
      %dma_start3A_172 = arith.constant 0 : i32
      %dma_start3A_173 = tpu.memref_slice %arg8[%add3A_165, %dma_start3A_172] : memref<40x128xi32, #tpu.memory_space<vmem>> -> memref<1x128xi32, #tpu.memory_space<vmem>>
      %dma_start3A_174 = tpu.memref_squeeze %dma_start3A_173 : memref<1x128xi32, #tpu.memory_space<vmem>> -> memref<128xi32, #tpu.memory_space<vmem>>
      %dma_start3A_175 = arith.constant 0 : i32
      %dma_start3A_176 = arith.constant 0 : i32
      %dma_start3A_177 = tpu.memref_slice %arg11[%dma_start3A_175, %dma_start3A_176] : memref<5120x128xf32, #tpu.memory_space<vmem_shared>> -> memref<5120x128xf32, #tpu.memory_space<vmem_shared>>
      tpu.enqueue_indirect_dma source(%arg9 : memref<128x128xf32, #tpu.memory_space<vmem>>) target(%dma_start3A_177 : memref<5120x128xf32, #tpu.memory_space<vmem_shared>>) offsets(%dma_start3A_174 : memref<128xi32, #tpu.memory_space<vmem>>) semaphore(%arg16 : memref<!tpu.dma_semaphore, #tpu.memory_space<semaphore_mem>>) {add = true}
      %sub3A_178 = arith.constant 1 : i32
      %sub3A_179 = arith.subi %add3A_165, %sub3A_178 : i32
      %dma_wait3A_180 = arith.constant 0 : i32
      %dma_wait3A_181 = tpu.memref_slice %arg8[%sub3A_179, %dma_wait3A_180] : memref<40x128xi32, #tpu.memory_space<vmem>> -> memref<1x128xi32, #tpu.memory_space<vmem>>
      %dma_wait3A_182 = tpu.memref_squeeze %dma_wait3A_181 : memref<1x128xi32, #tpu.memory_space<vmem>> -> memref<128xi32, #tpu.memory_space<vmem>>
      %dma_wait3A_183 = arith.constant 0 : i32
      %dma_wait3A_184 = arith.constant 0 : i32
      %dma_wait3A_185 = tpu.memref_slice %arg11[%dma_wait3A_183, %dma_wait3A_184] : memref<5120x128xf32, #tpu.memory_space<vmem_shared>> -> memref<5120x128xf32, #tpu.memory_space<vmem_shared>>
      tpu.wait_indirect_dma semaphore(%arg17 : memref<!tpu.dma_semaphore, #tpu.memory_space<semaphore_mem>>) src(%arg10 : memref<128x128xf32, #tpu.memory_space<vmem>>) dst(%dma_wait3A_185 : memref<5120x128xf32, #tpu.memory_space<vmem_shared>>)
      %add3A_186 = arith.constant 2 : i32
      %add3A_187 = arith.addi %add3A_165, %add3A_186 : i32
      %sub3A_188 = arith.constant 1 : i32
      %sub3A_189 = arith.subi %add3A_187, %sub3A_188 : i32
      %dma_start3A_190 = arith.constant 0 : i32
      %dma_start3A_191 = tpu.memref_slice %arg7[%sub3A_189, %dma_start3A_190] : memref<40x128xi32, #tpu.memory_space<vmem>> -> memref<1x128xi32, #tpu.memory_space<vmem>>
      %dma_start3A_192 = tpu.memref_squeeze %dma_start3A_191 : memref<1x128xi32, #tpu.memory_space<vmem>> -> memref<128xi32, #tpu.memory_space<vmem>>
      %dma_start3A_193 = arith.constant 0 : i32
      %dma_start3A_194 = arith.constant 0 : i32
      %dma_start3A_195 = tpu.memref_slice %arg12[%dma_start3A_193, %dma_start3A_194] : memref<5000x128xf32, #tpu.memory_space<vmem_shared>> -> memref<5000x128xf32, #tpu.memory_space<vmem_shared>>
      tpu.enqueue_indirect_dma source(%dma_start3A_195 : memref<5000x128xf32, #tpu.memory_space<vmem_shared>>) target(%arg10 : memref<128x128xf32, #tpu.memory_space<vmem>>) offsets(%dma_start3A_192 : memref<128xi32, #tpu.memory_space<vmem>>) semaphore(%arg15 : memref<!tpu.dma_semaphore, #tpu.memory_space<semaphore_mem>>)
    }
    %scan3A_94 = arith.constant 19 : i32
    %dma_wait3A_95 = arith.constant 39 : i32
    %dma_wait3A_96 = arith.constant 0 : i32
    %dma_wait3A_97 = tpu.memref_slice %arg7[%dma_wait3A_95, %dma_wait3A_96] : memref<40x128xi32, #tpu.memory_space<vmem>> -> memref<1x128xi32, #tpu.memory_space<vmem>>
    %dma_wait3A_98 = tpu.memref_squeeze %dma_wait3A_97 : memref<1x128xi32, #tpu.memory_space<vmem>> -> memref<128xi32, #tpu.memory_space<vmem>>
    %dma_wait3A_99 = arith.constant 0 : i32
    %dma_wait3A_100 = arith.constant 0 : i32
    %dma_wait3A_101 = tpu.memref_slice %arg12[%dma_wait3A_99, %dma_wait3A_100] : memref<5000x128xf32, #tpu.memory_space<vmem_shared>> -> memref<5000x128xf32, #tpu.memory_space<vmem_shared>>
    tpu.wait_indirect_dma semaphore(%arg15 : memref<!tpu.dma_semaphore, #tpu.memory_space<semaphore_mem>>) src(%dma_wait3A_101 : memref<5000x128xf32, #tpu.memory_space<vmem_shared>>) dst(%arg10 : memref<128x128xf32, #tpu.memory_space<vmem>>)
    %dma_start3A_102 = arith.constant 39 : i32
    %dma_start3A_103 = arith.constant 0 : i32
    %dma_start3A_104 = tpu.memref_slice %arg8[%dma_start3A_102, %dma_start3A_103] : memref<40x128xi32, #tpu.memory_space<vmem>> -> memref<1x128xi32, #tpu.memory_space<vmem>>
    %dma_start3A_105 = tpu.memref_squeeze %dma_start3A_104 : memref<1x128xi32, #tpu.memory_space<vmem>> -> memref<128xi32, #tpu.memory_space<vmem>>
    %dma_start3A_106 = arith.constant 0 : i32
    %dma_start3A_107 = arith.constant 0 : i32
    %dma_start3A_108 = tpu.memref_slice %arg11[%dma_start3A_106, %dma_start3A_107] : memref<5120x128xf32, #tpu.memory_space<vmem_shared>> -> memref<5120x128xf32, #tpu.memory_space<vmem_shared>>
    tpu.enqueue_indirect_dma source(%arg10 : memref<128x128xf32, #tpu.memory_space<vmem>>) target(%dma_start3A_108 : memref<5120x128xf32, #tpu.memory_space<vmem_shared>>) offsets(%dma_start3A_105 : memref<128xi32, #tpu.memory_space<vmem>>) semaphore(%arg17 : memref<!tpu.dma_semaphore, #tpu.memory_space<semaphore_mem>>) {add = true}
    %dma_wait3A_109 = arith.constant 38 : i32
    %dma_wait3A_110 = arith.constant 0 : i32
    %dma_wait3A_111 = tpu.memref_slice %arg8[%dma_wait3A_109, %dma_wait3A_110] : memref<40x128xi32, #tpu.memory_space<vmem>> -> memref<1x128xi32, #tpu.memory_space<vmem>>
    %dma_wait3A_112 = tpu.memref_squeeze %dma_wait3A_111 : memref<1x128xi32, #tpu.memory_space<vmem>> -> memref<128xi32, #tpu.memory_space<vmem>>
    %dma_wait3A_113 = arith.constant 0 : i32
    %dma_wait3A_114 = arith.constant 0 : i32
    %dma_wait3A_115 = tpu.memref_slice %arg11[%dma_wait3A_113, %dma_wait3A_114] : memref<5120x128xf32, #tpu.memory_space<vmem_shared>> -> memref<5120x128xf32, #tpu.memory_space<vmem_shared>>
    tpu.wait_indirect_dma semaphore(%arg16 : memref<!tpu.dma_semaphore, #tpu.memory_space<semaphore_mem>>) src(%arg9 : memref<128x128xf32, #tpu.memory_space<vmem>>) dst(%dma_wait3A_115 : memref<5120x128xf32, #tpu.memory_space<vmem_shared>>)
    %dma_wait3A_116 = arith.constant 39 : i32
    %dma_wait3A_117 = arith.constant 0 : i32
    %dma_wait3A_118 = tpu.memref_slice %arg8[%dma_wait3A_116, %dma_wait3A_117] : memref<40x128xi32, #tpu.memory_space<vmem>> -> memref<1x128xi32, #tpu.memory_space<vmem>>
    %dma_wait3A_119 = tpu.memref_squeeze %dma_wait3A_118 : memref<1x128xi32, #tpu.memory_space<vmem>> -> memref<128xi32, #tpu.memory_space<vmem>>
    %dma_wait3A_120 = arith.constant 0 : i32
    %dma_wait3A_121 = arith.constant 0 : i32
    %dma_wait3A_122 = tpu.memref_slice %arg11[%dma_wait3A_120, %dma_wait3A_121] : memref<5120x128xf32, #tpu.memory_space<vmem_shared>> -> memref<5120x128xf32, #tpu.memory_space<vmem_shared>>
    tpu.wait_indirect_dma semaphore(%arg17 : memref<!tpu.dma_semaphore, #tpu.memory_space<semaphore_mem>>) src(%arg10 : memref<128x128xf32, #tpu.memory_space<vmem>>) dst(%dma_wait3A_122 : memref<5120x128xf32, #tpu.memory_space<vmem_shared>>)
    %barrier3A_123 = arith.constant 0 : index
    tpu.barrier barrier_id(%barrier3A_123)
    %mul3A_124 = arith.constant 320 : i32
    %mul3A_125 = arith.muli %arg1, %mul3A_124 : i32
    %mul3A_126 = arith.constant 320 : i32
    %mul3A_127 = arith.muli %arg1, %mul3A_126 : i32
    "tpu.region"() ({
      %run_scoped3A = tpu.sem_alloc : memref<!tpu.dma_semaphore, #tpu.memory_space<semaphore_mem>>
      %dma_start3A_128 = arith.constant 0 : i32
      %dma_start3A_129 = tpu.memref_slice %arg6[%arg0, %mul3A_127, %dma_start3A_128] : memref<2x5120x128xf32, #tpu.memory_space<hbm>> -> memref<1x320x128xf32, #tpu.memory_space<hbm>>
      %dma_start3A_130 = tpu.memref_squeeze %dma_start3A_129 : memref<1x320x128xf32, #tpu.memory_space<hbm>> -> memref<320x128xf32, #tpu.memory_space<hbm>>
      %dma_start3A_131 = arith.constant 0 : i32
      %dma_start3A_132 = tpu.memref_slice %arg11[%mul3A_125, %dma_start3A_131] : memref<5120x128xf32, #tpu.memory_space<vmem_shared>> -> memref<320x128xf32, #tpu.memory_space<vmem_shared>>
      tpu.enqueue_dma source(%dma_start3A_132 : memref<320x128xf32, #tpu.memory_space<vmem_shared>>) target(%dma_start3A_130 : memref<320x128xf32, #tpu.memory_space<hbm>>) target_semaphore(%run_scoped3A : memref<!tpu.dma_semaphore, #tpu.memory_space<semaphore_mem>>)
      %dma_wait3A_133 = arith.constant 0 : i32
      %dma_wait3A_134 = tpu.memref_slice %arg6[%arg0, %mul3A_127, %dma_wait3A_133] : memref<2x5120x128xf32, #tpu.memory_space<hbm>> -> memref<1x320x128xf32, #tpu.memory_space<hbm>>
      %dma_wait3A_135 = tpu.memref_squeeze %dma_wait3A_134 : memref<1x320x128xf32, #tpu.memory_space<hbm>> -> memref<320x128xf32, #tpu.memory_space<hbm>>
      %dma_wait3A_136 = arith.constant 0 : i32
      %dma_wait3A_137 = tpu.memref_slice %arg11[%mul3A_125, %dma_wait3A_136] : memref<5120x128xf32, #tpu.memory_space<vmem_shared>> -> memref<320x128xf32, #tpu.memory_space<vmem_shared>>
      tpu.wait_dma2 semaphore(%run_scoped3A : memref<!tpu.dma_semaphore, #tpu.memory_space<semaphore_mem>>) src(%dma_wait3A_137 : memref<320x128xf32, #tpu.memory_space<vmem_shared>>) dst(%dma_wait3A_135 : memref<320x128xf32, #tpu.memory_space<hbm>>)
      tpu.yield
    }) : () -> ()
    return
  }
}

module attributes {stable_mosaic.version = 14 : i64} {
  func.func @_mm0_body(%arg0: i32, %arg1: memref<1000x256xf32, #tpu.memory_space<vmem>>, %arg2: memref<256x128xf32, #tpu.memory_space<vmem>>, %arg3: memref<256x128xf32, #tpu.memory_space<vmem>>, %arg4: memref<1x128xf32, #tpu.memory_space<vmem>>, %arg5: memref<1000x128xf32, #tpu.memory_space<vmem>>, %arg6: memref<1000x128xf32, #tpu.memory_space<vmem>>) attributes {dimension_semantics = [#tpu.dimension_semantics<arbitrary>], iteration_bounds = array<i64: 10>, scalar_prefetch = 0 : i64, scratch_operands = 0 : i64, tpu.core_type = #tpu.core_type<tc>, window_params = [{transform_indices = @transform_0, window_bounds = array<i64: 1000, 256>}, {pipeline_mode = #tpu.pipeline_mode<synchronous>, transform_indices = @transform_1, window_bounds = array<i64: 256, 128>}, {pipeline_mode = #tpu.pipeline_mode<synchronous>, transform_indices = @transform_2, window_bounds = array<i64: 256, 128>}, {pipeline_mode = #tpu.pipeline_mode<synchronous>, transform_indices = @transform_3, window_bounds = array<i64: 1, 128>}, {transform_indices = @transform_4, window_bounds = array<i64: 1000, 128>}, {transform_indices = @transform_5, window_bounds = array<i64: 1000, 128>}]} {
    %get3A = arith.constant 0 : index
    %get3A_0 = arith.constant 0 : index
    %get3A_1 = vector.load %arg1[%get3A, %get3A_0] : memref<1000x256xf32, #tpu.memory_space<vmem>>, vector<1000x256xf32>
    %get3A_2 = arith.constant 0 : index
    %get3A_3 = arith.constant 0 : index
    %get3A_4 = vector.load %arg2[%get3A_2, %get3A_3] : memref<256x128xf32, #tpu.memory_space<vmem>>, vector<256x128xf32>
    %dot_general3A = arith.constant dense<0.000000e+00> : vector<1000x128xf32>
    %dot_general3A_5 = tpu.matmul %get3A_1, %get3A_4, %dot_general3A {dimension_numbers = #tpu.dot_dimension_numbers<[1], [0], [0], [1], [0, 0, 1, 1], [], []>, transpose_lhs_hint = false} : vector<1000x256xf32>, vector<256x128xf32>, vector<1000x128xf32> -> vector<1000x128xf32>
    %get3A_6 = arith.constant 0 : index
    %get3A_7 = arith.constant 0 : index
    %get3A_8 = vector.load %arg4[%get3A_6, %get3A_7] : memref<1x128xf32, #tpu.memory_space<vmem>>, vector<1x128xf32>
    %add3A = vector.broadcast %get3A_8 : vector<1x128xf32> to vector<1000x128xf32>
    %add3A_9 = arith.addf %dot_general3A_5, %add3A : vector<1000x128xf32>
    %swap3A = arith.constant 0 : index
    %swap3A_10 = arith.constant 0 : index
    %swap3A_11 = vector.load %arg5[%swap3A, %swap3A_10] : memref<1000x128xf32, #tpu.memory_space<vmem>>, vector<1000x128xf32>
    tpu.vector_store %arg5[%swap3A, %swap3A_10], %add3A_9 {strides = array<i32>} : memref<1000x128xf32, #tpu.memory_space<vmem>>, vector<1000x128xf32>,
    %get3A_12 = arith.constant 0 : index
    %get3A_13 = arith.constant 0 : index
    %get3A_14 = vector.load %arg3[%get3A_12, %get3A_13] : memref<256x128xf32, #tpu.memory_space<vmem>>, vector<256x128xf32>
    %dot_general3A_15 = arith.constant dense<0.000000e+00> : vector<1000x128xf32>
    %dot_general3A_16 = tpu.matmul %get3A_1, %get3A_14, %dot_general3A_15 {dimension_numbers = #tpu.dot_dimension_numbers<[1], [0], [0], [1], [0, 0, 1, 1], [], []>, transpose_lhs_hint = false} : vector<1000x256xf32>, vector<256x128xf32>, vector<1000x128xf32> -> vector<1000x128xf32>
    %swap3A_17 = arith.constant 0 : index
    %swap3A_18 = arith.constant 0 : index
    %swap3A_19 = vector.load %arg6[%swap3A_17, %swap3A_18] : memref<1000x128xf32, #tpu.memory_space<vmem>>, vector<1000x128xf32>
    tpu.vector_store %arg6[%swap3A_17, %swap3A_18], %dot_general3A_16 {strides = array<i32>} : memref<1000x128xf32, #tpu.memory_space<vmem>>, vector<1000x128xf32>,
    return
  }
  func.func @transform_0(%arg0: i32) -> (i32, i32) {
    %c0_i32 = arith.constant 0 : i32
    %c0_i32_0 = arith.constant 0 : i32
    return %arg0, %c0_i32 : i32, i32
  }
  func.func @transform_1(%arg0: i32) -> (i32, i32) {
    %c0_i32 = arith.constant 0 : i32
    %c0_i32_0 = arith.constant 0 : i32
    %c0_i32_1 = arith.constant 0 : i32
    return %c0_i32, %c0_i32_0 : i32, i32
  }
  func.func @transform_2(%arg0: i32) -> (i32, i32) {
    %c0_i32 = arith.constant 0 : i32
    %c0_i32_0 = arith.constant 0 : i32
    %c0_i32_1 = arith.constant 0 : i32
    return %c0_i32, %c0_i32_0 : i32, i32
  }
  func.func @transform_3(%arg0: i32) -> (i32, i32) {
    %c0_i32 = arith.constant 0 : i32
    %c0_i32_0 = arith.constant 0 : i32
    %c0_i32_1 = arith.constant 0 : i32
    return %c0_i32, %c0_i32_0 : i32, i32
  }
  func.func @transform_4(%arg0: i32) -> (i32, i32) {
    %c0_i32 = arith.constant 0 : i32
    %c0_i32_0 = arith.constant 0 : i32
    return %arg0, %c0_i32 : i32, i32
  }
  func.func @transform_5(%arg0: i32) -> (i32, i32) {
    %c0_i32 = arith.constant 0 : i32
    %c0_i32_0 = arith.constant 0 : i32
    return %arg0, %c0_i32 : i32, i32
  }
}

module attributes {stable_mosaic.version = 14 : i64} {
  func.func @_mid_body(%arg0: i32, %arg1: memref<1000x128xf32, #tpu.memory_space<vmem>>, %arg2: memref<1x1000x128xf32, #tpu.memory_space<vmem>>, %arg3: memref<128x128xf32, #tpu.memory_space<vmem>>, %arg4: memref<128x128xf32, #tpu.memory_space<vmem>>, %arg5: memref<1x128xf32, #tpu.memory_space<vmem>>, %arg6: memref<1000x128xf32, #tpu.memory_space<vmem>>, %arg7: memref<1000x128xf32, #tpu.memory_space<vmem>>) attributes {dimension_semantics = [#tpu.dimension_semantics<arbitrary>], iteration_bounds = array<i64: 10>, scalar_prefetch = 0 : i64, scratch_operands = 0 : i64, tpu.core_type = #tpu.core_type<tc>, window_params = [{transform_indices = @transform_0, window_bounds = array<i64: 1000, 128>}, {transform_indices = @transform_1, window_bounds = array<i64: 1, 1000, 128>}, {pipeline_mode = #tpu.pipeline_mode<synchronous>, transform_indices = @transform_2, window_bounds = array<i64: 128, 128>}, {pipeline_mode = #tpu.pipeline_mode<synchronous>, transform_indices = @transform_3, window_bounds = array<i64: 128, 128>}, {pipeline_mode = #tpu.pipeline_mode<synchronous>, transform_indices = @transform_4, window_bounds = array<i64: 1, 128>}, {transform_indices = @transform_5, window_bounds = array<i64: 1000, 128>}, {transform_indices = @transform_6, window_bounds = array<i64: 1000, 128>}]} {
    %get3A = arith.constant 0 : index
    %get3A_0 = arith.constant 0 : index
    %get3A_1 = vector.load %arg1[%get3A, %get3A_0] : memref<1000x128xf32, #tpu.memory_space<vmem>>, vector<1000x128xf32>
    %get3A_2 = arith.constant 0 : index
    %get3A_3 = arith.constant 0 : index
    %get3A_4 = arith.constant 0 : index
    %get3A_5 = vector.load %arg2[%get3A_2, %get3A_3, %get3A_4] : memref<1x1000x128xf32, #tpu.memory_space<vmem>>, vector<1x1000x128xf32>
    %get3A_6 = vector.shape_cast %get3A_5 : vector<1x1000x128xf32> to vector<1000x128xf32>
    %add3A = arith.addf %get3A_1, %get3A_6 : vector<1000x128xf32>
    %max3A = arith.constant 0.000000e+00 : f32
    %max3A_7 = vector.broadcast %max3A : f32 to vector<1000x128xf32>
    %max3A_8 = arith.maximumf %add3A, %max3A_7 : vector<1000x128xf32>
    %get3A_9 = arith.constant 0 : index
    %get3A_10 = arith.constant 0 : index
    %get3A_11 = vector.load %arg3[%get3A_9, %get3A_10] : memref<128x128xf32, #tpu.memory_space<vmem>>, vector<128x128xf32>
    %dot_general3A = arith.constant dense<0.000000e+00> : vector<1000x128xf32>
    %dot_general3A_12 = tpu.matmul %max3A_8, %get3A_11, %dot_general3A {dimension_numbers = #tpu.dot_dimension_numbers<[1], [0], [0], [1], [0, 0, 1, 1], [], []>, transpose_lhs_hint = false} : vector<1000x128xf32>, vector<128x128xf32>, vector<1000x128xf32> -> vector<1000x128xf32>
    %get3A_13 = arith.constant 0 : index
    %get3A_14 = arith.constant 0 : index
    %get3A_15 = vector.load %arg5[%get3A_13, %get3A_14] : memref<1x128xf32, #tpu.memory_space<vmem>>, vector<1x128xf32>
    %add3A_16 = vector.broadcast %get3A_15 : vector<1x128xf32> to vector<1000x128xf32>
    %add3A_17 = arith.addf %dot_general3A_12, %add3A_16 : vector<1000x128xf32>
    %swap3A = arith.constant 0 : index
    %swap3A_18 = arith.constant 0 : index
    %swap3A_19 = vector.load %arg6[%swap3A, %swap3A_18] : memref<1000x128xf32, #tpu.memory_space<vmem>>, vector<1000x128xf32>
    tpu.vector_store %arg6[%swap3A, %swap3A_18], %add3A_17 {strides = array<i32>} : memref<1000x128xf32, #tpu.memory_space<vmem>>, vector<1000x128xf32>,
    %get3A_20 = arith.constant 0 : index
    %get3A_21 = arith.constant 0 : index
    %get3A_22 = vector.load %arg4[%get3A_20, %get3A_21] : memref<128x128xf32, #tpu.memory_space<vmem>>, vector<128x128xf32>
    %dot_general3A_23 = arith.constant dense<0.000000e+00> : vector<1000x128xf32>
    %dot_general3A_24 = tpu.matmul %max3A_8, %get3A_22, %dot_general3A_23 {dimension_numbers = #tpu.dot_dimension_numbers<[1], [0], [0], [1], [0, 0, 1, 1], [], []>, transpose_lhs_hint = false} : vector<1000x128xf32>, vector<128x128xf32>, vector<1000x128xf32> -> vector<1000x128xf32>
    %swap3A_25 = arith.constant 0 : index
    %swap3A_26 = arith.constant 0 : index
    %swap3A_27 = vector.load %arg7[%swap3A_25, %swap3A_26] : memref<1000x128xf32, #tpu.memory_space<vmem>>, vector<1000x128xf32>
    tpu.vector_store %arg7[%swap3A_25, %swap3A_26], %dot_general3A_24 {strides = array<i32>} : memref<1000x128xf32, #tpu.memory_space<vmem>>, vector<1000x128xf32>,
    return
  }
  func.func @transform_0(%arg0: i32) -> (i32, i32) {
    %c0_i32 = arith.constant 0 : i32
    %c0_i32_0 = arith.constant 0 : i32
    return %arg0, %c0_i32 : i32, i32
  }
  func.func @transform_1(%arg0: i32) -> (i32, i32, i32) {
    %jit3A = arith.constant 5 : i32
    %div3A = arith.divsi %arg0, %jit3A : i32
    %sign3A = arith.constant 0 : i32
    %sign3A_0 = arith.cmpi sgt, %arg0, %sign3A : i32
    %sign3A_1 = arith.extui %sign3A_0 : i1 to i32
    %sign3A_2 = arith.constant 0 : i32
    %sign3A_3 = arith.cmpi slt, %arg0, %sign3A_2 : i32
    %sign3A_4 = arith.extui %sign3A_3 : i1 to i32
    %sign3A_5 = arith.subi %sign3A_1, %sign3A_4 : i32
    %sign3A_6 = arith.constant 0 : i32
    %sign3A_7 = arith.cmpi sgt, %jit3A, %sign3A_6 : i32
    %sign3A_8 = arith.extui %sign3A_7 : i1 to i32
    %sign3A_9 = arith.constant 0 : i32
    %sign3A_10 = arith.cmpi slt, %jit3A, %sign3A_9 : i32
    %sign3A_11 = arith.extui %sign3A_10 : i1 to i32
    %sign3A_12 = arith.subi %sign3A_8, %sign3A_11 : i32
    %ne3A = arith.cmpi ne, %sign3A_5, %sign3A_12 : i32
    %rem3A = arith.remsi %arg0, %jit3A : i32
    %ne3A_13 = arith.constant 0 : i32
    %ne3A_14 = arith.cmpi ne, %rem3A, %ne3A_13 : i32
    %and3A = arith.andi %ne3A, %ne3A_14 : i1
    %sub3A = arith.constant 1 : i32
    %sub3A_15 = arith.subi %div3A, %sub3A : i32
    %select_n3A = arith.select %and3A, %sub3A_15, %div3A : i32
    %jit3A_16 = arith.constant 5 : i32
    %eq3A = arith.constant 0 : i32
    %eq3A_17 = arith.cmpi eq, %jit3A_16, %eq3A : i32
    %jit3A_18 = arith.constant 1 : i32
    %select_n3A_19 = arith.select %eq3A_17, %jit3A_18, %jit3A_16 : i32
    %rem3A_20 = arith.remsi %arg0, %select_n3A_19 : i32
    %ne3A_21 = arith.constant 0 : i32
    %ne3A_22 = arith.cmpi ne, %rem3A_20, %ne3A_21 : i32
    %lt3A = arith.constant 0 : i32
    %lt3A_23 = arith.cmpi slt, %rem3A_20, %lt3A : i32
    %lt3A_24 = arith.constant 0 : i32
    %lt3A_25 = arith.cmpi slt, %select_n3A_19, %lt3A_24 : i32
    %ne3A_26 = arith.xori %lt3A_23, %lt3A_25 : i1
    %and3A_27 = arith.andi %ne3A_26, %ne3A_22 : i1
    %add3A = arith.addi %rem3A_20, %select_n3A_19 : i32
    %select_n3A_28 = arith.select %and3A_27, %add3A, %rem3A_20 : i32
    %c0_i32 = arith.constant 0 : i32
    %c0_i32_29 = arith.constant 0 : i32
    return %select_n3A, %select_n3A_28, %c0_i32 : i32, i32, i32
  }
  func.func @transform_2(%arg0: i32) -> (i32, i32) {
    %c0_i32 = arith.constant 0 : i32
    %c0_i32_0 = arith.constant 0 : i32
    %c0_i32_1 = arith.constant 0 : i32
    return %c0_i32, %c0_i32_0 : i32, i32
  }
  func.func @transform_3(%arg0: i32) -> (i32, i32) {
    %c0_i32 = arith.constant 0 : i32
    %c0_i32_0 = arith.constant 0 : i32
    %c0_i32_1 = arith.constant 0 : i32
    return %c0_i32, %c0_i32_0 : i32, i32
  }
  func.func @transform_4(%arg0: i32) -> (i32, i32) {
    %c0_i32 = arith.constant 0 : i32
    %c0_i32_0 = arith.constant 0 : i32
    %c0_i32_1 = arith.constant 0 : i32
    return %c0_i32, %c0_i32_0 : i32, i32
  }
  func.func @transform_5(%arg0: i32) -> (i32, i32) {
    %c0_i32 = arith.constant 0 : i32
    %c0_i32_0 = arith.constant 0 : i32
    return %arg0, %c0_i32 : i32, i32
  }
  func.func @transform_6(%arg0: i32) -> (i32, i32) {
    %c0_i32 = arith.constant 0 : i32
    %c0_i32_0 = arith.constant 0 : i32
    return %arg0, %c0_i32 : i32, i32
  }
}

module attributes {stable_mosaic.version = 14 : i64} {
  func.func @_attn_body(%arg0: i32, %arg1: memref<200x128xf32, #tpu.memory_space<vmem>>, %arg2: memref<5000x128xf32, #tpu.memory_space<vmem>>, %arg3: memref<200x5000xf32, #tpu.memory_space<vmem>>) attributes {dimension_semantics = [#tpu.dimension_semantics<arbitrary>], iteration_bounds = array<i64: 25>, scalar_prefetch = 0 : i64, scratch_operands = 0 : i64, tpu.core_type = #tpu.core_type<tc>, window_params = [{transform_indices = @transform_0, window_bounds = array<i64: 200, 128>}, {transform_indices = @transform_1, window_bounds = array<i64: 5000, 128>}, {transform_indices = @transform_2, window_bounds = array<i64: 200, 5000>}]} {
    %get3A = arith.constant 0 : index
    %get3A_0 = arith.constant 0 : index
    %get3A_1 = vector.load %arg1[%get3A, %get3A_0] : memref<200x128xf32, #tpu.memory_space<vmem>>, vector<200x128xf32>
    %get3A_2 = arith.constant 0 : index
    %get3A_3 = arith.constant 0 : index
    %get3A_4 = vector.load %arg2[%get3A_2, %get3A_3] : memref<5000x128xf32, #tpu.memory_space<vmem>>, vector<5000x128xf32>
    %dot_general3A = arith.constant dense<0.000000e+00> : vector<200x5000xf32>
    %dot_general3A_5 = tpu.matmul %get3A_1, %get3A_4, %dot_general3A {dimension_numbers = #tpu.dot_dimension_numbers<[1], [1], [0], [0], [0, 0, 1, 0], [], []>, transpose_lhs_hint = false} : vector<200x128xf32>, vector<5000x128xf32>, vector<200x5000xf32> -> vector<200x5000xf32>
    %mul3A = arith.constant 0.102062076 : f32
    %mul3A_6 = vector.broadcast %mul3A : f32 to vector<200x5000xf32>
    %mul3A_7 = arith.mulf %dot_general3A_5, %mul3A_6 : vector<200x5000xf32>
    %reduce_max3A = arith.constant dense<0xFF800000> : vector<200xf32>
    %reduce_max3A_8 = vector.multi_reduction <maximumf>, %mul3A_7, %reduce_max3A [1] : vector<200x5000xf32> to vector<200xf32>
    %broadcast_in_dim3A = vector.shape_cast %reduce_max3A_8 : vector<200xf32> to vector<200x1xf32>
    %sub3A = vector.broadcast %broadcast_in_dim3A : vector<200x1xf32> to vector<200x5000xf32>
    %sub3A_9 = arith.subf %mul3A_7, %sub3A : vector<200x5000xf32>
    %exp3A = math.exp %sub3A_9 : vector<200x5000xf32>
    %reduce_sum3A = arith.constant dense<0.000000e+00> : vector<200xf32>
    %reduce_sum3A_10 = vector.multi_reduction <add>, %exp3A, %reduce_sum3A [1] : vector<200x5000xf32> to vector<200xf32>
    %broadcast_in_dim3A_11 = vector.shape_cast %reduce_sum3A_10 : vector<200xf32> to vector<200x1xf32>
    %div3A = vector.broadcast %broadcast_in_dim3A_11 : vector<200x1xf32> to vector<200x5000xf32>
    %div3A_12 = arith.divf %exp3A, %div3A : vector<200x5000xf32>
    %swap3A = arith.constant 0 : index
    %swap3A_13 = arith.constant 0 : index
    %swap3A_14 = vector.load %arg3[%swap3A, %swap3A_13] : memref<200x5000xf32, #tpu.memory_space<vmem>>, vector<200x5000xf32>
    tpu.vector_store %arg3[%swap3A, %swap3A_13], %div3A_12 {strides = array<i32>} : memref<200x5000xf32, #tpu.memory_space<vmem>>, vector<200x5000xf32>,
    return
  }
  func.func @transform_0(%arg0: i32) -> (i32, i32) {
    %c0_i32 = arith.constant 0 : i32
    %c0_i32_0 = arith.constant 0 : i32
    return %arg0, %c0_i32 : i32, i32
  }
  func.func @transform_1(%arg0: i32) -> (i32, i32) {
    %c1_i32 = arith.constant 1 : i32
    %c0_i32 = arith.constant 0 : i32
    %c0_i32_0 = arith.constant 0 : i32
    return %c1_i32, %c0_i32 : i32, i32
  }
  func.func @transform_2(%arg0: i32) -> (i32, i32) {
    %c0_i32 = arith.constant 0 : i32
    %c0_i32_0 = arith.constant 0 : i32
    return %arg0, %c0_i32 : i32, i32
  }
}

module attributes {stable_mosaic.version = 14 : i64} {
  func.func @_fin_body(%arg0: i32, %arg1: memref<1000x128xf32, #tpu.memory_space<vmem>>, %arg2: memref<1x1000x128xf32, #tpu.memory_space<vmem>>, %arg3: memref<1000x128xf32, #tpu.memory_space<vmem>>, %arg4: memref<2x128xf32, #tpu.memory_space<vmem>>) attributes {dimension_semantics = [#tpu.dimension_semantics<arbitrary>], iteration_bounds = array<i64: 10>, scalar_prefetch = 0 : i64, scratch_operands = 0 : i64, tpu.core_type = #tpu.core_type<tc>, window_params = [{transform_indices = @transform_0, window_bounds = array<i64: 1000, 128>}, {transform_indices = @transform_1, window_bounds = array<i64: 1, 1000, 128>}, {transform_indices = @transform_2, window_bounds = array<i64: 1000, 128>}, {pipeline_mode = #tpu.pipeline_mode<synchronous>, transform_indices = @transform_3, window_bounds = array<i64: 2, 128>}]} {
    %get3A = arith.constant 0 : index
    %get3A_0 = arith.constant 0 : index
    %get3A_1 = vector.load %arg1[%get3A, %get3A_0] : memref<1000x128xf32, #tpu.memory_space<vmem>>, vector<1000x128xf32>
    %get3A_2 = arith.constant 0 : index
    %get3A_3 = arith.constant 0 : index
    %get3A_4 = arith.constant 0 : index
    %get3A_5 = vector.load %arg2[%get3A_2, %get3A_3, %get3A_4] : memref<1x1000x128xf32, #tpu.memory_space<vmem>>, vector<1x1000x128xf32>
    %get3A_6 = vector.shape_cast %get3A_5 : vector<1x1000x128xf32> to vector<1000x128xf32>
    %add3A = arith.addf %get3A_1, %get3A_6 : vector<1000x128xf32>
    %max3A = arith.constant 0.000000e+00 : f32
    %max3A_7 = vector.broadcast %max3A : f32 to vector<1000x128xf32>
    %max3A_8 = arith.maximumf %add3A, %max3A_7 : vector<1000x128xf32>
    %swap3A = arith.constant 0 : index
    %swap3A_9 = arith.constant 0 : index
    %swap3A_10 = vector.load %arg3[%swap3A, %swap3A_9] : memref<1000x128xf32, #tpu.memory_space<vmem>>, vector<1000x128xf32>
    tpu.vector_store %arg3[%swap3A, %swap3A_9], %max3A_8 {strides = array<i32>} : memref<1000x128xf32, #tpu.memory_space<vmem>>, vector<1000x128xf32>,
    %reduce_sum3A = arith.constant dense<0.000000e+00> : vector<128xf32>
    %reduce_sum3A_11 = vector.multi_reduction <add>, %max3A_8, %reduce_sum3A [0] : vector<1000x128xf32> to vector<128xf32>
    %broadcast_in_dim3A = vector.shape_cast %reduce_sum3A_11 : vector<128xf32> to vector<1x128xf32>
    %eq3A = arith.constant 0 : i32
    %eq3A_12 = arith.cmpi eq, %arg0, %eq3A : i32
    %convert_element_type3A = arith.extui %eq3A_12 : i1 to i32
    %cond3A = arith.constant 0 : i32
    %cond3A_13 = arith.cmpi ne, %convert_element_type3A, %cond3A : i32
    scf.if %cond3A_13 {
      %broadcast_in_dim3A_44 = arith.constant 0.000000e+00 : f32
      %broadcast_in_dim3A_45 = vector.broadcast %broadcast_in_dim3A_44 : f32 to vector<2x128xf32>
      %swap3A_46 = arith.constant 0 : index
      %swap3A_47 = arith.constant 0 : index
      %swap3A_48 = vector.load %arg4[%swap3A_46, %swap3A_47] : memref<2x128xf32, #tpu.memory_space<vmem>>, vector<2x128xf32>
      tpu.vector_store %arg4[%swap3A_46, %swap3A_47], %broadcast_in_dim3A_45 {strides = array<i32>} : memref<2x128xf32, #tpu.memory_space<vmem>>, vector<2x128xf32>,
    } else {
    }
    %iota3A = tpu.iota {dimensions = array<i32: 0>} : vector<2x128xi32>
    %get3A_14 = arith.constant 0 : index
    %get3A_15 = arith.constant 0 : index
    %get3A_16 = vector.load %arg4[%get3A_14, %get3A_15] : memref<2x128xf32, #tpu.memory_space<vmem>>, vector<2x128xf32>
    %jit3A = arith.constant 5 : i32
    %div3A = arith.divsi %arg0, %jit3A : i32
    %sign3A = arith.constant 0 : i32
    %sign3A_17 = arith.cmpi sgt, %arg0, %sign3A : i32
    %sign3A_18 = arith.extui %sign3A_17 : i1 to i32
    %sign3A_19 = arith.constant 0 : i32
    %sign3A_20 = arith.cmpi slt, %arg0, %sign3A_19 : i32
    %sign3A_21 = arith.extui %sign3A_20 : i1 to i32
    %sign3A_22 = arith.subi %sign3A_18, %sign3A_21 : i32
    %sign3A_23 = arith.constant 0 : i32
    %sign3A_24 = arith.cmpi sgt, %jit3A, %sign3A_23 : i32
    %sign3A_25 = arith.extui %sign3A_24 : i1 to i32
    %sign3A_26 = arith.constant 0 : i32
    %sign3A_27 = arith.cmpi slt, %jit3A, %sign3A_26 : i32
    %sign3A_28 = arith.extui %sign3A_27 : i1 to i32
    %sign3A_29 = arith.subi %sign3A_25, %sign3A_28 : i32
    %ne3A = arith.cmpi ne, %sign3A_22, %sign3A_29 : i32
    %rem3A = arith.remsi %arg0, %jit3A : i32
    %ne3A_30 = arith.constant 0 : i32
    %ne3A_31 = arith.cmpi ne, %rem3A, %ne3A_30 : i32
    %and3A = arith.andi %ne3A, %ne3A_31 : i1
    %sub3A = arith.constant 1 : i32
    %sub3A_32 = arith.subi %div3A, %sub3A : i32
    %select_n3A = arith.select %and3A, %sub3A_32, %div3A : i32
    %eq3A_33 = vector.broadcast %select_n3A : i32 to vector<2x128xi32>
    %eq3A_34 = arith.cmpi eq, %iota3A, %eq3A_33 : vector<2x128xi32>
    %jit3A_35 = arith.constant 0.000000e+00 : f32
    %broadcast_in_dim3A_36 = vector.shape_cast %broadcast_in_dim3A : vector<1x128xf32> to vector<1x128xf32>
    %broadcast_in_dim3A_37 = vector.broadcast %broadcast_in_dim3A_36 : vector<1x128xf32> to vector<2x128xf32>
    %broadcast_in_dim3A_38 = vector.broadcast %jit3A_35 : f32 to vector<2x128xf32>
    %select_n3A_39 = arith.select %eq3A_34, %broadcast_in_dim3A_37, %broadcast_in_dim3A_38 : vector<2x128xi1>, vector<2x128xf32>
    %add3A_40 = arith.addf %get3A_16, %select_n3A_39 : vector<2x128xf32>
    %swap3A_41 = arith.constant 0 : index
    %swap3A_42 = arith.constant 0 : index
    %swap3A_43 = vector.load %arg4[%swap3A_41, %swap3A_42] : memref<2x128xf32, #tpu.memory_space<vmem>>, vector<2x128xf32>
    tpu.vector_store %arg4[%swap3A_41, %swap3A_42], %add3A_40 {strides = array<i32>} : memref<2x128xf32, #tpu.memory_space<vmem>>, vector<2x128xf32>,
    return
  }
  func.func @transform_0(%arg0: i32) -> (i32, i32) {
    %c0_i32 = arith.constant 0 : i32
    %c0_i32_0 = arith.constant 0 : i32
    return %arg0, %c0_i32 : i32, i32
  }
  func.func @transform_1(%arg0: i32) -> (i32, i32, i32) {
    %jit3A = arith.constant 5 : i32
    %div3A = arith.divsi %arg0, %jit3A : i32
    %sign3A = arith.constant 0 : i32
    %sign3A_0 = arith.cmpi sgt, %arg0, %sign3A : i32
    %sign3A_1 = arith.extui %sign3A_0 : i1 to i32
    %sign3A_2 = arith.constant 0 : i32
    %sign3A_3 = arith.cmpi slt, %arg0, %sign3A_2 : i32
    %sign3A_4 = arith.extui %sign3A_3 : i1 to i32
    %sign3A_5 = arith.subi %sign3A_1, %sign3A_4 : i32
    %sign3A_6 = arith.constant 0 : i32
    %sign3A_7 = arith.cmpi sgt, %jit3A, %sign3A_6 : i32
    %sign3A_8 = arith.extui %sign3A_7 : i1 to i32
    %sign3A_9 = arith.constant 0 : i32
    %sign3A_10 = arith.cmpi slt, %jit3A, %sign3A_9 : i32
    %sign3A_11 = arith.extui %sign3A_10 : i1 to i32
    %sign3A_12 = arith.subi %sign3A_8, %sign3A_11 : i32
    %ne3A = arith.cmpi ne, %sign3A_5, %sign3A_12 : i32
    %rem3A = arith.remsi %arg0, %jit3A : i32
    %ne3A_13 = arith.constant 0 : i32
    %ne3A_14 = arith.cmpi ne, %rem3A, %ne3A_13 : i32
    %and3A = arith.andi %ne3A, %ne3A_14 : i1
    %sub3A = arith.constant 1 : i32
    %sub3A_15 = arith.subi %div3A, %sub3A : i32
    %select_n3A = arith.select %and3A, %sub3A_15, %div3A : i32
    %jit3A_16 = arith.constant 5 : i32
    %eq3A = arith.constant 0 : i32
    %eq3A_17 = arith.cmpi eq, %jit3A_16, %eq3A : i32
    %jit3A_18 = arith.constant 1 : i32
    %select_n3A_19 = arith.select %eq3A_17, %jit3A_18, %jit3A_16 : i32
    %rem3A_20 = arith.remsi %arg0, %select_n3A_19 : i32
    %ne3A_21 = arith.constant 0 : i32
    %ne3A_22 = arith.cmpi ne, %rem3A_20, %ne3A_21 : i32
    %lt3A = arith.constant 0 : i32
    %lt3A_23 = arith.cmpi slt, %rem3A_20, %lt3A : i32
    %lt3A_24 = arith.constant 0 : i32
    %lt3A_25 = arith.cmpi slt, %select_n3A_19, %lt3A_24 : i32
    %ne3A_26 = arith.xori %lt3A_23, %lt3A_25 : i1
    %and3A_27 = arith.andi %ne3A_26, %ne3A_22 : i1
    %add3A = arith.addi %rem3A_20, %select_n3A_19 : i32
    %select_n3A_28 = arith.select %and3A_27, %add3A, %rem3A_20 : i32
    %c0_i32 = arith.constant 0 : i32
    %c0_i32_29 = arith.constant 0 : i32
    return %select_n3A, %select_n3A_28, %c0_i32 : i32, i32, i32
  }
  func.func @transform_2(%arg0: i32) -> (i32, i32) {
    %c0_i32 = arith.constant 0 : i32
    %c0_i32_0 = arith.constant 0 : i32
    return %arg0, %c0_i32 : i32, i32
  }
  func.func @transform_3(%arg0: i32) -> (i32, i32) {
    %c0_i32 = arith.constant 0 : i32
    %c0_i32_0 = arith.constant 0 : i32
    %c0_i32_1 = arith.constant 0 : i32
    return %c0_i32, %c0_i32_0 : i32, i32
  }
}

module attributes {stable_mosaic.version = 14 : i64} {
  func.func @_head_body(%arg0: memref<2x128xf32, #tpu.memory_space<vmem>>, %arg1: memref<128x128xf32, #tpu.memory_space<vmem>>, %arg2: memref<128x128xf32, #tpu.memory_space<vmem>>, %arg3: memref<1x128xf32, #tpu.memory_space<vmem>>, %arg4: memref<128x4xf32, #tpu.memory_space<vmem>>, %arg5: memref<1x4xf32, #tpu.memory_space<vmem>>, %arg6: memref<1x1xf32, #tpu.memory_space<vmem>>, %arg7: memref<1x4xf32, #tpu.memory_space<vmem>>) attributes {dimension_semantics = [], scalar_prefetch = 0 : i64, scratch_operands = 0 : i64, tpu.core_type = #tpu.core_type<tc>} {
    %get3A = arith.constant 0 : index
    %get3A_0 = arith.constant 0 : index
    %get3A_1 = vector.load %arg0[%get3A, %get3A_0] : memref<2x128xf32, #tpu.memory_space<vmem>>, vector<2x128xf32>
    %mul3A = arith.constant 2.000000e-04 : f32
    %mul3A_2 = vector.broadcast %mul3A : f32 to vector<2x128xf32>
    %mul3A_3 = arith.mulf %get3A_1, %mul3A_2 : vector<2x128xf32>
    %slice3A = vector.extract_strided_slice %mul3A_3 {offsets = [0, 0], sizes = [1, 128], strides = [1, 1]} : vector<2x128xf32> to vector<1x128xf32>
    %slice3A_4 = vector.extract_strided_slice %mul3A_3 {offsets = [1, 0], sizes = [1, 128], strides = [1, 1]} : vector<2x128xf32> to vector<1x128xf32>
    %get3A_5 = arith.constant 0 : index
    %get3A_6 = arith.constant 0 : index
    %get3A_7 = vector.load %arg1[%get3A_5, %get3A_6] : memref<128x128xf32, #tpu.memory_space<vmem>>, vector<128x128xf32>
    %dot_general3A = arith.constant dense<0.000000e+00> : vector<1x128xf32>
    %dot_general3A_8 = tpu.matmul %slice3A, %get3A_7, %dot_general3A {dimension_numbers = #tpu.dot_dimension_numbers<[1], [0], [0], [1], [0, 0, 1, 1], [], []>, transpose_lhs_hint = false} : vector<1x128xf32>, vector<128x128xf32>, vector<1x128xf32> -> vector<1x128xf32>
    %get3A_9 = arith.constant 0 : index
    %get3A_10 = arith.constant 0 : index
    %get3A_11 = vector.load %arg2[%get3A_9, %get3A_10] : memref<128x128xf32, #tpu.memory_space<vmem>>, vector<128x128xf32>
    %dot_general3A_12 = arith.constant dense<0.000000e+00> : vector<1x128xf32>
    %dot_general3A_13 = tpu.matmul %slice3A_4, %get3A_11, %dot_general3A_12 {dimension_numbers = #tpu.dot_dimension_numbers<[1], [0], [0], [1], [0, 0, 1, 1], [], []>, transpose_lhs_hint = false} : vector<1x128xf32>, vector<128x128xf32>, vector<1x128xf32> -> vector<1x128xf32>
    %add3A = arith.addf %dot_general3A_8, %dot_general3A_13 : vector<1x128xf32>
    %get3A_14 = arith.constant 0 : index
    %get3A_15 = arith.constant 0 : index
    %get3A_16 = vector.load %arg3[%get3A_14, %get3A_15] : memref<1x128xf32, #tpu.memory_space<vmem>>, vector<1x128xf32>
    %add3A_17 = arith.addf %add3A, %get3A_16 : vector<1x128xf32>
    %max3A = arith.constant 0.000000e+00 : f32
    %max3A_18 = vector.broadcast %max3A : f32 to vector<1x128xf32>
    %max3A_19 = arith.maximumf %add3A_17, %max3A_18 : vector<1x128xf32>
    %get3A_20 = arith.constant 0 : index
    %get3A_21 = arith.constant 0 : index
    %get3A_22 = vector.load %arg4[%get3A_20, %get3A_21] : memref<128x4xf32, #tpu.memory_space<vmem>>, vector<128x4xf32>
    %dot_general3A_23 = arith.constant dense<0.000000e+00> : vector<1x4xf32>
    %dot_general3A_24 = tpu.matmul %max3A_19, %get3A_22, %dot_general3A_23 {dimension_numbers = #tpu.dot_dimension_numbers<[1], [0], [0], [1], [0, 0, 1, 1], [], []>, transpose_lhs_hint = false} : vector<1x128xf32>, vector<128x4xf32>, vector<1x4xf32> -> vector<1x4xf32>
    %get3A_25 = arith.constant 0 : index
    %get3A_26 = arith.constant 0 : index
    %get3A_27 = vector.load %arg5[%get3A_25, %get3A_26] : memref<1x4xf32, #tpu.memory_space<vmem>>, vector<1x4xf32>
    %add3A_28 = arith.addf %dot_general3A_24, %get3A_27 : vector<1x4xf32>
    %swap3A = arith.constant 0 : index
    %swap3A_29 = arith.constant 0 : index
    %swap3A_30 = vector.load %arg7[%swap3A, %swap3A_29] : memref<1x4xf32, #tpu.memory_space<vmem>>, vector<1x4xf32>
    tpu.vector_store %arg7[%swap3A, %swap3A_29], %add3A_28 {strides = array<i32>} : memref<1x4xf32, #tpu.memory_space<vmem>>, vector<1x4xf32>,
    %mul3A_31 = arith.mulf %slice3A, %slice3A_4 : vector<1x128xf32>
    %reduce_sum3A = arith.constant dense<0.000000e+00> : vector<1xf32>
    %reduce_sum3A_32 = vector.multi_reduction <add>, %mul3A_31, %reduce_sum3A [1] : vector<1x128xf32> to vector<1xf32>
    %broadcast_in_dim3A = vector.shape_cast %reduce_sum3A_32 : vector<1xf32> to vector<1x1xf32>
    %mul3A_33 = arith.mulf %slice3A, %slice3A : vector<1x128xf32>
    %reduce_sum3A_34 = arith.constant dense<0.000000e+00> : vector<1xf32>
    %reduce_sum3A_35 = vector.multi_reduction <add>, %mul3A_33, %reduce_sum3A_34 [1] : vector<1x128xf32> to vector<1xf32>
    %broadcast_in_dim3A_36 = vector.shape_cast %reduce_sum3A_35 : vector<1xf32> to vector<1x1xf32>
    %sqrt3A = math.sqrt %broadcast_in_dim3A_36 : vector<1x1xf32>
    %mul3A_37 = arith.mulf %slice3A_4, %slice3A_4 : vector<1x128xf32>
    %reduce_sum3A_38 = arith.constant dense<0.000000e+00> : vector<1xf32>
    %reduce_sum3A_39 = vector.multi_reduction <add>, %mul3A_37, %reduce_sum3A_38 [1] : vector<1x128xf32> to vector<1xf32>
    %broadcast_in_dim3A_40 = vector.shape_cast %reduce_sum3A_39 : vector<1xf32> to vector<1x1xf32>
    %sqrt3A_41 = math.sqrt %broadcast_in_dim3A_40 : vector<1x1xf32>
    %mul3A_42 = arith.mulf %sqrt3A, %sqrt3A_41 : vector<1x1xf32>
    %add3A_43 = arith.constant 9.99999993E-9 : f32
    %add3A_44 = vector.broadcast %add3A_43 : f32 to vector<1x1xf32>
    %add3A_45 = arith.addf %mul3A_42, %add3A_44 : vector<1x1xf32>
    %div3A = arith.divf %broadcast_in_dim3A, %add3A_45 : vector<1x1xf32>
    %swap3A_46 = arith.constant 0 : index
    %swap3A_47 = arith.constant 0 : index
    %swap3A_48 = vector.load %arg6[%swap3A_46, %swap3A_47] : memref<1x1xf32, #tpu.memory_space<vmem>>, vector<1x1xf32>
    tpu.vector_store %arg6[%swap3A_46, %swap3A_47], %div3A {strides = array<i32>} : memref<1x1xf32, #tpu.memory_space<vmem>>, vector<1x1xf32>,
    return
  }
}

</mosaic_0001>

<sc_bundles>
// kernel: kernel.11.cloned.1.call-start
scs
__scs_entry_jumppad:
0x0: {  	(pc) =	sbr.rel $0x88, $3  }
0x1: {  	(tag) =	ssettag $0x0;
	lr =	simm.s32 $0x1  }
0x2: {  	[smem:$0x3F90] =	sst lr;
	_ =	strace $0xD0000000  }
0x3: {  	_ = 	snop  }
0x4: {  	_ = 	snop  }
0x5: {  	_ = 	snop  }
0x6: {  	_ = 	snop  }
0x7: {  	_ = 	snop  }
__scs_overlays_trampoline_lowered:
0x8: {  	[smem:$0x3F9F] =	sst s0  }
0x9: {  	[smem:$0x3FA0] =	sst s1  }
0xa: {  	[smem:$0x3FA1] =	sst s2  }
0xb: {  	[smem:$0x3FA2] =	sst s3  }
0xc: {  	[smem:$0x3FA3] =	sst s4  }
0xd: {  	[smem:$0x3FA4] =	sst s5  }
0xe: {  	[smem:$0x3FA5] =	sst s6  }
0xf: {  	[smem:$0x3FA6] =	sst s7  }
0x10: {  	[smem:$0x3FA7] =	sst s8  }
0x11: {  	[smem:$0x3FA8] =	sst s9;
	s0 =	simm.s32 @!p0 $0x0  }
0x12: {  	s1 =	sld [smem:$0x3F8E];
	s0 =	simm.s32 @p0 $0x1  }
0x13: {  	[smem:$0x3FA9] =	sst s0;
	s0 =	simm.s32 @!p1 $0x0  }
0x14: {  	s2 =	sld [smem:$0x3F8D];
	s0 =	simm.s32 @p1 $0x1  }
0x15: {  	[smem:$0x3FAA] =	sst s0;
	s0 =	simm.s32 @!p2 $0x0  }
0x16: {  	s3 =	sld [smem:$0x3FDB];
	s0 =	simm.s32 @p2 $0x1  }
0x17: {  	s4 =	simm.s32 $0x1BF5;
	[smem:$0x3FAC] =	sst s0  }
0x18: {  	s0 =	sld [smem:$0x3F8F];
	_ =	swait.ge [sflag:s4], $0x0  }
0x19: {  	s7 =	sld [smem:$0x3F90]  }
0x1a: {  	s8 =	sadd.s32 $0xFFFFE003, lr  }
0x1b: {  	s9 =	sadd.s32 $0xFFFFFEF7, lr;
	s5 =	simm.s32 $0xFFFFFFFF;
	p2 =	slt.u32 s8, $0xFFFFF086  }
0x1c: {  	p1 =	slt.u32 s9, $0xF7A;
	s5 =	simm.s32 @!p2 $0x0  }
0x1d: {  	s5 =	simm.s32 @p1 $0x1;
	p0 =	seq.s32 s7, s2  }
0x1e: {  	s7 =	smul.u32 @!p0 $0xF7A, s2;
	p2 =	seq.s32 @!p0 s5, $0x0  }
0x1f: {  	s9 =	smul.u32 $0xF7A, s1;
	s8 =	simm.s32 @!p0 $0x1BF5;
	p2 =	por !p2, p0  }
0x20: {  	[sflag:s8] =	ssyncset.s32 @!p0 $0xFFFFF086;
	s6 =	sadd.s32 @!p0 s3, s7;
	s7 =	simm.s32 @!p0 $0x108  }
0x21: {  	s3 =	sadd.s32 s3, s9;
	s6 =	sadd.s32 @!p0 $0x88, s6;
	s7 =	simm.s32 @p2 $0x1082  }
0x22: {  	[simem:s7], [sflag:s8] =	dma.local @!p0 [hbm:s6], $0xF7A  }
0x23: {  	s9 =	sor.u32 $0xD0000000, s2;
	s6 =	simm.s32 $0x108;
	_ =	swait.ge @!p0 [sflag:s8], $0x0  }
0x24: {  	s3 =	sadd.s32 $0x88, s3;
	s6 =	simm.s32 @!p1 $0x1082;
	[sflag:s4] =	ssyncset.s32 $0xFFFFF086  }
0x25: {  	[simem:s6], [sflag:s4] =	dma.local [hbm:s3], $0xF7A  }
0x26: {  	[smem:$0x3F90] =	sst s1;
	(tag) =	ssettag s2;
	_ =	strace s9  }
0x27: {  	s1 =	sld [smem:$0x3FA0]  }
0x28: {  	s2 =	sld [smem:$0x3FA1]  }
0x29: {  	s4 =	sld [smem:$0x3FA3]  }
0x2a: {  	p0 =	seq.s32 s5, $0x0;
	s5 =	sld [smem:$0x3FA4]  }
0x2b: {  	s6 =	sld [smem:$0x3FA5]  }
0x2c: {  	s7 =	sld [smem:$0x3FA6]  }
0x2d: {  	s3 =	simm.s32 $0x108;
	s8 =	sld [smem:$0x3FA7]  }
0x2e: {  	s3 =	simm.s32 @!p0 $0x1082;
	s9 =	sld [smem:$0x3FA8]  }
0x2f: {  	lr =	sadd.s32 s0, s3;
	s0 =	sld [smem:$0x3F9F]  }
0x30: {  	s3 =	sld [smem:$0x3FA2]  }
0x31: {  	[smem:$0x3FAB] =	sst s10  }
0x32: {  	s10 =	sld [smem:$0x3FA9];
	_ =	sdelay $0x3  }
0x33: {  	p0 =	seq.s32 s10, $0x1;
	s10 =	sld [smem:$0x3FAB];
	_ =	sdelay $0x3  }
0x34: {  	[smem:$0x3FAB] =	sst s10  }
0x35: {  	s10 =	sld [smem:$0x3FAA];
	_ =	sdelay $0x3  }
0x36: {  	p1 =	seq.s32 s10, $0x1;
	s10 =	sld [smem:$0x3FAB];
	_ =	sdelay $0x3  }
0x37: {  	[smem:$0x3FAB] =	sst s10  }
0x38: {  	s10 =	sld [smem:$0x3FAC]  }
0x39: {  	_ = 	snop;
	(pc) =	sbr.ind lr, $3  }
0x3a: {  	_ = 	snop  }
0x3b: {  	_ = 	snop  }
0x3c: {  	p2 =	seq.s32 s10, $0x1;
	s10 =	sld [smem:$0x3FAB]  }
0x3d: {  	_ =	shalt  }
0x3e: {  	_ =	shalt  }
0x3f: {  	_ =	shalt  }
0x40: {  	_ =	shalt  }
0x41: {  	_ =	shalt  }
0x42: {  	_ =	shalt  }
0x43: {  	_ =	shalt  }
0x44: {  	_ =	shalt  }
0x45: {  	_ =	shalt  }
0x46: {  	_ =	shalt  }
0x47: {  	_ =	shalt  }
0x48: {  	_ =	shalt  }
0x49: {  	_ =	shalt  }
0x4a: {  	_ =	shalt  }
0x4b: {  	_ =	shalt  }
0x4c: {  	_ =	shalt  }
0x4d: {  	_ =	shalt  }
0x4e: {  	_ =	shalt  }
0x4f: {  	_ =	shalt  }
0x50: {  	_ =	shalt  }
0x51: {  	_ =	shalt  }
0x52: {  	_ =	shalt  }
0x53: {  	_ =	shalt  }
0x54: {  	_ =	shalt  }
0x55: {  	_ =	shalt  }
0x56: {  	_ =	shalt  }
0x57: {  	_ =	shalt  }
0x58: {  	_ =	shalt  }
0x59: {  	_ =	shalt  }
0x5a: {  	_ =	shalt  }
0x5b: {  	_ =	shalt  }
0x5c: {  	_ =	shalt  }
0x5d: {  	_ =	shalt  }
0x5e: {  	_ =	shalt  }
0x5f: {  	_ =	shalt  }
0x60: {  	_ =	shalt  }
0x61: {  	_ =	shalt  }
0x62: {  	_ =	shalt  }
0x63: {  	_ =	shalt  }
0x64: {  	_ =	shalt  }
0x65: {  	_ =	shalt  }
0x66: {  	_ =	shalt  }
0x67: {  	_ =	shalt  }
0x68: {  	_ =	shalt  }
0x69: {  	_ =	shalt  }
0x6a: {  	_ =	shalt  }
0x6b: {  	_ =	shalt  }
0x6c: {  	_ =	shalt  }
0x6d: {  	_ =	shalt  }
0x6e: {  	_ =	shalt  }
0x6f: {  	_ =	shalt  }
0x70: {  	_ =	shalt  }
0x71: {  	_ =	shalt  }
0x72: {  	_ =	shalt  }
0x73: {  	_ =	shalt  }
0x74: {  	_ =	shalt  }
0x75: {  	_ =	shalt  }
0x76: {  	_ =	shalt  }
0x77: {  	_ =	shalt  }
0x78: {  	_ =	shalt  }
0x79: {  	_ =	shalt  }
0x7a: {  	_ =	shalt  }
0x7b: {  	_ =	shalt  }
0x7c: {  	_ =	shalt  }
0x7d: {  	_ =	shalt  }
0x7e: {  	_ =	shalt  }
0x7f: {  	_ =	shalt  }
0x80: {  	_ =	shalt  }
0x81: {  	_ =	shalt  }
0x82: {  	_ =	shalt  }
0x83: {  	_ =	shalt  }
0x84: {  	_ =	shalt  }
0x85: {  	_ =	shalt  }
0x86: {  	_ =	shalt  }
0x87: {  	_ =	shalt  }
.Lfunc_end0:
.L_simem_size_0:
called_computation_lowered:
.L_overlay_start_0:
0x88: {  	s2 =	sld [smem:$0x3FD9]  }
0x89: {  	s3 =	sld [smem:$0x3FFE];
	_ =	sdelay $0x1  }
0x8a: {  	s1 =	srdreg.scid  }
0x8b: {  	s0 =	sand.u32 $0x1, s1  }
0x8c: {  	s14 =	sshll.u32 s0, $0xA;
	s2 =	sadd.s32 s3, s2  }
0x8d: {  	s2 =	sadd.s32 s2, s14  }
0x8e: {  	[smem:$0x3FB7] =	sst s2  }
0x8f: {  	_ = 	snop  }
0x90: {  	s2 =	sld [smem:$0x3FD0];
	_ =	sdelay $0x2  }
0x91: {  	s15 =	simm.s32 $0xA;
	s4 =	simm.s32 $0x10  }
0x92: {  	[smem:s4], [sflag:s15] =	dma.local [hbm:s2], $0x1  }
0x93: {  	_ =	swait.eq [sflag:s15], $0x1  }
0x94: {  	[sflag:s15] =	ssyncset.done $0x0  }
0x95: {  	[sflag:s15] =	ssyncadd.s32 $0xFFFFFFFF  }
0x96: {  	s16 =	sld [smem:$0x11];
	(tm) =	ssettm $0x1  }
0x97: {  	s17 =	sld [smem:$0x3FFB];
	_ =	sdelay $0x3  }
0x98: {  	_ =	strace s17  }
0x99: {  	s3 =	sld [smem:$0x3FFC];
	_ =	sdelay $0x3  }
0x9a: {  	_ =	strace s3  }
0x9b: {  	s3 =	sld [smem:$0x3FFD];
	_ =	sdelay $0x3  }
0x9c: {  	_ =	strace s3  }
0x9d: {  	_ =	strace $0x8FFFFFFF  }
0x9e: {  	s18 =	sld [smem:$0x3FDB];
	_ =	sdelay $0x1  }
0x9f: {  	s19 =	simm.s32 $_scs_section_size  }
0xa0: {  	s5 =	simm.s32 $_size__tile_overlayer_lowered;
	s6 =	simm.s32 $_tile_overlayer_lowered  }
0xa1: {  	s22 =	simm.s32 $0x1BFF;
	s21 =	sshll.u32 s6, $0x1;
	s3 =	sadd.s32 s19, s18  }
0xa2: {  	s7 =	simm.s32 $0x0;
	s20 =	sshll.u32 s5, $0x1;
	s5 =	sadd.s32 s21, s3  }
0xa3: {  	[timem:s7], [sflag:s22] =	dma.local [hbm:s5], s20  }
0xa4: {  	_ =	swait.ge [sflag:s22], s20  }
0xa5: {  	s4 =	ssub.s32 $0x0, s20;
	[sflag:s22] =	ssyncset.done $0x0  }
0xa6: {  	[sflag:s22] =	ssyncadd.s32 s4;
	_ =	sdelay $0x1  }
0xa7: {  	s23 =	simm.s32 $0x1B8B  }
0xa8: {  	_ =	swait.ge [sflag:s23], $0x1  }
0xa9: {  	[sflag:s23] =	ssyncset.done $0x0  }
0xaa: {  	s25 =	simm.s32 $0x1B8E;
	s24 =	sld [smem:$0x3FFE];
	[sflag:s23] =	ssyncadd.s32 $0xFFFFFFFF  }
0xab: {  	s26 =	simm.s32 $execute0_lowered;
	[smem:$0x3FD2] =	sst s25  }
0xac: {  	s5 =	sshll.u32 s26, $0x1;
	_ =	strace $0x80000046;
	[dreg:$0x1] =	wrdreg $0xFFFFFFFF  }
0xad: {  	s28 =	simm.s32 $_size_execute0_lowered;
	s3 =	sadd.s32 s3, s5;
	[dreg:$0x0] =	wrdreg $0x0  }
0xae: {  	s5 =	sshll.u32 s28, $0x1;
	[dreg:$0x2] =	wrdreg s3  }
0xaf: {  	[dreg:$0x3] =	wrdreg s5  }
0xb0: {  	[dreg:$0x4] =	wrdreg $0xC0  }
0xb1: {  	_ =	task [dreg:s7], $0x5FFFF  }
0xb2: {  	[dreg:$0x1] =	wrdreg $0xFFFFFFFF  }
0xb3: {  	[dreg:$0x0] =	wrdreg $0x60  }
0xb4: {  	[dreg:$0x2] =	wrdreg s24  }
0xb5: {  	[dreg:$0x3] =	wrdreg s16  }
0xb6: {  	[dreg:$0x4] =	wrdreg $0xA8000  }
0xb7: {  	[dreg:$0x5] =	wrdreg $0x148000  }
0xb8: {  	[dreg:$0x6] =	wrdreg $0x9  }
0xb9: {  	_ =	task.clear_ibuf [dreg:s7], $0x7FFFF;
	_ =	strace $0x90000046  }
0xba: {  	s29 =	simm.s32 $0x9;
	_ =	strace $0x80000048  }
0xbb: {  	_ =	swait.ge [sflag:s29], $0x1  }
0xbc: {  	[sflag:s29] =	ssyncadd.s32 $0xFFFFFFFF  }
0xbd: {  	_ =	strace $0x90000048  }
0xbe: {  	_ =	sfence  }
0xbf: {  	s30 =	sld [smem:$0x0];
	_ =	sdelay $0x2  }
0xc0: {  	s31 =	sshll.u32 s1, $0xD;
	s1 =	sshrl.u32 s1, $0x2  }
0xc1: {  	s3 =	sand.u32 $0x4000, s31;
	s1 =	sadd.s32 s1, s30  }
0xc2: {  	s0 =	sor.u32 s3, s0;
	s1 =	sshll.u32 s1, $0x11  }
0xc3: {  	s0 =	sor.u32 s1, s0  }
0xc4: {  	s0 =	sadd.s32 $0x8F2B, s0  }
0xc5: {  	[sflag:s0] =	ssyncadd.remote.s32 $0x1  }
0xc6: {  	_ =	sfence.sel $0xFFFF  }
0xc7: {  	[dreg:$0x0] =	wrdreg $0xFFFFFFFF;
	(pc) =	sbr.abs _section_cstart, $3  }
0xc8: {  	[dreg:$0x1] =	wrdreg $0xFFFFFFFF  }
0xc9: {  	_ =	task.clear_ibuf [dreg:s7], $0x2FFFF;
	_ =	strace $0x9FFFFFFF  }
0xca: {  	(tm) =	ssettm $0x7FFFFFFF  }
0xcb: {  	_ =	shalt  }
tec
execute0_lowered:
.L_overlay_start_1:
0x0: {  	(tag) =	ssettag $0x1  }
0x1: {  	s1 =	rddreg [dreg:$0x0]  }
0x2: {  	s13 =	rddreg [dreg:$0x1]  }
0x3: {  	s2 =	rddreg [dreg:$0x2]  }
0x4: {  	s0 =	srdreg.scid;
	s3 =	rddreg [dreg:$0x3];
	s4 =	simm.s32 $0x0  }
0x5: {  	s21 =	simm.s32 $0x1;
	s22 =	simm.s32 $0x80;
	s9 =	sand.u32 $0x1, s0  }
0x6: {  	s23 =	simm.s32 $0x2;
	s0 =	stileid.u32;
	s5 =	smul.u32 $0x14000, s9  }
0x7: {  	s24 =	simm.s32 $0x6800;
	s25 =	simm.s32 $0x3;
	s11 =	smul.u32 $0x1400, s0  }
0x8: {  	s28 =	simm.s32 $0x5;
	s29 =	simm.s32 $0x2780;
	s14 =	smul.u32 $0xA000, s0  }
0x9: {  	s30 =	simm.s32 $0x0;
	[smem:$0x7FF] =	sst s4;
	s8 =	smul.u32 $0x28000, s0  }
0xa: {  	s12 =	sadd.s32 $0xD400, s1;
	s18 =	sadd.s32 $0x96000, s3;
	s15 =	smul.u32 $0x13880, s9  }
0xb: {  	_ =	strace $0x80000047;
	s6 =	ssub.s32 $0x2, s9;
	s16 =	smul.u32 $0x9C400, s9  }
0xc: {  	s17 =	smul.u32 $0xA0000, s9;
	p0 =	seq.s32 s0, $0xF;
	s26 =	sshrl.u32 s6, $0x1  }
0xd: {  	s18 =	sshrl.u32 @p0 s18, $0x3;
	s5 =	sadd.s32 s11, s5;
	s10 =	sshrl.u32 s8, $0x2  }
0xe: {  	s8 =	sadd.s32 s14, s2;
	s20 =	sadd.s32 s14, s3;
	s11 =	sadd.s32 s11, s15  }
0xf: {  	s31 =	sshrl.u32 s16, $0x3;
	s14 =	sadd.s32 s14, s17;
	s15 =	simm.s32 $0x6  }
0x10: {  	s16 =	simm.s32 $0x1400;
	s17 =	simm.s32 $0x2800;
	s5 =	sshrl.u32 s5, $0x3  }
0x11: {  	s10 =	sadd.s32 s10, s2;
	s11 =	sadd.s32 s12, s11;
	s12 =	sadd.s32 s12, s31  }
0x12: {  	s14 =	sshrl.u32 s14, $0x3;
	s20 =	sshrl.u32 @!p0 s20, $0x3;
	s7 =	sadd.s32 s5, s1  }
0x13: {  	s5 =	sadd.s32 $0x34600, s1;
	s1 =	ssub.s32 s6, s26;
	s9 =	sadd.s32 $0x4000, s10  }
0x14: {  	s10 =	sadd.s32 $0x8000, s10;
	s12 =	sadd.s32 $0x12C00, s12;
	s13 =	sadd.s32 s13, s14  }
0x15: {  	s26 =	simm.s32 $0x4;
	s14 =	smax.u32 s1, $0x1;
	s1 =	sshll.u32 @!p0 s0, $0x6  }
0x16: {  	s6 =	sadd.s32 $0x3400, s7;
	s7 =	sadd.s32 $0x8400, s7;
	s19 =	sor.u32 @!p0 $0x1C06, s1  }
.LBB2_1:
0x17: {  	[tilespmem:s4], [sflag:$0x6] =	stream.linear.gather [hbm4b:s6+s4], $0x1400, $0x38;
	[tilespmem:$0x1E440] =	vst v63  }
0x18: {  	_ =	swait.ge [sflag:s15], $0x1400  }
0x19: {  	[sflag:s15] =	ssyncset.done $0x0  }
0x1a: {  	[sflag:s15] =	ssyncadd.s32 $0xFFFFEC00  }
0x1b: {  	[tilespmem:s16], [sflag:$0x6] =	stream.linear.gather [hbm4b:s7+s4], $0x1400, $0x38;
	[tilespmem:$0x1E440] =	vst v63  }
0x1c: {  	_ =	swait.ge [sflag:s15], $0x1400  }
0x1d: {  	[sflag:s15] =	ssyncset.done $0x0  }
0x1e: {  	[sflag:s15] =	ssyncadd.s32 $0xFFFFEC00  }
0x1f: {  	[tilespmem:s17], [sflag:$0x6] =	stream.linear.gather [hbm4b:s5+s4], $0x4000, $0x38;
	[tilespmem:$0x1E440] =	vst v63  }
0x20: {  	_ =	swait.ge [sflag:s15], $0x4000  }
0x21: {  	[sflag:s15] =	ssyncset.done $0x0  }
0x22: {  	[sflag:s15] =	ssyncadd.s32 $0xFFFFC000  }
0x23: {  	[spmem:s8] =	stream.linear.scatter [tilespmem:s17], [sflag:$0x1], $0x4000, $0x38;
	[tilespmem:$0x1E440] =	vst v63  }
0x24: {  	_ = 	snop  }
0x25: {  	[spmem:s9] =	stream.linear.scatter [tilespmem:s17], [sflag:$0x1], $0x4000, $0x38;
	[tilespmem:$0x1E440] =	vst v63  }
0x26: {  	s1 =	simm.s32 @p0 $0x1FC6  }
0x27: {  	[spmem:s10] =	stream.linear.scatter [tilespmem:s17], [sflag:$0x1], $0x2000, $0x38;
	[tilespmem:$0x1E440] =	vst v63  }
0x28: {  	[spmem:s18], [sflag:s1] =	dma.local @p0 [hbm:s12], $0xC80  }
0x29: {  	s1 =	simm.s32 @p0 $0x6  }
0x2a: {  	_ =	swait.ge @p0 [sflag:s1], $0xC80  }
0x2b: {  	[sflag:s1] =	ssyncset.done @p0 $0x0  }
0x2c: {  	[sflag:s1] =	ssyncadd.s32 @p0 $0xFFFFF380;
	s1 =	simm.s32 @!p0 $0x6  }
0x2d: {  	[spmem:s20], [sflag:s19] =	dma.local @!p0 [hbm:s11], $0x1400  }
0x2e: {  	_ =	swait.ge @!p0 [sflag:s1], $0x1400  }
0x2f: {  	[sflag:s1] =	ssyncset.done @!p0 $0x0  }
0x30: {  	[sflag:s1] =	ssyncadd.s32 @!p0 $0xFFFFEC00  }
0x31: {  	_ =	swait.ge [sflag:s21], $0x4000  }
0x32: {  	[sflag:s21] =	ssyncset.done $0x0  }
0x33: {  	[sflag:s21] =	ssyncadd.s32 $0xFFFFC000  }
0x34: {  	_ =	swait.ge [sflag:s21], $0x4000  }
0x35: {  	[sflag:s21] =	ssyncset.done $0x0  }
0x36: {  	[sflag:s21] =	ssyncadd.s32 $0xFFFFC000  }
0x37: {  	_ =	swait.ge [sflag:s21], $0x2000  }
0x38: {  	[sflag:s21] =	ssyncset.done $0x0  }
0x39: {  	[sflag:s21] =	ssyncadd.s32 $0xFFFFE000  }
0x3a: {  	[bflag:$0x0] =	sbarrier.arrive $0xFFFF  }
0x3b: {  	[tilespmem:s17], [sflag:$0x2] =	stream.indirect.gather [spmem:s3], $0x80, s4, s22, $0xb8;
	[tilespmem:$0x1E440] =	vst v63  }
0x3c: {  	_ =	swait.ge [sflag:s23], $0x4000  }
0x3d: {  	[sflag:s23] =	ssyncset.done $0x0  }
0x3e: {  	[sflag:s23] =	ssyncadd.s32 $0xFFFFC000  }
0x3f: {  	[spmem:s2] =	stream.indirect.scatter.add.f32 [tilespmem:s17], [sflag:$0x4], $0x80, s16, s22, $0xb8;
	[tilespmem:$0x1E440] =	vst v63  }
0x40: {  	_ = 	snop  }
0x41: {  	[tilespmem:s24], [sflag:$0x3] =	stream.indirect.gather [spmem:s3], $0x80, s22, s22, $0xb8;
	[tilespmem:$0x1E440] =	vst v63  }
0x42: {  	_ =	swait.ge [sflag:s25], $0x4000  }
0x43: {  	[sflag:s25] =	ssyncset.done $0x0  }
0x44: {  	s0 =	simm.s32 $0x1480;
	[sflag:s25] =	ssyncadd.s32 $0xFFFFC000  }
0x45: {  	[spmem:s2] =	stream.indirect.scatter.add.f32 [tilespmem:s24], [sflag:$0x5], $0x80, s0, s22, $0xb8;
	[tilespmem:$0x1E440] =	vst v63  }
0x46: {  	_ =	swait.ge [sflag:s26], $0x4000  }
0x47: {  	[sflag:s26] =	ssyncset.done $0x0  }
0x48: {  	s0 =	simm.s32 $0x100;
	[sflag:s26] =	ssyncadd.s32 $0xFFFFC000  }
0x49: {  	[tilespmem:s17], [sflag:$0x2] =	stream.indirect.gather [spmem:s3], $0x80, s0, s22, $0xb8;
	[tilespmem:$0x1E440] =	vst v63  }
0x4a: {  	_ =	swait.ge [sflag:s23], $0x4000  }
0x4b: {  	[sflag:s23] =	ssyncset.done $0x0  }
0x4c: {  	s0 =	simm.s32 $0x1500;
	[sflag:s23] =	ssyncadd.s32 $0xFFFFC000  }
0x4d: {  	[spmem:s2] =	stream.indirect.scatter.add.f32 [tilespmem:s17], [sflag:$0x4], $0x80, s0, s22, $0xb8;
	[tilespmem:$0x1E440] =	vst v63  }
0x4e: {  	_ =	swait.ge [sflag:s28], $0x4000  }
0x4f: {  	[sflag:s28] =	ssyncset.done $0x0  }
0x50: {  	s31 =	simm.s32 $0xFFFFB800;
	s1 =	simm.s32 $0x180;
	[sflag:s28] =	ssyncadd.s32 $0xFFFFC000  }
.LBB2_2:
0x51: {  	[tilespmem:s24], [sflag:$0x3] =	stream.indirect.gather [spmem:s3], $0x80, s1, s22, $0xb8;
	[tilespmem:$0x1E440] =	vst v63  }
0x52: {  	s1 =	smov.u32 s31  }
0x53: {  	p1 =	sne.s32 s31, $0xFFFFFC00;
	s31 =	sadd.s32 $0x400, s31;
	_ =	swait.ge [sflag:s25], $0x4000  }
0x54: {  	s1 =	sshra.s32 s1, $0x2;
	[sflag:s25] =	ssyncset.done $0x0  }
0x55: {  	s0 =	sadd.s32 $0x2780, s1;
	[sflag:s25] =	ssyncadd.s32 $0xFFFFC000  }
0x56: {  	[spmem:s2] =	stream.indirect.scatter.add.f32 [tilespmem:s24], [sflag:$0x5], $0x80, s0, s22, $0xb8;
	[tilespmem:$0x1E440] =	vst v63  }
0x57: {  	_ =	swait.ge [sflag:s26], $0x4000  }
0x58: {  	[sflag:s26] =	ssyncset.done $0x0  }
0x59: {  	s0 =	sadd.s32 $0x1400, s1;
	[sflag:s26] =	ssyncadd.s32 $0xFFFFC000  }
0x5a: {  	[tilespmem:s17], [sflag:$0x2] =	stream.indirect.gather [spmem:s3], $0x80, s0, s22, $0xb8;
	[tilespmem:$0x1E440] =	vst v63  }
0x5b: {  	_ =	swait.ge [sflag:s23], $0x4000  }
0x5c: {  	[sflag:s23] =	ssyncset.done $0x0  }
.Ltmp0:
0x5d: {  	s0 =	sadd.s32 $0x2800, s1;
	[sflag:s23] =	ssyncadd.s32 $0xFFFFC000;
	(pc) =	sbr.rel @p1 .LBB2_2-.Ltmp0, $4  }
0x5e: {  	[spmem:s2] =	stream.indirect.scatter.add.f32 [tilespmem:s17], [sflag:$0x4], $0x80, s0, s22, $0xb8;
	[tilespmem:$0x1E440] =	vst v63  }
0x5f: {  	_ =	swait.ge [sflag:s28], $0x4000  }
0x60: {  	[sflag:s28] =	ssyncset.done $0x0  }
0x61: {  	s1 =	sadd.s32 $0x1480, s1;
	[sflag:s28] =	ssyncadd.s32 $0xFFFFC000  }
0x62: {  	[tilespmem:s24], [sflag:$0x3] =	stream.indirect.gather [spmem:s3], $0x80, s1, s22, $0xb8;
	[tilespmem:$0x1E440] =	vst v63  }
0x63: {  	_ =	swait.ge [sflag:s25], $0x4000  }
0x64: {  	[sflag:s25] =	ssyncset.done $0x0  }
0x65: {  	[sflag:s25] =	ssyncadd.s32 $0xFFFFC000  }
0x66: {  	[spmem:s2] =	stream.indirect.scatter.add.f32 [tilespmem:s24], [sflag:$0x5], $0x80, s29, s22, $0xb8;
	[tilespmem:$0x1E440] =	vst v63  }
0x67: {  	_ =	swait.ge [sflag:s26], $0x4000  }
0x68: {  	[sflag:s26] =	ssyncset.done $0x0  }
0x69: {  	[sflag:s26] =	ssyncadd.s32 $0xFFFFC000  }
0x6a: {  	s0 =	stileid.u32;
	_ =	swait.ge [sflag:s28], $0x4000  }
0x6b: {  	s31 =	sshrl.u32 s8, $0x3;
	s30 =	sadd.s32 $0x1, s30;
	[sflag:s28] =	ssyncset.done $0x0  }
0x6c: {  	s0 =	sshll.u32 s0, $0x6;
	p1 =	sne.s32 s30, s14;
	[sflag:s28] =	ssyncadd.s32 $0xFFFFC000  }
.Ltmp1:
0x6d: {  	s0 =	sor.u32 $0x1C06, s0;
	[bflag:$0x0] =	sbarrier.arrive $0xFFFF;
	(pc) =	sbr.rel @p1 .LBB2_1-.Ltmp1, $4  }
0x6e: {  	[hbm:s13], [sflag:s0] =	dma.local [spmem:s31], $0x1400  }
0x6f: {  	_ =	swait.ge [sflag:s15], $0x1400  }
0x70: {  	[sflag:s15] =	ssyncset.done $0x0  }
0x71: {  	[sflag:s15] =	ssyncadd.s32 $0xFFFFEC00  }
0x72: {  	_ =	sfence.sel $0x180000  }
0x73: {  	[bflag:$0x0] =	sbarrier.arrive $0xFFFF  }
0x74: {  	_ =	strace $0x90000047  }
0x75: {  	s0 =	stileid.u32;
	[bflag:$0x2] =	sbarrier.arrive $0xFFFF  }
0x76: {  	p0 =	sne.s32 s0, $0x0;
	s0 =	rddreg [dreg:$0x4]  }
0x77: {  	s0 =	sadd.s32 @!p0 $0x100000, s0  }
0x78: {  	[sflag:s0] =	ssyncadd.tile.s32 @!p0 $0x1;
	_ =	shalt  }
.Lfunc_end2:
_tile_overlayer_lowered:
.L_overlay_start_2:
0x79: {  	(tag) =	ssettag $0x2  }
0x7a: {  	s0 =	rddreg [dreg:$0x0];
	s2 =	stileid.u32  }
0x7b: {  	s1 =	rddreg [dreg:$0x1];
	p0 =	sne.s32 s2, $0x0  }
0x7c: {  	s3 =	rddreg [dreg:$0x2];
	[bflag:$0x3] =	sbarrier.arrive $0xFFFF;
	s2 =	simm.s32 @!p0 $0x1C06  }
0x7d: {  	[timem:s3], [sflag:s2] =	dma.local @!p0 [hbm:s0], s1  }
0x7e: {  	s0 =	simm.s32 @!p0 $0x6  }
0x7f: {  	_ =	swait.ge @!p0 [sflag:s0], s1  }
0x80: {  	s1 =	ssub.s32 @!p0 $0x0, s1;
	[sflag:s0] =	ssyncset.done @!p0 $0x0  }
0x81: {  	[sflag:s0] =	ssyncadd.s32 @!p0 s1  }
0x82: {  	[bflag:$0x3] =	sbarrier.arrive $0xFFFF  }
0x83: {  	_ =	shalt  }

// kernel: kernel.14.cloned.1.call-start
scs
__scs_entry_jumppad:
0x0: {  	(pc) =	sbr.rel $0x88, $3  }
0x1: {  	(tag) =	ssettag $0x0;
	lr =	simm.s32 $0x1  }
0x2: {  	[smem:$0x3F90] =	sst lr;
	_ =	strace $0xD0000000  }
0x3: {  	_ = 	snop  }
0x4: {  	_ = 	snop  }
0x5: {  	_ = 	snop  }
0x6: {  	_ = 	snop  }
0x7: {  	_ = 	snop  }
__scs_overlays_trampoline_lowered:
0x8: {  	[smem:$0x3F9F] =	sst s0  }
0x9: {  	[smem:$0x3FA0] =	sst s1  }
0xa: {  	[smem:$0x3FA1] =	sst s2  }
0xb: {  	[smem:$0x3FA2] =	sst s3  }
0xc: {  	[smem:$0x3FA3] =	sst s4  }
0xd: {  	[smem:$0x3FA4] =	sst s5  }
0xe: {  	[smem:$0x3FA5] =	sst s6  }
0xf: {  	[smem:$0x3FA6] =	sst s7  }
0x10: {  	[smem:$0x3FA7] =	sst s8  }
0x11: {  	[smem:$0x3FA8] =	sst s9;
	s0 =	simm.s32 @!p0 $0x0  }
0x12: {  	s1 =	sld [smem:$0x3F8E];
	s0 =	simm.s32 @p0 $0x1  }
0x13: {  	[smem:$0x3FA9] =	sst s0;
	s0 =	simm.s32 @!p1 $0x0  }
0x14: {  	s2 =	sld [smem:$0x3F8D];
	s0 =	simm.s32 @p1 $0x1  }
0x15: {  	[smem:$0x3FAA] =	sst s0;
	s0 =	simm.s32 @!p2 $0x0  }
0x16: {  	s3 =	sld [smem:$0x3FDB];
	s0 =	simm.s32 @p2 $0x1  }
0x17: {  	s4 =	simm.s32 $0x1BF5;
	[smem:$0x3FAC] =	sst s0  }
0x18: {  	s0 =	sld [smem:$0x3F8F];
	_ =	swait.ge [sflag:s4], $0x0  }
0x19: {  	s7 =	sld [smem:$0x3F90]  }
0x1a: {  	s8 =	sadd.s32 $0xFFFFE003, lr  }
0x1b: {  	s9 =	sadd.s32 $0xFFFFFEF7, lr;
	s5 =	simm.s32 $0xFFFFFFFF;
	p2 =	slt.u32 s8, $0xFFFFF086  }
0x1c: {  	p1 =	slt.u32 s9, $0xF7A;
	s5 =	simm.s32 @!p2 $0x0  }
0x1d: {  	s5 =	simm.s32 @p1 $0x1;
	p0 =	seq.s32 s7, s2  }
0x1e: {  	s7 =	smul.u32 @!p0 $0xF7A, s2;
	p2 =	seq.s32 @!p0 s5, $0x0  }
0x1f: {  	s9 =	smul.u32 $0xF7A, s1;
	s8 =	simm.s32 @!p0 $0x1BF5;
	p2 =	por !p2, p0  }
0x20: {  	[sflag:s8] =	ssyncset.s32 @!p0 $0xFFFFF086;
	s6 =	sadd.s32 @!p0 s3, s7;
	s7 =	simm.s32 @!p0 $0x108  }
0x21: {  	s3 =	sadd.s32 s3, s9;
	s6 =	sadd.s32 @!p0 $0x88, s6;
	s7 =	simm.s32 @p2 $0x1082  }
0x22: {  	[simem:s7], [sflag:s8] =	dma.local @!p0 [hbm:s6], $0xF7A  }
0x23: {  	s9 =	sor.u32 $0xD0000000, s2;
	s6 =	simm.s32 $0x108;
	_ =	swait.ge @!p0 [sflag:s8], $0x0  }
0x24: {  	s3 =	sadd.s32 $0x88, s3;
	s6 =	simm.s32 @!p1 $0x1082;
	[sflag:s4] =	ssyncset.s32 $0xFFFFF086  }
0x25: {  	[simem:s6], [sflag:s4] =	dma.local [hbm:s3], $0xF7A  }
0x26: {  	[smem:$0x3F90] =	sst s1;
	(tag) =	ssettag s2;
	_ =	strace s9  }
0x27: {  	s1 =	sld [smem:$0x3FA0]  }
0x28: {  	s2 =	sld [smem:$0x3FA1]  }
0x29: {  	s4 =	sld [smem:$0x3FA3]  }
0x2a: {  	p0 =	seq.s32 s5, $0x0;
	s5 =	sld [smem:$0x3FA4]  }
0x2b: {  	s6 =	sld [smem:$0x3FA5]  }
0x2c: {  	s7 =	sld [smem:$0x3FA6]  }
0x2d: {  	s3 =	simm.s32 $0x108;
	s8 =	sld [smem:$0x3FA7]  }
0x2e: {  	s3 =	simm.s32 @!p0 $0x1082;
	s9 =	sld [smem:$0x3FA8]  }
0x2f: {  	lr =	sadd.s32 s0, s3;
	s0 =	sld [smem:$0x3F9F]  }
0x30: {  	s3 =	sld [smem:$0x3FA2]  }
0x31: {  	[smem:$0x3FAB] =	sst s10  }
0x32: {  	s10 =	sld [smem:$0x3FA9];
	_ =	sdelay $0x3  }
0x33: {  	p0 =	seq.s32 s10, $0x1;
	s10 =	sld [smem:$0x3FAB];
	_ =	sdelay $0x3  }
0x34: {  	[smem:$0x3FAB] =	sst s10  }
0x35: {  	s10 =	sld [smem:$0x3FAA];
	_ =	sdelay $0x3  }
0x36: {  	p1 =	seq.s32 s10, $0x1;
	s10 =	sld [smem:$0x3FAB];
	_ =	sdelay $0x3  }
0x37: {  	[smem:$0x3FAB] =	sst s10  }
0x38: {  	s10 =	sld [smem:$0x3FAC]  }
0x39: {  	_ = 	snop;
	(pc) =	sbr.ind lr, $3  }
0x3a: {  	_ = 	snop  }
0x3b: {  	_ = 	snop  }
0x3c: {  	p2 =	seq.s32 s10, $0x1;
	s10 =	sld [smem:$0x3FAB]  }
0x3d: {  	_ =	shalt  }
0x3e: {  	_ =	shalt  }
0x3f: {  	_ =	shalt  }
0x40: {  	_ =	shalt  }
0x41: {  	_ =	shalt  }
0x42: {  	_ =	shalt  }
0x43: {  	_ =	shalt  }
0x44: {  	_ =	shalt  }
0x45: {  	_ =	shalt  }
0x46: {  	_ =	shalt  }
0x47: {  	_ =	shalt  }
0x48: {  	_ =	shalt  }
0x49: {  	_ =	shalt  }
0x4a: {  	_ =	shalt  }
0x4b: {  	_ =	shalt  }
0x4c: {  	_ =	shalt  }
0x4d: {  	_ =	shalt  }
0x4e: {  	_ =	shalt  }
0x4f: {  	_ =	shalt  }
0x50: {  	_ =	shalt  }
0x51: {  	_ =	shalt  }
0x52: {  	_ =	shalt  }
0x53: {  	_ =	shalt  }
0x54: {  	_ =	shalt  }
0x55: {  	_ =	shalt  }
0x56: {  	_ =	shalt  }
0x57: {  	_ =	shalt  }
0x58: {  	_ =	shalt  }
0x59: {  	_ =	shalt  }
0x5a: {  	_ =	shalt  }
0x5b: {  	_ =	shalt  }
0x5c: {  	_ =	shalt  }
0x5d: {  	_ =	shalt  }
0x5e: {  	_ =	shalt  }
0x5f: {  	_ =	shalt  }
0x60: {  	_ =	shalt  }
0x61: {  	_ =	shalt  }
0x62: {  	_ =	shalt  }
0x63: {  	_ =	shalt  }
0x64: {  	_ =	shalt  }
0x65: {  	_ =	shalt  }
0x66: {  	_ =	shalt  }
0x67: {  	_ =	shalt  }
0x68: {  	_ =	shalt  }
0x69: {  	_ =	shalt  }
0x6a: {  	_ =	shalt  }
0x6b: {  	_ =	shalt  }
0x6c: {  	_ =	shalt  }
0x6d: {  	_ =	shalt  }
0x6e: {  	_ =	shalt  }
0x6f: {  	_ =	shalt  }
0x70: {  	_ =	shalt  }
0x71: {  	_ =	shalt  }
0x72: {  	_ =	shalt  }
0x73: {  	_ =	shalt  }
0x74: {  	_ =	shalt  }
0x75: {  	_ =	shalt  }
0x76: {  	_ =	shalt  }
0x77: {  	_ =	shalt  }
0x78: {  	_ =	shalt  }
0x79: {  	_ =	shalt  }
0x7a: {  	_ =	shalt  }
0x7b: {  	_ =	shalt  }
0x7c: {  	_ =	shalt  }
0x7d: {  	_ =	shalt  }
0x7e: {  	_ =	shalt  }
0x7f: {  	_ =	shalt  }
0x80: {  	_ =	shalt  }
0x81: {  	_ =	shalt  }
0x82: {  	_ =	shalt  }
0x83: {  	_ =	shalt  }
0x84: {  	_ =	shalt  }
0x85: {  	_ =	shalt  }
0x86: {  	_ =	shalt  }
0x87: {  	_ =	shalt  }
.Lfunc_end0:
.L_simem_size_0:
called_computation.1_lowered:
.L_overlay_start_0:
0x88: {  	s2 =	sld [smem:$0x3FD9]  }
0x89: {  	s3 =	sld [smem:$0x3FFE];
	_ =	sdelay $0x1  }
0x8a: {  	s1 =	srdreg.scid  }
0x8b: {  	s0 =	sand.u32 $0x1, s1  }
0x8c: {  	s14 =	sshll.u32 s0, $0xA;
	s2 =	sadd.s32 s3, s2  }
0x8d: {  	s2 =	sadd.s32 s2, s14  }
0x8e: {  	[smem:$0x3FB7] =	sst s2  }
0x8f: {  	_ = 	snop  }
0x90: {  	s2 =	sld [smem:$0x3FD0];
	_ =	sdelay $0x2  }
0x91: {  	s15 =	simm.s32 $0xA;
	s4 =	simm.s32 $0x10  }
0x92: {  	[smem:s4], [sflag:s15] =	dma.local [hbm:s2], $0x1  }
0x93: {  	_ =	swait.eq [sflag:s15], $0x1  }
0x94: {  	[sflag:s15] =	ssyncset.done $0x0  }
0x95: {  	[sflag:s15] =	ssyncadd.s32 $0xFFFFFFFF  }
0x96: {  	s16 =	sld [smem:$0x11];
	(tm) =	ssettm $0x1  }
0x97: {  	s17 =	sld [smem:$0x3FFB];
	_ =	sdelay $0x3  }
0x98: {  	_ =	strace s17  }
0x99: {  	s3 =	sld [smem:$0x3FFC];
	_ =	sdelay $0x3  }
0x9a: {  	_ =	strace s3  }
0x9b: {  	s3 =	sld [smem:$0x3FFD];
	_ =	sdelay $0x3  }
0x9c: {  	_ =	strace s3  }
0x9d: {  	_ =	strace $0x8FFFFFFF  }
0x9e: {  	s18 =	sld [smem:$0x3FDB];
	_ =	sdelay $0x1  }
0x9f: {  	s19 =	simm.s32 $_scs_section_size  }
0xa0: {  	s5 =	simm.s32 $_size__tile_overlayer_lowered;
	s6 =	simm.s32 $_tile_overlayer_lowered  }
0xa1: {  	s22 =	simm.s32 $0x1BFF;
	s21 =	sshll.u32 s6, $0x1;
	s3 =	sadd.s32 s19, s18  }
0xa2: {  	s7 =	simm.s32 $0x0;
	s20 =	sshll.u32 s5, $0x1;
	s5 =	sadd.s32 s21, s3  }
0xa3: {  	[timem:s7], [sflag:s22] =	dma.local [hbm:s5], s20  }
0xa4: {  	_ =	swait.ge [sflag:s22], s20  }
0xa5: {  	s4 =	ssub.s32 $0x0, s20;
	[sflag:s22] =	ssyncset.done $0x0  }
0xa6: {  	[sflag:s22] =	ssyncadd.s32 s4;
	_ =	sdelay $0x1  }
0xa7: {  	s23 =	simm.s32 $0x1B8B  }
0xa8: {  	_ =	swait.ge [sflag:s23], $0x1  }
0xa9: {  	[sflag:s23] =	ssyncset.done $0x0  }
0xaa: {  	s25 =	simm.s32 $0x1B8E;
	s24 =	sld [smem:$0x3FFE];
	[sflag:s23] =	ssyncadd.s32 $0xFFFFFFFF  }
0xab: {  	s26 =	simm.s32 $execute0_lowered;
	[smem:$0x3FD2] =	sst s25  }
0xac: {  	s5 =	sshll.u32 s26, $0x1;
	_ =	strace $0x80000049;
	[dreg:$0x1] =	wrdreg $0xFFFFFFFF  }
0xad: {  	s28 =	simm.s32 $_size_execute0_lowered;
	s3 =	sadd.s32 s3, s5;
	[dreg:$0x0] =	wrdreg $0x0  }
0xae: {  	s5 =	sshll.u32 s28, $0x1;
	[dreg:$0x2] =	wrdreg s3  }
0xaf: {  	[dreg:$0x3] =	wrdreg s5  }
0xb0: {  	[dreg:$0x4] =	wrdreg $0xC0  }
0xb1: {  	_ =	task [dreg:s7], $0x5FFFF  }
0xb2: {  	[dreg:$0x1] =	wrdreg $0xFFFFFFFF  }
0xb3: {  	[dreg:$0x0] =	wrdreg $0x60  }
0xb4: {  	[dreg:$0x2] =	wrdreg s24  }
0xb5: {  	[dreg:$0x3] =	wrdreg s16  }
0xb6: {  	[dreg:$0x4] =	wrdreg $0xA8000  }
0xb7: {  	[dreg:$0x5] =	wrdreg $0x148000  }
0xb8: {  	[dreg:$0x6] =	wrdreg $0x9  }
0xb9: {  	_ =	task.clear_ibuf [dreg:s7], $0x7FFFF;
	_ =	strace $0x90000049  }
0xba: {  	s29 =	simm.s32 $0x9;
	_ =	strace $0x8000004B  }
0xbb: {  	_ =	swait.ge [sflag:s29], $0x1  }
0xbc: {  	[sflag:s29] =	ssyncadd.s32 $0xFFFFFFFF  }
0xbd: {  	_ =	strace $0x9000004B  }
0xbe: {  	_ =	sfence  }
0xbf: {  	s30 =	sld [smem:$0x0];
	_ =	sdelay $0x2  }
0xc0: {  	s31 =	sshll.u32 s1, $0xD;
	s1 =	sshrl.u32 s1, $0x2  }
0xc1: {  	s3 =	sand.u32 $0x4000, s31;
	s1 =	sadd.s32 s1, s30  }
0xc2: {  	s0 =	sor.u32 s3, s0;
	s1 =	sshll.u32 s1, $0x11  }
0xc3: {  	s0 =	sor.u32 s1, s0  }
0xc4: {  	s0 =	sadd.s32 $0x8F2B, s0  }
0xc5: {  	[sflag:s0] =	ssyncadd.remote.s32 $0x1  }
0xc6: {  	_ =	sfence.sel $0xFFFF  }
0xc7: {  	[dreg:$0x0] =	wrdreg $0xFFFFFFFF;
	(pc) =	sbr.abs _section_cstart, $3  }
0xc8: {  	[dreg:$0x1] =	wrdreg $0xFFFFFFFF  }
0xc9: {  	_ =	task.clear_ibuf [dreg:s7], $0x2FFFF;
	_ =	strace $0x9FFFFFFF  }
0xca: {  	(tm) =	ssettm $0x7FFFFFFF  }
0xcb: {  	_ =	shalt  }
tec
execute0_lowered:
.L_overlay_start_1:
0x0: {  	(tag) =	ssettag $0x1  }
0x1: {  	s1 =	rddreg [dreg:$0x0]  }
0x2: {  	s13 =	rddreg [dreg:$0x1]  }
0x3: {  	s2 =	rddreg [dreg:$0x2]  }
0x4: {  	s0 =	srdreg.scid;
	s3 =	rddreg [dreg:$0x3];
	s4 =	simm.s32 $0x0  }
0x5: {  	s21 =	simm.s32 $0x1;
	s22 =	simm.s32 $0x80;
	s9 =	sand.u32 $0x1, s0  }
0x6: {  	s23 =	simm.s32 $0x2;
	s0 =	stileid.u32;
	s5 =	smul.u32 $0x14000, s9  }
0x7: {  	s24 =	simm.s32 $0x6800;
	s25 =	simm.s32 $0x3;
	s11 =	smul.u32 $0x1400, s0  }
0x8: {  	s28 =	simm.s32 $0x5;
	s29 =	simm.s32 $0x2780;
	s14 =	smul.u32 $0xA000, s0  }
0x9: {  	s30 =	simm.s32 $0x0;
	[smem:$0x7FF] =	sst s4;
	s8 =	smul.u32 $0x28000, s0  }
0xa: {  	s12 =	sadd.s32 $0xD400, s1;
	s18 =	sadd.s32 $0x96000, s3;
	s15 =	smul.u32 $0x13880, s9  }
0xb: {  	_ =	strace $0x8000004A;
	s6 =	ssub.s32 $0x2, s9;
	s16 =	smul.u32 $0x9C400, s9  }
0xc: {  	s17 =	smul.u32 $0xA0000, s9;
	p0 =	seq.s32 s0, $0xF;
	s26 =	sshrl.u32 s6, $0x1  }
0xd: {  	s18 =	sshrl.u32 @p0 s18, $0x3;
	s5 =	sadd.s32 s11, s5;
	s10 =	sshrl.u32 s8, $0x2  }
0xe: {  	s8 =	sadd.s32 s14, s2;
	s20 =	sadd.s32 s14, s3;
	s11 =	sadd.s32 s11, s15  }
0xf: {  	s31 =	sshrl.u32 s16, $0x3;
	s14 =	sadd.s32 s14, s17;
	s15 =	simm.s32 $0x6  }
0x10: {  	s16 =	simm.s32 $0x1400;
	s17 =	simm.s32 $0x2800;
	s5 =	sshrl.u32 s5, $0x3  }
0x11: {  	s10 =	sadd.s32 s10, s2;
	s11 =	sadd.s32 s12, s11;
	s12 =	sadd.s32 s12, s31  }
0x12: {  	s14 =	sshrl.u32 s14, $0x3;
	s20 =	sshrl.u32 @!p0 s20, $0x3;
	s7 =	sadd.s32 s5, s1  }
0x13: {  	s5 =	sadd.s32 $0x34600, s1;
	s1 =	ssub.s32 s6, s26;
	s9 =	sadd.s32 $0x4000, s10  }
0x14: {  	s10 =	sadd.s32 $0x8000, s10;
	s12 =	sadd.s32 $0x12C00, s12;
	s13 =	sadd.s32 s13, s14  }
0x15: {  	s26 =	simm.s32 $0x4;
	s14 =	smax.u32 s1, $0x1;
	s1 =	sshll.u32 @!p0 s0, $0x6  }
0x16: {  	s6 =	sadd.s32 $0x3400, s7;
	s7 =	sadd.s32 $0x8400, s7;
	s19 =	sor.u32 @!p0 $0x1C06, s1  }
.LBB2_1:
0x17: {  	[tilespmem:s4], [sflag:$0x6] =	stream.linear.gather [hbm4b:s6+s4], $0x1400, $0x38;
	[tilespmem:$0x1E440] =	vst v63  }
0x18: {  	_ =	swait.ge [sflag:s15], $0x1400  }
0x19: {  	[sflag:s15] =	ssyncset.done $0x0  }
0x1a: {  	[sflag:s15] =	ssyncadd.s32 $0xFFFFEC00  }
0x1b: {  	[tilespmem:s16], [sflag:$0x6] =	stream.linear.gather [hbm4b:s7+s4], $0x1400, $0x38;
	[tilespmem:$0x1E440] =	vst v63  }
0x1c: {  	_ =	swait.ge [sflag:s15], $0x1400  }
0x1d: {  	[sflag:s15] =	ssyncset.done $0x0  }
0x1e: {  	[sflag:s15] =	ssyncadd.s32 $0xFFFFEC00  }
0x1f: {  	[tilespmem:s17], [sflag:$0x6] =	stream.linear.gather [hbm4b:s5+s4], $0x4000, $0x38;
	[tilespmem:$0x1E440] =	vst v63  }
0x20: {  	_ =	swait.ge [sflag:s15], $0x4000  }
0x21: {  	[sflag:s15] =	ssyncset.done $0x0  }
0x22: {  	[sflag:s15] =	ssyncadd.s32 $0xFFFFC000  }
0x23: {  	[spmem:s8] =	stream.linear.scatter [tilespmem:s17], [sflag:$0x1], $0x4000, $0x38;
	[tilespmem:$0x1E440] =	vst v63  }
0x24: {  	_ = 	snop  }
0x25: {  	[spmem:s9] =	stream.linear.scatter [tilespmem:s17], [sflag:$0x1], $0x4000, $0x38;
	[tilespmem:$0x1E440] =	vst v63  }
0x26: {  	s1 =	simm.s32 @p0 $0x1FC6  }
0x27: {  	[spmem:s10] =	stream.linear.scatter [tilespmem:s17], [sflag:$0x1], $0x2000, $0x38;
	[tilespmem:$0x1E440] =	vst v63  }
0x28: {  	[spmem:s18], [sflag:s1] =	dma.local @p0 [hbm:s12], $0xC80  }
0x29: {  	s1 =	simm.s32 @p0 $0x6  }
0x2a: {  	_ =	swait.ge @p0 [sflag:s1], $0xC80  }
0x2b: {  	[sflag:s1] =	ssyncset.done @p0 $0x0  }
0x2c: {  	[sflag:s1] =	ssyncadd.s32 @p0 $0xFFFFF380;
	s1 =	simm.s32 @!p0 $0x6  }
0x2d: {  	[spmem:s20], [sflag:s19] =	dma.local @!p0 [hbm:s11], $0x1400  }
0x2e: {  	_ =	swait.ge @!p0 [sflag:s1], $0x1400  }
0x2f: {  	[sflag:s1] =	ssyncset.done @!p0 $0x0  }
0x30: {  	[sflag:s1] =	ssyncadd.s32 @!p0 $0xFFFFEC00  }
0x31: {  	_ =	swait.ge [sflag:s21], $0x4000  }
0x32: {  	[sflag:s21] =	ssyncset.done $0x0  }
0x33: {  	[sflag:s21] =	ssyncadd.s32 $0xFFFFC000  }
0x34: {  	_ =	swait.ge [sflag:s21], $0x4000  }
0x35: {  	[sflag:s21] =	ssyncset.done $0x0  }
0x36: {  	[sflag:s21] =	ssyncadd.s32 $0xFFFFC000  }
0x37: {  	_ =	swait.ge [sflag:s21], $0x2000  }
0x38: {  	[sflag:s21] =	ssyncset.done $0x0  }
0x39: {  	[sflag:s21] =	ssyncadd.s32 $0xFFFFE000  }
0x3a: {  	[bflag:$0x0] =	sbarrier.arrive $0xFFFF  }
0x3b: {  	[tilespmem:s17], [sflag:$0x2] =	stream.indirect.gather [spmem:s3], $0x80, s4, s22, $0xb8;
	[tilespmem:$0x1E440] =	vst v63  }
0x3c: {  	_ =	swait.ge [sflag:s23], $0x4000  }
0x3d: {  	[sflag:s23] =	ssyncset.done $0x0  }
0x3e: {  	[sflag:s23] =	ssyncadd.s32 $0xFFFFC000  }
0x3f: {  	[spmem:s2] =	stream.indirect.scatter.add.f32 [tilespmem:s17], [sflag:$0x4], $0x80, s16, s22, $0xb8;
	[tilespmem:$0x1E440] =	vst v63  }
0x40: {  	_ = 	snop  }
0x41: {  	[tilespmem:s24], [sflag:$0x3] =	stream.indirect.gather [spmem:s3], $0x80, s22, s22, $0xb8;
	[tilespmem:$0x1E440] =	vst v63  }
0x42: {  	_ =	swait.ge [sflag:s25], $0x4000  }
0x43: {  	[sflag:s25] =	ssyncset.done $0x0  }
0x44: {  	s0 =	simm.s32 $0x1480;
	[sflag:s25] =	ssyncadd.s32 $0xFFFFC000  }
0x45: {  	[spmem:s2] =	stream.indirect.scatter.add.f32 [tilespmem:s24], [sflag:$0x5], $0x80, s0, s22, $0xb8;
	[tilespmem:$0x1E440] =	vst v63  }
0x46: {  	_ =	swait.ge [sflag:s26], $0x4000  }
0x47: {  	[sflag:s26] =	ssyncset.done $0x0  }
0x48: {  	s0 =	simm.s32 $0x100;
	[sflag:s26] =	ssyncadd.s32 $0xFFFFC000  }
0x49: {  	[tilespmem:s17], [sflag:$0x2] =	stream.indirect.gather [spmem:s3], $0x80, s0, s22, $0xb8;
	[tilespmem:$0x1E440] =	vst v63  }
0x4a: {  	_ =	swait.ge [sflag:s23], $0x4000  }
0x4b: {  	[sflag:s23] =	ssyncset.done $0x0  }
0x4c: {  	s0 =	simm.s32 $0x1500;
	[sflag:s23] =	ssyncadd.s32 $0xFFFFC000  }
0x4d: {  	[spmem:s2] =	stream.indirect.scatter.add.f32 [tilespmem:s17], [sflag:$0x4], $0x80, s0, s22, $0xb8;
	[tilespmem:$0x1E440] =	vst v63  }
0x4e: {  	_ =	swait.ge [sflag:s28], $0x4000  }
0x4f: {  	[sflag:s28] =	ssyncset.done $0x0  }
0x50: {  	s31 =	simm.s32 $0xFFFFB800;
	s1 =	simm.s32 $0x180;
	[sflag:s28] =	ssyncadd.s32 $0xFFFFC000  }
.LBB2_2:
0x51: {  	[tilespmem:s24], [sflag:$0x3] =	stream.indirect.gather [spmem:s3], $0x80, s1, s22, $0xb8;
	[tilespmem:$0x1E440] =	vst v63  }
0x52: {  	s1 =	smov.u32 s31  }
0x53: {  	p1 =	sne.s32 s31, $0xFFFFFC00;
	s31 =	sadd.s32 $0x400, s31;
	_ =	swait.ge [sflag:s25], $0x4000  }
0x54: {  	s1 =	sshra.s32 s1, $0x2;
	[sflag:s25] =	ssyncset.done $0x0  }
0x55: {  	s0 =	sadd.s32 $0x2780, s1;
	[sflag:s25] =	ssyncadd.s32 $0xFFFFC000  }
0x56: {  	[spmem:s2] =	stream.indirect.scatter.add.f32 [tilespmem:s24], [sflag:$0x5], $0x80, s0, s22, $0xb8;
	[tilespmem:$0x1E440] =	vst v63  }
0x57: {  	_ =	swait.ge [sflag:s26], $0x4000  }
0x58: {  	[sflag:s26] =	ssyncset.done $0x0  }
0x59: {  	s0 =	sadd.s32 $0x1400, s1;
	[sflag:s26] =	ssyncadd.s32 $0xFFFFC000  }
0x5a: {  	[tilespmem:s17], [sflag:$0x2] =	stream.indirect.gather [spmem:s3], $0x80, s0, s22, $0xb8;
	[tilespmem:$0x1E440] =	vst v63  }
0x5b: {  	_ =	swait.ge [sflag:s23], $0x4000  }
0x5c: {  	[sflag:s23] =	ssyncset.done $0x0  }
.Ltmp0:
0x5d: {  	s0 =	sadd.s32 $0x2800, s1;
	[sflag:s23] =	ssyncadd.s32 $0xFFFFC000;
	(pc) =	sbr.rel @p1 .LBB2_2-.Ltmp0, $4  }
0x5e: {  	[spmem:s2] =	stream.indirect.scatter.add.f32 [tilespmem:s17], [sflag:$0x4], $0x80, s0, s22, $0xb8;
	[tilespmem:$0x1E440] =	vst v63  }
0x5f: {  	_ =	swait.ge [sflag:s28], $0x4000  }
0x60: {  	[sflag:s28] =	ssyncset.done $0x0  }
0x61: {  	s1 =	sadd.s32 $0x1480, s1;
	[sflag:s28] =	ssyncadd.s32 $0xFFFFC000  }
0x62: {  	[tilespmem:s24], [sflag:$0x3] =	stream.indirect.gather [spmem:s3], $0x80, s1, s22, $0xb8;
	[tilespmem:$0x1E440] =	vst v63  }
0x63: {  	_ =	swait.ge [sflag:s25], $0x4000  }
0x64: {  	[sflag:s25] =	ssyncset.done $0x0  }
0x65: {  	[sflag:s25] =	ssyncadd.s32 $0xFFFFC000  }
0x66: {  	[spmem:s2] =	stream.indirect.scatter.add.f32 [tilespmem:s24], [sflag:$0x5], $0x80, s29, s22, $0xb8;
	[tilespmem:$0x1E440] =	vst v63  }
0x67: {  	_ =	swait.ge [sflag:s26], $0x4000  }
0x68: {  	[sflag:s26] =	ssyncset.done $0x0  }
0x69: {  	[sflag:s26] =	ssyncadd.s32 $0xFFFFC000  }
0x6a: {  	s0 =	stileid.u32;
	_ =	swait.ge [sflag:s28], $0x4000  }
0x6b: {  	s31 =	sshrl.u32 s8, $0x3;
	s30 =	sadd.s32 $0x1, s30;
	[sflag:s28] =	ssyncset.done $0x0  }
0x6c: {  	s0 =	sshll.u32 s0, $0x6;
	p1 =	sne.s32 s30, s14;
	[sflag:s28] =	ssyncadd.s32 $0xFFFFC000  }
.Ltmp1:
0x6d: {  	s0 =	sor.u32 $0x1C06, s0;
	[bflag:$0x0] =	sbarrier.arrive $0xFFFF;
	(pc) =	sbr.rel @p1 .LBB2_1-.Ltmp1, $4  }
0x6e: {  	[hbm:s13], [sflag:s0] =	dma.local [spmem:s31], $0x1400  }
0x6f: {  	_ =	swait.ge [sflag:s15], $0x1400  }
0x70: {  	[sflag:s15] =	ssyncset.done $0x0  }
0x71: {  	[sflag:s15] =	ssyncadd.s32 $0xFFFFEC00  }
0x72: {  	_ =	sfence.sel $0x180000  }
0x73: {  	[bflag:$0x0] =	sbarrier.arrive $0xFFFF  }
0x74: {  	_ =	strace $0x9000004A  }
0x75: {  	s0 =	stileid.u32;
	[bflag:$0x2] =	sbarrier.arrive $0xFFFF  }
0x76: {  	p0 =	sne.s32 s0, $0x0;
	s0 =	rddreg [dreg:$0x4]  }
0x77: {  	s0 =	sadd.s32 @!p0 $0x100000, s0  }
0x78: {  	[sflag:s0] =	ssyncadd.tile.s32 @!p0 $0x1;
	_ =	shalt  }
.Lfunc_end2:
_tile_overlayer_lowered:
.L_overlay_start_2:
0x79: {  	(tag) =	ssettag $0x2  }
0x7a: {  	s0 =	rddreg [dreg:$0x0];
	s2 =	stileid.u32  }
0x7b: {  	s1 =	rddreg [dreg:$0x1];
	p0 =	sne.s32 s2, $0x0  }
0x7c: {  	s3 =	rddreg [dreg:$0x2];
	[bflag:$0x3] =	sbarrier.arrive $0xFFFF;
	s2 =	simm.s32 @!p0 $0x1C06  }
0x7d: {  	[timem:s3], [sflag:s2] =	dma.local @!p0 [hbm:s0], s1  }
0x7e: {  	s0 =	simm.s32 @!p0 $0x6  }
0x7f: {  	_ =	swait.ge @!p0 [sflag:s0], s1  }
0x80: {  	s1 =	ssub.s32 @!p0 $0x0, s1;
	[sflag:s0] =	ssyncset.done @!p0 $0x0  }
0x81: {  	[sflag:s0] =	ssyncadd.s32 @!p0 s1  }
0x82: {  	[bflag:$0x3] =	sbarrier.arrive $0xFFFF  }
0x83: {  	_ =	shalt  }

// kernel: kernel.17.cloned.1.call-start
scs
__scs_entry_jumppad:
0x0: {  	(pc) =	sbr.rel $0x88, $3  }
0x1: {  	(tag) =	ssettag $0x0;
	lr =	simm.s32 $0x1  }
0x2: {  	[smem:$0x3F90] =	sst lr;
	_ =	strace $0xD0000000  }
0x3: {  	_ = 	snop  }
0x4: {  	_ = 	snop  }
0x5: {  	_ = 	snop  }
0x6: {  	_ = 	snop  }
0x7: {  	_ = 	snop  }
__scs_overlays_trampoline_lowered:
0x8: {  	[smem:$0x3F9F] =	sst s0  }
0x9: {  	[smem:$0x3FA0] =	sst s1  }
0xa: {  	[smem:$0x3FA1] =	sst s2  }
0xb: {  	[smem:$0x3FA2] =	sst s3  }
0xc: {  	[smem:$0x3FA3] =	sst s4  }
0xd: {  	[smem:$0x3FA4] =	sst s5  }
0xe: {  	[smem:$0x3FA5] =	sst s6  }
0xf: {  	[smem:$0x3FA6] =	sst s7  }
0x10: {  	[smem:$0x3FA7] =	sst s8  }
0x11: {  	[smem:$0x3FA8] =	sst s9;
	s0 =	simm.s32 @!p0 $0x0  }
0x12: {  	s1 =	sld [smem:$0x3F8E];
	s0 =	simm.s32 @p0 $0x1  }
0x13: {  	[smem:$0x3FA9] =	sst s0;
	s0 =	simm.s32 @!p1 $0x0  }
0x14: {  	s2 =	sld [smem:$0x3F8D];
	s0 =	simm.s32 @p1 $0x1  }
0x15: {  	[smem:$0x3FAA] =	sst s0;
	s0 =	simm.s32 @!p2 $0x0  }
0x16: {  	s3 =	sld [smem:$0x3FDB];
	s0 =	simm.s32 @p2 $0x1  }
0x17: {  	s4 =	simm.s32 $0x1BF5;
	[smem:$0x3FAC] =	sst s0  }
0x18: {  	s0 =	sld [smem:$0x3F8F];
	_ =	swait.ge [sflag:s4], $0x0  }
0x19: {  	s7 =	sld [smem:$0x3F90]  }
0x1a: {  	s8 =	sadd.s32 $0xFFFFE003, lr  }
0x1b: {  	s9 =	sadd.s32 $0xFFFFFEF7, lr;
	s5 =	simm.s32 $0xFFFFFFFF;
	p2 =	slt.u32 s8, $0xFFFFF086  }
0x1c: {  	p1 =	slt.u32 s9, $0xF7A;
	s5 =	simm.s32 @!p2 $0x0  }
0x1d: {  	s5 =	simm.s32 @p1 $0x1;
	p0 =	seq.s32 s7, s2  }
0x1e: {  	s7 =	smul.u32 @!p0 $0xF7A, s2;
	p2 =	seq.s32 @!p0 s5, $0x0  }
0x1f: {  	s9 =	smul.u32 $0xF7A, s1;
	s8 =	simm.s32 @!p0 $0x1BF5;
	p2 =	por !p2, p0  }
0x20: {  	[sflag:s8] =	ssyncset.s32 @!p0 $0xFFFFF086;
	s6 =	sadd.s32 @!p0 s3, s7;
	s7 =	simm.s32 @!p0 $0x108  }
0x21: {  	s3 =	sadd.s32 s3, s9;
	s6 =	sadd.s32 @!p0 $0x88, s6;
	s7 =	simm.s32 @p2 $0x1082  }
0x22: {  	[simem:s7], [sflag:s8] =	dma.local @!p0 [hbm:s6], $0xF7A  }
0x23: {  	s9 =	sor.u32 $0xD0000000, s2;
	s6 =	simm.s32 $0x108;
	_ =	swait.ge @!p0 [sflag:s8], $0x0  }
0x24: {  	s3 =	sadd.s32 $0x88, s3;
	s6 =	simm.s32 @!p1 $0x1082;
	[sflag:s4] =	ssyncset.s32 $0xFFFFF086  }
0x25: {  	[simem:s6], [sflag:s4] =	dma.local [hbm:s3], $0xF7A  }
0x26: {  	[smem:$0x3F90] =	sst s1;
	(tag) =	ssettag s2;
	_ =	strace s9  }
0x27: {  	s1 =	sld [smem:$0x3FA0]  }
0x28: {  	s2 =	sld [smem:$0x3FA1]  }
0x29: {  	s4 =	sld [smem:$0x3FA3]  }
0x2a: {  	p0 =	seq.s32 s5, $0x0;
	s5 =	sld [smem:$0x3FA4]  }
0x2b: {  	s6 =	sld [smem:$0x3FA5]  }
0x2c: {  	s7 =	sld [smem:$0x3FA6]  }
0x2d: {  	s3 =	simm.s32 $0x108;
	s8 =	sld [smem:$0x3FA7]  }
0x2e: {  	s3 =	simm.s32 @!p0 $0x1082;
	s9 =	sld [smem:$0x3FA8]  }
0x2f: {  	lr =	sadd.s32 s0, s3;
	s0 =	sld [smem:$0x3F9F]  }
0x30: {  	s3 =	sld [smem:$0x3FA2]  }
0x31: {  	[smem:$0x3FAB] =	sst s10  }
0x32: {  	s10 =	sld [smem:$0x3FA9];
	_ =	sdelay $0x3  }
0x33: {  	p0 =	seq.s32 s10, $0x1;
	s10 =	sld [smem:$0x3FAB];
	_ =	sdelay $0x3  }
0x34: {  	[smem:$0x3FAB] =	sst s10  }
0x35: {  	s10 =	sld [smem:$0x3FAA];
	_ =	sdelay $0x3  }
0x36: {  	p1 =	seq.s32 s10, $0x1;
	s10 =	sld [smem:$0x3FAB];
	_ =	sdelay $0x3  }
0x37: {  	[smem:$0x3FAB] =	sst s10  }
0x38: {  	s10 =	sld [smem:$0x3FAC]  }
0x39: {  	_ = 	snop;
	(pc) =	sbr.ind lr, $3  }
0x3a: {  	_ = 	snop  }
0x3b: {  	_ = 	snop  }
0x3c: {  	p2 =	seq.s32 s10, $0x1;
	s10 =	sld [smem:$0x3FAB]  }
0x3d: {  	_ =	shalt  }
0x3e: {  	_ =	shalt  }
0x3f: {  	_ =	shalt  }
0x40: {  	_ =	shalt  }
0x41: {  	_ =	shalt  }
0x42: {  	_ =	shalt  }
0x43: {  	_ =	shalt  }
0x44: {  	_ =	shalt  }
0x45: {  	_ =	shalt  }
0x46: {  	_ =	shalt  }
0x47: {  	_ =	shalt  }
0x48: {  	_ =	shalt  }
0x49: {  	_ =	shalt  }
0x4a: {  	_ =	shalt  }
0x4b: {  	_ =	shalt  }
0x4c: {  	_ =	shalt  }
0x4d: {  	_ =	shalt  }
0x4e: {  	_ =	shalt  }
0x4f: {  	_ =	shalt  }
0x50: {  	_ =	shalt  }
0x51: {  	_ =	shalt  }
0x52: {  	_ =	shalt  }
0x53: {  	_ =	shalt  }
0x54: {  	_ =	shalt  }
0x55: {  	_ =	shalt  }
0x56: {  	_ =	shalt  }
0x57: {  	_ =	shalt  }
0x58: {  	_ =	shalt  }
0x59: {  	_ =	shalt  }
0x5a: {  	_ =	shalt  }
0x5b: {  	_ =	shalt  }
0x5c: {  	_ =	shalt  }
0x5d: {  	_ =	shalt  }
0x5e: {  	_ =	shalt  }
0x5f: {  	_ =	shalt  }
0x60: {  	_ =	shalt  }
0x61: {  	_ =	shalt  }
0x62: {  	_ =	shalt  }
0x63: {  	_ =	shalt  }
0x64: {  	_ =	shalt  }
0x65: {  	_ =	shalt  }
0x66: {  	_ =	shalt  }
0x67: {  	_ =	shalt  }
0x68: {  	_ =	shalt  }
0x69: {  	_ =	shalt  }
0x6a: {  	_ =	shalt  }
0x6b: {  	_ =	shalt  }
0x6c: {  	_ =	shalt  }
0x6d: {  	_ =	shalt  }
0x6e: {  	_ =	shalt  }
0x6f: {  	_ =	shalt  }
0x70: {  	_ =	shalt  }
0x71: {  	_ =	shalt  }
0x72: {  	_ =	shalt  }
0x73: {  	_ =	shalt  }
0x74: {  	_ =	shalt  }
0x75: {  	_ =	shalt  }
0x76: {  	_ =	shalt  }
0x77: {  	_ =	shalt  }
0x78: {  	_ =	shalt  }
0x79: {  	_ =	shalt  }
0x7a: {  	_ =	shalt  }
0x7b: {  	_ =	shalt  }
0x7c: {  	_ =	shalt  }
0x7d: {  	_ =	shalt  }
0x7e: {  	_ =	shalt  }
0x7f: {  	_ =	shalt  }
0x80: {  	_ =	shalt  }
0x81: {  	_ =	shalt  }
0x82: {  	_ =	shalt  }
0x83: {  	_ =	shalt  }
0x84: {  	_ =	shalt  }
0x85: {  	_ =	shalt  }
0x86: {  	_ =	shalt  }
0x87: {  	_ =	shalt  }
.Lfunc_end0:
.L_simem_size_0:
called_computation.2_lowered:
.L_overlay_start_0:
0x88: {  	s2 =	sld [smem:$0x3FD9]  }
0x89: {  	s3 =	sld [smem:$0x3FFE];
	_ =	sdelay $0x1  }
0x8a: {  	s1 =	srdreg.scid  }
0x8b: {  	s0 =	sand.u32 $0x1, s1  }
0x8c: {  	s14 =	sshll.u32 s0, $0xA;
	s2 =	sadd.s32 s3, s2  }
0x8d: {  	s2 =	sadd.s32 s2, s14  }
0x8e: {  	[smem:$0x3FB7] =	sst s2  }
0x8f: {  	_ = 	snop  }
0x90: {  	s2 =	sld [smem:$0x3FD0];
	_ =	sdelay $0x2  }
0x91: {  	s15 =	simm.s32 $0xA;
	s4 =	simm.s32 $0x10  }
0x92: {  	[smem:s4], [sflag:s15] =	dma.local [hbm:s2], $0x1  }
0x93: {  	_ =	swait.eq [sflag:s15], $0x1  }
0x94: {  	[sflag:s15] =	ssyncset.done $0x0  }
0x95: {  	[sflag:s15] =	ssyncadd.s32 $0xFFFFFFFF  }
0x96: {  	s16 =	sld [smem:$0x11];
	(tm) =	ssettm $0x1  }
0x97: {  	s17 =	sld [smem:$0x3FFB];
	_ =	sdelay $0x3  }
0x98: {  	_ =	strace s17  }
0x99: {  	s3 =	sld [smem:$0x3FFC];
	_ =	sdelay $0x3  }
0x9a: {  	_ =	strace s3  }
0x9b: {  	s3 =	sld [smem:$0x3FFD];
	_ =	sdelay $0x3  }
0x9c: {  	_ =	strace s3  }
0x9d: {  	_ =	strace $0x8FFFFFFF  }
0x9e: {  	s18 =	sld [smem:$0x3FDB];
	_ =	sdelay $0x1  }
0x9f: {  	s19 =	simm.s32 $_scs_section_size  }
0xa0: {  	s5 =	simm.s32 $_size__tile_overlayer_lowered;
	s6 =	simm.s32 $_tile_overlayer_lowered  }
0xa1: {  	s22 =	simm.s32 $0x1BFF;
	s21 =	sshll.u32 s6, $0x1;
	s3 =	sadd.s32 s19, s18  }
0xa2: {  	s7 =	simm.s32 $0x0;
	s20 =	sshll.u32 s5, $0x1;
	s5 =	sadd.s32 s21, s3  }
0xa3: {  	[timem:s7], [sflag:s22] =	dma.local [hbm:s5], s20  }
0xa4: {  	_ =	swait.ge [sflag:s22], s20  }
0xa5: {  	s4 =	ssub.s32 $0x0, s20;
	[sflag:s22] =	ssyncset.done $0x0  }
0xa6: {  	[sflag:s22] =	ssyncadd.s32 s4;
	_ =	sdelay $0x1  }
0xa7: {  	s23 =	simm.s32 $0x1B8B  }
0xa8: {  	_ =	swait.ge [sflag:s23], $0x1  }
0xa9: {  	[sflag:s23] =	ssyncset.done $0x0  }
0xaa: {  	s25 =	simm.s32 $0x1B8E;
	s24 =	sld [smem:$0x3FFE];
	[sflag:s23] =	ssyncadd.s32 $0xFFFFFFFF  }
0xab: {  	s26 =	simm.s32 $execute0_lowered;
	[smem:$0x3FD2] =	sst s25  }
0xac: {  	s5 =	sshll.u32 s26, $0x1;
	_ =	strace $0x8000004C;
	[dreg:$0x1] =	wrdreg $0xFFFFFFFF  }
0xad: {  	s28 =	simm.s32 $_size_execute0_lowered;
	s3 =	sadd.s32 s3, s5;
	[dreg:$0x0] =	wrdreg $0x0  }
0xae: {  	s5 =	sshll.u32 s28, $0x1;
	[dreg:$0x2] =	wrdreg s3  }
0xaf: {  	[dreg:$0x3] =	wrdreg s5  }
0xb0: {  	[dreg:$0x4] =	wrdreg $0xC0  }
0xb1: {  	_ =	task [dreg:s7], $0x5FFFF  }
0xb2: {  	[dreg:$0x1] =	wrdreg $0xFFFFFFFF  }
0xb3: {  	[dreg:$0x0] =	wrdreg $0x60  }
0xb4: {  	[dreg:$0x2] =	wrdreg s24  }
0xb5: {  	[dreg:$0x3] =	wrdreg s16  }
0xb6: {  	[dreg:$0x4] =	wrdreg $0xA8000  }
0xb7: {  	[dreg:$0x5] =	wrdreg $0x148000  }
0xb8: {  	[dreg:$0x6] =	wrdreg $0x9  }
0xb9: {  	_ =	task.clear_ibuf [dreg:s7], $0x7FFFF;
	_ =	strace $0x9000004C  }
0xba: {  	s29 =	simm.s32 $0x9;
	_ =	strace $0x8000004E  }
0xbb: {  	_ =	swait.ge [sflag:s29], $0x1  }
0xbc: {  	[sflag:s29] =	ssyncadd.s32 $0xFFFFFFFF  }
0xbd: {  	_ =	strace $0x9000004E  }
0xbe: {  	_ =	sfence  }
0xbf: {  	s30 =	sld [smem:$0x0];
	_ =	sdelay $0x2  }
0xc0: {  	s31 =	sshll.u32 s1, $0xD;
	s1 =	sshrl.u32 s1, $0x2  }
0xc1: {  	s3 =	sand.u32 $0x4000, s31;
	s1 =	sadd.s32 s1, s30  }
0xc2: {  	s0 =	sor.u32 s3, s0;
	s1 =	sshll.u32 s1, $0x11  }
0xc3: {  	s0 =	sor.u32 s1, s0  }
0xc4: {  	s0 =	sadd.s32 $0x8F2B, s0  }
0xc5: {  	[sflag:s0] =	ssyncadd.remote.s32 $0x1  }
0xc6: {  	_ =	sfence.sel $0xFFFF  }
0xc7: {  	[dreg:$0x0] =	wrdreg $0xFFFFFFFF;
	(pc) =	sbr.abs _section_cstart, $3  }
0xc8: {  	[dreg:$0x1] =	wrdreg $0xFFFFFFFF  }
0xc9: {  	_ =	task.clear_ibuf [dreg:s7], $0x2FFFF;
	_ =	strace $0x9FFFFFFF  }
0xca: {  	(tm) =	ssettm $0x7FFFFFFF  }
0xcb: {  	_ =	shalt  }
tec
execute0_lowered:
.L_overlay_start_1:
0x0: {  	(tag) =	ssettag $0x1  }
0x1: {  	s1 =	rddreg [dreg:$0x0]  }
0x2: {  	s13 =	rddreg [dreg:$0x1]  }
0x3: {  	s2 =	rddreg [dreg:$0x2]  }
0x4: {  	s0 =	srdreg.scid;
	s3 =	rddreg [dreg:$0x3];
	s4 =	simm.s32 $0x0  }
0x5: {  	s21 =	simm.s32 $0x1;
	s22 =	simm.s32 $0x80;
	s9 =	sand.u32 $0x1, s0  }
0x6: {  	s23 =	simm.s32 $0x2;
	s0 =	stileid.u32;
	s5 =	smul.u32 $0x14000, s9  }
0x7: {  	s24 =	simm.s32 $0x6800;
	s25 =	simm.s32 $0x3;
	s11 =	smul.u32 $0x1400, s0  }
0x8: {  	s28 =	simm.s32 $0x5;
	s29 =	simm.s32 $0x2780;
	s14 =	smul.u32 $0xA000, s0  }
0x9: {  	s30 =	simm.s32 $0x0;
	[smem:$0x7FF] =	sst s4;
	s8 =	smul.u32 $0x28000, s0  }
0xa: {  	s12 =	sadd.s32 $0xD400, s1;
	s18 =	sadd.s32 $0x96000, s3;
	s15 =	smul.u32 $0x13880, s9  }
0xb: {  	_ =	strace $0x8000004D;
	s6 =	ssub.s32 $0x2, s9;
	s16 =	smul.u32 $0x9C400, s9  }
0xc: {  	s17 =	smul.u32 $0xA0000, s9;
	p0 =	seq.s32 s0, $0xF;
	s26 =	sshrl.u32 s6, $0x1  }
0xd: {  	s18 =	sshrl.u32 @p0 s18, $0x3;
	s5 =	sadd.s32 s11, s5;
	s10 =	sshrl.u32 s8, $0x2  }
0xe: {  	s8 =	sadd.s32 s14, s2;
	s20 =	sadd.s32 s14, s3;
	s11 =	sadd.s32 s11, s15  }
0xf: {  	s31 =	sshrl.u32 s16, $0x3;
	s14 =	sadd.s32 s14, s17;
	s15 =	simm.s32 $0x6  }
0x10: {  	s16 =	simm.s32 $0x1400;
	s17 =	simm.s32 $0x2800;
	s5 =	sshrl.u32 s5, $0x3  }
0x11: {  	s10 =	sadd.s32 s10, s2;
	s11 =	sadd.s32 s12, s11;
	s12 =	sadd.s32 s12, s31  }
0x12: {  	s14 =	sshrl.u32 s14, $0x3;
	s20 =	sshrl.u32 @!p0 s20, $0x3;
	s7 =	sadd.s32 s5, s1  }
0x13: {  	s5 =	sadd.s32 $0x34600, s1;
	s1 =	ssub.s32 s6, s26;
	s9 =	sadd.s32 $0x4000, s10  }
0x14: {  	s10 =	sadd.s32 $0x8000, s10;
	s12 =	sadd.s32 $0x12C00, s12;
	s13 =	sadd.s32 s13, s14  }
0x15: {  	s26 =	simm.s32 $0x4;
	s14 =	smax.u32 s1, $0x1;
	s1 =	sshll.u32 @!p0 s0, $0x6  }
0x16: {  	s6 =	sadd.s32 $0x3400, s7;
	s7 =	sadd.s32 $0x8400, s7;
	s19 =	sor.u32 @!p0 $0x1C06, s1  }
.LBB2_1:
0x17: {  	[tilespmem:s4], [sflag:$0x6] =	stream.linear.gather [hbm4b:s6+s4], $0x1400, $0x38;
	[tilespmem:$0x1E440] =	vst v63  }
0x18: {  	_ =	swait.ge [sflag:s15], $0x1400  }
0x19: {  	[sflag:s15] =	ssyncset.done $0x0  }
0x1a: {  	[sflag:s15] =	ssyncadd.s32 $0xFFFFEC00  }
0x1b: {  	[tilespmem:s16], [sflag:$0x6] =	stream.linear.gather [hbm4b:s7+s4], $0x1400, $0x38;
	[tilespmem:$0x1E440] =	vst v63  }
0x1c: {  	_ =	swait.ge [sflag:s15], $0x1400  }
0x1d: {  	[sflag:s15] =	ssyncset.done $0x0  }
0x1e: {  	[sflag:s15] =	ssyncadd.s32 $0xFFFFEC00  }
0x1f: {  	[tilespmem:s17], [sflag:$0x6] =	stream.linear.gather [hbm4b:s5+s4], $0x4000, $0x38;
	[tilespmem:$0x1E440] =	vst v63  }
0x20: {  	_ =	swait.ge [sflag:s15], $0x4000  }
0x21: {  	[sflag:s15] =	ssyncset.done $0x0  }
0x22: {  	[sflag:s15] =	ssyncadd.s32 $0xFFFFC000  }
0x23: {  	[spmem:s8] =	stream.linear.scatter [tilespmem:s17], [sflag:$0x1], $0x4000, $0x38;
	[tilespmem:$0x1E440] =	vst v63  }
0x24: {  	_ = 	snop  }
0x25: {  	[spmem:s9] =	stream.linear.scatter [tilespmem:s17], [sflag:$0x1], $0x4000, $0x38;
	[tilespmem:$0x1E440] =	vst v63  }
0x26: {  	s1 =	simm.s32 @p0 $0x1FC6  }
0x27: {  	[spmem:s10] =	stream.linear.scatter [tilespmem:s17], [sflag:$0x1], $0x2000, $0x38;
	[tilespmem:$0x1E440] =	vst v63  }
0x28: {  	[spmem:s18], [sflag:s1] =	dma.local @p0 [hbm:s12], $0xC80  }
0x29: {  	s1 =	simm.s32 @p0 $0x6  }
0x2a: {  	_ =	swait.ge @p0 [sflag:s1], $0xC80  }
0x2b: {  	[sflag:s1] =	ssyncset.done @p0 $0x0  }
0x2c: {  	[sflag:s1] =	ssyncadd.s32 @p0 $0xFFFFF380;
	s1 =	simm.s32 @!p0 $0x6  }
0x2d: {  	[spmem:s20], [sflag:s19] =	dma.local @!p0 [hbm:s11], $0x1400  }
0x2e: {  	_ =	swait.ge @!p0 [sflag:s1], $0x1400  }
0x2f: {  	[sflag:s1] =	ssyncset.done @!p0 $0x0  }
0x30: {  	[sflag:s1] =	ssyncadd.s32 @!p0 $0xFFFFEC00  }
0x31: {  	_ =	swait.ge [sflag:s21], $0x4000  }
0x32: {  	[sflag:s21] =	ssyncset.done $0x0  }
0x33: {  	[sflag:s21] =	ssyncadd.s32 $0xFFFFC000  }
0x34: {  	_ =	swait.ge [sflag:s21], $0x4000  }
0x35: {  	[sflag:s21] =	ssyncset.done $0x0  }
0x36: {  	[sflag:s21] =	ssyncadd.s32 $0xFFFFC000  }
0x37: {  	_ =	swait.ge [sflag:s21], $0x2000  }
0x38: {  	[sflag:s21] =	ssyncset.done $0x0  }
0x39: {  	[sflag:s21] =	ssyncadd.s32 $0xFFFFE000  }
0x3a: {  	[bflag:$0x0] =	sbarrier.arrive $0xFFFF  }
0x3b: {  	[tilespmem:s17], [sflag:$0x2] =	stream.indirect.gather [spmem:s3], $0x80, s4, s22, $0xb8;
	[tilespmem:$0x1E440] =	vst v63  }
0x3c: {  	_ =	swait.ge [sflag:s23], $0x4000  }
0x3d: {  	[sflag:s23] =	ssyncset.done $0x0  }
0x3e: {  	[sflag:s23] =	ssyncadd.s32 $0xFFFFC000  }
0x3f: {  	[spmem:s2] =	stream.indirect.scatter.add.f32 [tilespmem:s17], [sflag:$0x4], $0x80, s16, s22, $0xb8;
	[tilespmem:$0x1E440] =	vst v63  }
0x40: {  	_ = 	snop  }
0x41: {  	[tilespmem:s24], [sflag:$0x3] =	stream.indirect.gather [spmem:s3], $0x80, s22, s22, $0xb8;
	[tilespmem:$0x1E440] =	vst v63  }
0x42: {  	_ =	swait.ge [sflag:s25], $0x4000  }
0x43: {  	[sflag:s25] =	ssyncset.done $0x0  }
0x44: {  	s0 =	simm.s32 $0x1480;
	[sflag:s25] =	ssyncadd.s32 $0xFFFFC000  }
0x45: {  	[spmem:s2] =	stream.indirect.scatter.add.f32 [tilespmem:s24], [sflag:$0x5], $0x80, s0, s22, $0xb8;
	[tilespmem:$0x1E440] =	vst v63  }
0x46: {  	_ =	swait.ge [sflag:s26], $0x4000  }
0x47: {  	[sflag:s26] =	ssyncset.done $0x0  }
0x48: {  	s0 =	simm.s32 $0x100;
	[sflag:s26] =	ssyncadd.s32 $0xFFFFC000  }
0x49: {  	[tilespmem:s17], [sflag:$0x2] =	stream.indirect.gather [spmem:s3], $0x80, s0, s22, $0xb8;
	[tilespmem:$0x1E440] =	vst v63  }
0x4a: {  	_ =	swait.ge [sflag:s23], $0x4000  }
0x4b: {  	[sflag:s23] =	ssyncset.done $0x0  }
0x4c: {  	s0 =	simm.s32 $0x1500;
	[sflag:s23] =	ssyncadd.s32 $0xFFFFC000  }
0x4d: {  	[spmem:s2] =	stream.indirect.scatter.add.f32 [tilespmem:s17], [sflag:$0x4], $0x80, s0, s22, $0xb8;
	[tilespmem:$0x1E440] =	vst v63  }
0x4e: {  	_ =	swait.ge [sflag:s28], $0x4000  }
0x4f: {  	[sflag:s28] =	ssyncset.done $0x0  }
0x50: {  	s31 =	simm.s32 $0xFFFFB800;
	s1 =	simm.s32 $0x180;
	[sflag:s28] =	ssyncadd.s32 $0xFFFFC000  }
.LBB2_2:
0x51: {  	[tilespmem:s24], [sflag:$0x3] =	stream.indirect.gather [spmem:s3], $0x80, s1, s22, $0xb8;
	[tilespmem:$0x1E440] =	vst v63  }
0x52: {  	s1 =	smov.u32 s31  }
0x53: {  	p1 =	sne.s32 s31, $0xFFFFFC00;
	s31 =	sadd.s32 $0x400, s31;
	_ =	swait.ge [sflag:s25], $0x4000  }
0x54: {  	s1 =	sshra.s32 s1, $0x2;
	[sflag:s25] =	ssyncset.done $0x0  }
0x55: {  	s0 =	sadd.s32 $0x2780, s1;
	[sflag:s25] =	ssyncadd.s32 $0xFFFFC000  }
0x56: {  	[spmem:s2] =	stream.indirect.scatter.add.f32 [tilespmem:s24], [sflag:$0x5], $0x80, s0, s22, $0xb8;
	[tilespmem:$0x1E440] =	vst v63  }
0x57: {  	_ =	swait.ge [sflag:s26], $0x4000  }
0x58: {  	[sflag:s26] =	ssyncset.done $0x0  }
0x59: {  	s0 =	sadd.s32 $0x1400, s1;
	[sflag:s26] =	ssyncadd.s32 $0xFFFFC000  }
0x5a: {  	[tilespmem:s17], [sflag:$0x2] =	stream.indirect.gather [spmem:s3], $0x80, s0, s22, $0xb8;
	[tilespmem:$0x1E440] =	vst v63  }
0x5b: {  	_ =	swait.ge [sflag:s23], $0x4000  }
0x5c: {  	[sflag:s23] =	ssyncset.done $0x0  }
.Ltmp0:
0x5d: {  	s0 =	sadd.s32 $0x2800, s1;
	[sflag:s23] =	ssyncadd.s32 $0xFFFFC000;
	(pc) =	sbr.rel @p1 .LBB2_2-.Ltmp0, $4  }
0x5e: {  	[spmem:s2] =	stream.indirect.scatter.add.f32 [tilespmem:s17], [sflag:$0x4], $0x80, s0, s22, $0xb8;
	[tilespmem:$0x1E440] =	vst v63  }
0x5f: {  	_ =	swait.ge [sflag:s28], $0x4000  }
0x60: {  	[sflag:s28] =	ssyncset.done $0x0  }
0x61: {  	s1 =	sadd.s32 $0x1480, s1;
	[sflag:s28] =	ssyncadd.s32 $0xFFFFC000  }
0x62: {  	[tilespmem:s24], [sflag:$0x3] =	stream.indirect.gather [spmem:s3], $0x80, s1, s22, $0xb8;
	[tilespmem:$0x1E440] =	vst v63  }
0x63: {  	_ =	swait.ge [sflag:s25], $0x4000  }
0x64: {  	[sflag:s25] =	ssyncset.done $0x0  }
0x65: {  	[sflag:s25] =	ssyncadd.s32 $0xFFFFC000  }
0x66: {  	[spmem:s2] =	stream.indirect.scatter.add.f32 [tilespmem:s24], [sflag:$0x5], $0x80, s29, s22, $0xb8;
	[tilespmem:$0x1E440] =	vst v63  }
0x67: {  	_ =	swait.ge [sflag:s26], $0x4000  }
0x68: {  	[sflag:s26] =	ssyncset.done $0x0  }
0x69: {  	[sflag:s26] =	ssyncadd.s32 $0xFFFFC000  }
0x6a: {  	s0 =	stileid.u32;
	_ =	swait.ge [sflag:s28], $0x4000  }
0x6b: {  	s31 =	sshrl.u32 s8, $0x3;
	s30 =	sadd.s32 $0x1, s30;
	[sflag:s28] =	ssyncset.done $0x0  }
0x6c: {  	s0 =	sshll.u32 s0, $0x6;
	p1 =	sne.s32 s30, s14;
	[sflag:s28] =	ssyncadd.s32 $0xFFFFC000  }
.Ltmp1:
0x6d: {  	s0 =	sor.u32 $0x1C06, s0;
	[bflag:$0x0] =	sbarrier.arrive $0xFFFF;
	(pc) =	sbr.rel @p1 .LBB2_1-.Ltmp1, $4  }
0x6e: {  	[hbm:s13], [sflag:s0] =	dma.local [spmem:s31], $0x1400  }
0x6f: {  	_ =	swait.ge [sflag:s15], $0x1400  }
0x70: {  	[sflag:s15] =	ssyncset.done $0x0  }
0x71: {  	[sflag:s15] =	ssyncadd.s32 $0xFFFFEC00  }
0x72: {  	_ =	sfence.sel $0x180000  }
0x73: {  	[bflag:$0x0] =	sbarrier.arrive $0xFFFF  }
0x74: {  	_ =	strace $0x9000004D  }
0x75: {  	s0 =	stileid.u32;
	[bflag:$0x2] =	sbarrier.arrive $0xFFFF  }
0x76: {  	p0 =	sne.s32 s0, $0x0;
	s0 =	rddreg [dreg:$0x4]  }
0x77: {  	s0 =	sadd.s32 @!p0 $0x100000, s0  }
0x78: {  	[sflag:s0] =	ssyncadd.tile.s32 @!p0 $0x1;
	_ =	shalt  }
.Lfunc_end2:
_tile_overlayer_lowered:
.L_overlay_start_2:
0x79: {  	(tag) =	ssettag $0x2  }
0x7a: {  	s0 =	rddreg [dreg:$0x0];
	s2 =	stileid.u32  }
0x7b: {  	s1 =	rddreg [dreg:$0x1];
	p0 =	sne.s32 s2, $0x0  }
0x7c: {  	s3 =	rddreg [dreg:$0x2];
	[bflag:$0x3] =	sbarrier.arrive $0xFFFF;
	s2 =	simm.s32 @!p0 $0x1C06  }
0x7d: {  	[timem:s3], [sflag:s2] =	dma.local @!p0 [hbm:s0], s1  }
0x7e: {  	s0 =	simm.s32 @!p0 $0x6  }
0x7f: {  	_ =	swait.ge @!p0 [sflag:s0], s1  }
0x80: {  	s1 =	ssub.s32 @!p0 $0x0, s1;
	[sflag:s0] =	ssyncset.done @!p0 $0x0  }
0x81: {  	[sflag:s0] =	ssyncadd.s32 @!p0 s1  }
0x82: {  	[bflag:$0x3] =	sbarrier.arrive $0xFFFF  }
0x83: {  	_ =	shalt  }

</sc_bundles>
